<compile_context>
chip_gen: v7x
topology: tpu7x:2x2x1
jax: 0.10.2.dev20260603
libtpu: 0.0.44.dev20260713+nightly
codegen_flags: <defaults>
</compile_context>

<pallas_src>
import jax
import jax.numpy as jnp
from jax import lax
from jax.experimental import pallas as pl
from jax.experimental.pallas import tpu as pltpu
from jax.experimental.pallas import tpu_sc as plsc

_B = 128
_N_ATOM = 100000
_N_X = 1024
_N_Y = 32768
_NW = 32
_YPW = _N_Y // _NW
_NVY = _YPW // 16
_APW = _N_ATOM // _NW
_SEGW = 3136
_NVSEG = _SEGW // 16


def _sc_body(xf_h, xb_h, y3_h, yb_h, seg_h, aty_h, y0c_h,
             colmin_out, part_out,
             xf_v, xb_v, xs_v, xe_v,
             yt_v, yb_v, colmin_v, seg_v, aty_v, y016_v,
             part_v, mrg_v, cm_v, sem,
             colmin_sh):
    cid = lax.axis_index("c")
    sid = lax.axis_index("s")
    wid = cid * 16 + sid

    alo = wid * _APW
    aw = pl.multiple_of(jnp.minimum(alo & -8, _N_ATOM - _SEGW), 8)

    cps = [
        pltpu.async_copy(xf_h, xf_v, sem),
        pltpu.async_copy(xb_h, xb_v, sem),
        pltpu.async_copy(y3_h.at[wid], yt_v, sem),
        pltpu.async_copy(yb_h.at[pl.ds(wid * _YPW, _YPW)], yb_v, sem),
        pltpu.async_copy(seg_h.at[pl.ds(aw, _SEGW)], seg_v, sem),
        pltpu.async_copy(aty_h.at[pl.ds(aw, _SEGW)], aty_v, sem),
        pltpu.async_copy(y0c_h, y016_v, sem),
    ]

    inf16 = jnp.full((16,), jnp.inf, jnp.float32)
    zero16 = jnp.zeros((16,), jnp.float32)
    lane = lax.iota(jnp.int32, 16)
    lane0 = lane == 0

    @plsc.parallel_loop(0, _N_X // 16, unroll=4)
    def _init_body(i):
        colmin_v[pl.ds(i * 16, 16)] = inf16

    for cp in cps:
        cp.wait()

    @plsc.parallel_loop(0, _B // 16, unroll=2)
    def bs_body(t):
        b = lane + t * 16
        lo = jnp.zeros((16,), jnp.int32)
        hi = jnp.full((16,), _N_X, jnp.int32)
        lo2 = jnp.zeros((16,), jnp.int32)
        hi2 = jnp.full((16,), _N_X, jnp.int32)
        for _unused in range(11):
            mid = jnp.minimum((lo + hi) >> 1, _N_X - 1)
            v = plsc.load_gather(xb_v, [mid])
            p = v < b
            lo = jnp.where(p, mid + 1, lo)
            hi = jnp.where(p, hi, mid)
            mid2 = jnp.minimum((lo2 + hi2) >> 1, _N_X - 1)
            v2 = plsc.load_gather(xb_v, [mid2])
            p2 = v2 <= b
            lo2 = jnp.where(p2, mid2 + 1, lo2)
            hi2 = jnp.where(p2, hi2, mid2)
        xs_v[pl.ds(t * 16, 16)] = lo
        xe_v[pl.ds(t * 16, 16)] = lo2

    def yblk(k, hub16):
        yb16 = yb_v[pl.ds(k * 16, 16)]
        y0 = yt_v[0, pl.ds(k * 16, 16)]
        y1 = yt_v[1, pl.ds(k * 16, 16)]
        y2 = yt_v[2, pl.ds(k * 16, 16)]
        s = plsc.load_gather(xs_v, [yb16])
        e = plsc.load_gather(xe_v, [yb16])
        jlo = jnp.min(s)
        jhi = jnp.max(e)

        @plsc.parallel_loop(jlo, jhi, unroll=2, carry=(inf16, jnp.zeros((16,), jnp.int32)))
        def inner(j, carry):
            best, bidx = carry
            j3 = jnp.full((16,), j * 3, jnp.int32)
            a0 = plsc.load_gather(xf_v, [j3])
            a1 = plsc.load_gather(xf_v, [j3 + 1])
            a2 = plsc.load_gather(xf_v, [j3 + 2])
            d0 = y0 - a0
            d1 = y1 - a1
            d2c = y2 - a2
            dd = d0 * d0 + d1 * d1 + d2c * d2c
            inb = (s <= j) & (j < e)
            ddm = jnp.where(inb, dd, jnp.inf)
            upd = ddm < best
            best = jnp.where(upd, ddm, best)
            bidx = jnp.where(upd, jnp.full((16,), j, jnp.int32), bidx)
            cm = jnp.min(ddm)
            j16 = jnp.full((16,), j, jnp.int32)
            cur = plsc.load_gather(colmin_v, [j16])
            plsc.store_scatter(colmin_v, [j16], jnp.minimum(cur, cm),
                               mask=lane0)
            return best, bidx

        best, bidx = inner
        b3 = bidx * 3
        xg0 = plsc.load_gather(xf_v, [b3])
        xg1 = plsc.load_gather(xf_v, [b3 + 1])
        xg2 = plsc.load_gather(xf_v, [b3 + 2])
        for yc, xg in ((y0, xg0), (y1, xg1), (y2, xg2)):
            err = yc - xg
            a = jnp.abs(err)
            hub16 = hub16 + jnp.where(a < 1.0, 0.5 * err * err, a - 0.5)
        return hub16

    hub16 = lax.fori_loop(0, _NVY, yblk, zero16)

    @plsc.parallel_loop(0, _NVSEG, unroll=4,
                        carry=(zero16, zero16, zero16))
    def dbody(k, carry):
        sp, spt, st = carry
        g = aw + k * 16 + lane
        m = (g >= alo) & (g < alo + _APW)
        z = seg_v[pl.ds(k * 16, 16)]
        p = 1.0 / (1.0 + jnp.exp(-z))
        t = aty_v[pl.ds(k * 16, 16)]
        return (sp + jnp.where(m, p, 0.0),
                spt + jnp.where(m, p * t, 0.0),
                st + jnp.where(m, t, 0.0))
    sp, spt, st = dbody

    part_v[pl.ds(0, 16)] = hub16
    part_v[pl.ds(16, 16)] = sp
    part_v[pl.ds(32, 16)] = spt
    part_v[pl.ds(48, 16)] = st
    pltpu.sync_copy(part_v, part_out.at[pl.ds(wid * 64, 64)])
    pltpu.sync_copy(colmin_v, colmin_sh.at[sid])
    plsc.subcore_barrier()

    for r in range(16):
        pltpu.sync_copy(colmin_sh.at[r, pl.ds(sid * 64, 64)],
                        mrg_v.at[pl.ds(r * 64, 64)])

    def mbody(r, carry):
        c0, c1, c2, c3 = carry
        c0 = jnp.minimum(c0, mrg_v[pl.ds(r * 64, 16)])
        c1 = jnp.minimum(c1, mrg_v[pl.ds(r * 64 + 16, 16)])
        c2 = jnp.minimum(c2, mrg_v[pl.ds(r * 64 + 32, 16)])
        c3 = jnp.minimum(c3, mrg_v[pl.ds(r * 64 + 48, 16)])
        return c0, c1, c2, c3
    cs = lax.fori_loop(0, 16, mbody, (inf16, inf16, inf16, inf16))

    y0c0 = plsc.load_gather(y016_v, [jnp.zeros((16,), jnp.int32)])
    y0c1 = plsc.load_gather(y016_v, [jnp.full((16,), 1, jnp.int32)])
    y0c2 = plsc.load_gather(y016_v, [jnp.full((16,), 2, jnp.int32)])
    for q in range(4):
        ci3 = (sid * 64 + q * 16 + lane) * 3
        g0 = plsc.load_gather(xf_v, [ci3])
        g1 = plsc.load_gather(xf_v, [ci3 + 1])
        g2 = plsc.load_gather(xf_v, [ci3 + 2])
        e0 = g0 - y0c0
        e1 = g1 - y0c1
        e2 = g2 - y0c2
        d2y0 = e0 * e0 + e1 * e1 + e2 * e2
        cq = jnp.where(jnp.isinf(cs[q]), d2y0, cs[q])
        cm_v[pl.ds(q * 16, 16)] = cq
    pltpu.sync_copy(cm_v, colmin_out.at[pl.ds(cid * _N_X + sid * 64, 64)])


def _fin_body(cm2, p2r, conf, out):
    cm = jnp.minimum(cm2[pl.ds(0, _N_X)], cm2[pl.ds(_N_X, _N_X)])
    dist = jnp.sqrt(cm)
    dc = conf[...] - dist.reshape(_N_X, 1)
    conf_loss = jnp.sum(dc * dc) / _N_X
    p2 = p2r[...]
    q = (lax.broadcasted_iota(jnp.int32, (_NW * 64,), 0) // 16) % 4
    hub = jnp.sum(jnp.where(q == 0, p2, 0.0))
    sp = jnp.sum(jnp.where(q == 1, p2, 0.0))
    spt = jnp.sum(jnp.where(q == 2, p2, 0.0))
    st = jnp.sum(jnp.where(q == 3, p2, 0.0))
    eps = 1e-6
    dice = 1.0 - (2.0 * spt + eps) / (sp + st + eps)
    out[...] = (hub / (_N_Y * 3.0) + dice + conf_loss).reshape(1, 1)


@jax.jit
def kernel(pred_seg, atom_y, pred_pos_global_node, bindingsite_center,
           preds_confidence, x_batch, y_batch):
    xf = pred_pos_global_node.reshape(-1)
    yt = bindingsite_center.T
    y3 = yt.reshape(3, _NW, _YPW).transpose(1, 0, 2)
    y0c16 = jnp.pad(yt[:, 0], (0, 13))
    seg = pred_seg.reshape(-1)

    f32 = jnp.float32
    i32 = jnp.int32
    sc = pl.kernel(
        _sc_body,
        out_type=(jax.ShapeDtypeStruct((2 * _N_X,), f32),
                  jax.ShapeDtypeStruct((_NW * 64,), f32)),
        mesh=plsc.VectorSubcoreMesh(core_axis_name="c", subcore_axis_name="s"),
        compiler_params=pltpu.CompilerParams(needs_layout_passes=False),
        scratch_types=[
            pltpu.VMEM((3 * _N_X,), f32),
            pltpu.VMEM((_N_X,), i32),
            pltpu.VMEM((_B,), i32),
            pltpu.VMEM((_B,), i32),
            pltpu.VMEM((3, _YPW), f32),
            pltpu.VMEM((_YPW,), i32),
            pltpu.VMEM((_N_X,), f32),
            pltpu.VMEM((_SEGW,), f32),
            pltpu.VMEM((_SEGW,), f32),
            pltpu.VMEM((16,), f32),
            pltpu.VMEM((64,), f32),
            pltpu.VMEM((1024,), f32),
            pltpu.VMEM((64,), f32),
            pltpu.SemaphoreType.DMA,
            pltpu.VMEM_SHARED((16, _N_X), f32),
        ],
    )
    colmin2, part2 = sc(xf, x_batch, y3, y_batch, seg, atom_y, y0c16)

    out = pl.pallas_call(
        _fin_body,
        out_shape=jax.ShapeDtypeStruct((1, 1), f32),
    )(colmin2, part2, preds_confidence)
    return out[0, 0]

# --- scband reference (transcript-rebuilt; emitter-appended) ---
"""Pipeline reference for scband-binding-sites-loss-91328184582714 (READ-ONLY COPY).

The authoritative reference and input builder live on the scoring server;
editing this copy changes nothing except your own understanding.
"""

import jax, jax.numpy as jnp
import numpy as np

B = 128
N_ATOM = 100000
N_X = 1024
N_Y = 32768


def knn_nearest(x, y, bx, by):
    # for each row of y, index of nearest row of x within the same batch (k=1)
    d2 = jnp.sum(y * y, axis=1)[:, None] + jnp.sum(x * x, axis=1)[None, :] - 2.0 * (y @ x.T)
    mask = by[:, None] == bx[None, :]
    d2 = jnp.where(mask, d2, jnp.inf)
    idx = jnp.argmin(d2, axis=1)
    return jnp.stack([jnp.arange(y.shape[0]), idx], axis=0)


def calc_group_var(v, batch, num_groups):
    ones = jnp.ones((v.shape[0],), v.dtype)
    cnt = jax.ops.segment_sum(ones, batch, num_segments=num_groups)
    s = jax.ops.segment_sum(v, batch, num_segments=num_groups)
    mean = s / jnp.clip(cnt, 1.0)[:, None]
    sq = jax.ops.segment_sum((v - mean[batch]) ** 2, batch, num_segments=num_groups)
    var = sq / jnp.clip(cnt - 1.0, 1.0)[:, None]
    return var


def huber(pred, target, delta=1.0):
    err = pred - target
    a = jnp.abs(err)
    l = jnp.where(a < delta, 0.5 * err * err, delta * (a - 0.5 * delta))
    return jnp.mean(l)


def dice_loss(pred, target, eps=1e-6):
    p = jax.nn.sigmoid(pred)
    inter = jnp.sum(p * target)
    return 1.0 - (2.0 * inter + eps) / (jnp.sum(p) + jnp.sum(target) + eps)


def setup_inputs(seed: int = 0):
    key = jax.random.key(seed)
    ks = jax.random.split(key, 8)
    return {
        "pred_seg": jax.random.normal(ks[0], (N_ATOM, 1), dtype=jnp.float32),
        "atom_y": jax.random.uniform(ks[1], (N_ATOM,), dtype=jnp.float32),
        "pred_pos_global_node": jax.random.normal(ks[2], (N_X, 3), dtype=jnp.float32),
        "bindingsite_center": jax.random.normal(ks[3], (N_Y, 3), dtype=jnp.float32),
        "preds_confidence": jax.random.uniform(ks[4], (N_X, 1), dtype=jnp.float32),
        "x_batch": jnp.sort(jax.random.randint(ks[5], (N_X,), 0, B, dtype=jnp.int32)),
        "y_batch": jnp.sort(jax.random.randint(ks[6], (N_Y,), 0, B, dtype=jnp.int32)),
    }


def reference(pred_seg, atom_y, pred_pos_global_node, bindingsite_center, preds_confidence, x_batch, y_batch):
    x = pred_pos_global_node
    y = bindingsite_center
    seg_loss = dice_loss(jnp.squeeze(pred_seg), atom_y)
    # knn(x=x, y=y, k=1): nearest global node for each binding-site center
    ai = knn_nearest(x, y, x_batch, y_batch)
    dists = jnp.linalg.norm(y[ai[0]] - x[ai[1]], axis=-1)
    global_node_pos_loss = huber(y[ai[0]], x[ai[1]])
    pos_var = calc_group_var(x, x_batch, B).mean()
    conf_var = calc_group_var(preds_confidence, x_batch, B).mean()
    # knn(x=y, y=x, k=1): nearest binding-site center for each global node
    ci = knn_nearest(y, x, y_batch, x_batch)
    dists_confidence = jax.lax.stop_gradient(jnp.linalg.norm(y[ci[1]] - x[ci[0]], axis=-1))
    confidence_loss = jnp.mean((jnp.squeeze(preds_confidence) - dists_confidence) ** 2)
    loss = global_node_pos_loss * 1.0 + seg_loss * 1.0 + confidence_loss * 1.0
    # auxiliary scalars (dist mean, variances) computed as in the original loss_dict
    return loss + 0.0 * (dists.mean() - dists.mean()) + 0.0 * (pos_var - pos_var) + 0.0 * (conf_var - conf_var)


if False:  # reference __main__ guard neutralized (emitter)
    out = reference(**setup_inputs())
    print(out)

if __name__ == "__main__":
    import jax
    _d = setup_inputs()
    print(jax.jit(kernel)(*tuple(_d.values())))

</pallas_src>

<mosaic_0001>
#map = affine_map<(d0, d1) -> (0)>
#map1 = affine_map<(d0, d1) -> (0, 0, 0)>
module attributes {stable_mosaic.version = 14 : i64} {
  func.func @_sc_body(%arg0: i32, %arg1: i32, %arg2: memref<3072xf32, #tpu.memory_space<hbm>>, %arg3: memref<1024xi32, #tpu.memory_space<hbm>>, %arg4: memref<32x3x1024xf32, #tpu.memory_space<hbm>>, %arg5: memref<32768xi32, #tpu.memory_space<hbm>>, %arg6: memref<100000xf32, #tpu.memory_space<hbm>>, %arg7: memref<100000xf32, #tpu.memory_space<hbm>>, %arg8: memref<16xf32, #tpu.memory_space<hbm>>, %arg9: memref<2048xf32, #tpu.memory_space<hbm>>, %arg10: memref<2048xf32, #tpu.memory_space<hbm>>, %arg11: memref<3072xf32, #tpu.memory_space<vmem>>, %arg12: memref<1024xi32, #tpu.memory_space<vmem>>, %arg13: memref<128xi32, #tpu.memory_space<vmem>>, %arg14: memref<128xi32, #tpu.memory_space<vmem>>, %arg15: memref<3x1024xf32, #tpu.memory_space<vmem>>, %arg16: memref<1024xi32, #tpu.memory_space<vmem>>, %arg17: memref<1024xf32, #tpu.memory_space<vmem>>, %arg18: memref<3136xf32, #tpu.memory_space<vmem>>, %arg19: memref<3136xf32, #tpu.memory_space<vmem>>, %arg20: memref<16xf32, #tpu.memory_space<vmem>>, %arg21: memref<64xf32, #tpu.memory_space<vmem>>, %arg22: memref<1024xf32, #tpu.memory_space<vmem>>, %arg23: memref<64xf32, #tpu.memory_space<vmem>>, %arg24: memref<!tpu.dma_semaphore, #tpu.memory_space<semaphore_mem>>, %arg25: memref<16x1024xf32, #tpu.memory_space<vmem_shared>>) attributes {dimension_semantics = [#tpu.dimension_semantics<core_parallel>, #tpu.dimension_semantics<subcore_parallel>], iteration_bounds = array<i64: 2, 16>, scalar_prefetch = 0 : i64, scratch_operands = 15 : i64, tpu.core_type = #tpu.core_type<sc_vector_subcore>, window_params = [{transform_indices = #map}, {transform_indices = #map}, {transform_indices = #map1}, {transform_indices = #map}, {transform_indices = #map}, {transform_indices = #map}, {transform_indices = #map}, {transform_indices = #map}, {transform_indices = #map}]} {
    %mul3A = arith.constant 16 : i32
    %mul3A_0 = arith.muli %arg0, %mul3A : i32
    %add3A = arith.addi %mul3A_0, %arg1 : i32
    %mul3A_1 = arith.constant 3125 : i32
    %mul3A_2 = arith.muli %add3A, %mul3A_1 : i32
    %and3A = arith.constant -8 : i32
    %and3A_3 = arith.andi %mul3A_2, %and3A : i32
    %min3A = arith.constant 96864 : i32
    %min3A_4 = arith.minsi %and3A_3, %min3A : i32
    %multiple_of3A = tpu.assume_multiple %min3A_4, 8 : i32
    tpu.enqueue_dma source(%arg2 : memref<3072xf32, #tpu.memory_space<hbm>>) target(%arg11 : memref<3072xf32, #tpu.memory_space<vmem>>) target_semaphore(%arg24 : memref<!tpu.dma_semaphore, #tpu.memory_space<semaphore_mem>>)
    tpu.enqueue_dma source(%arg3 : memref<1024xi32, #tpu.memory_space<hbm>>) target(%arg12 : memref<1024xi32, #tpu.memory_space<vmem>>) target_semaphore(%arg24 : memref<!tpu.dma_semaphore, #tpu.memory_space<semaphore_mem>>)
    %dma_start3A = arith.constant 0 : i32
    %dma_start3A_5 = arith.constant 0 : i32
    %dma_start3A_6 = tpu.memref_slice %arg4[%add3A, %dma_start3A, %dma_start3A_5] : memref<32x3x1024xf32, #tpu.memory_space<hbm>> -> memref<1x3x1024xf32, #tpu.memory_space<hbm>>
    %dma_start3A_7 = tpu.memref_squeeze %dma_start3A_6 : memref<1x3x1024xf32, #tpu.memory_space<hbm>> -> memref<3x1024xf32, #tpu.memory_space<hbm>>
    %dma_start3A_8 = arith.constant 0 : i32
    %dma_start3A_9 = arith.constant 0 : i32
    %dma_start3A_10 = tpu.memref_slice %arg4[%add3A, %dma_start3A_8, %dma_start3A_9] : memref<32x3x1024xf32, #tpu.memory_space<hbm>> -> memref<1x3x1024xf32, #tpu.memory_space<hbm>>
    %dma_start3A_11 = tpu.memref_squeeze %dma_start3A_10 : memref<1x3x1024xf32, #tpu.memory_space<hbm>> -> memref<3x1024xf32, #tpu.memory_space<hbm>>
    tpu.enqueue_dma source(%dma_start3A_11 : memref<3x1024xf32, #tpu.memory_space<hbm>>) target(%arg15 : memref<3x1024xf32, #tpu.memory_space<vmem>>) target_semaphore(%arg24 : memref<!tpu.dma_semaphore, #tpu.memory_space<semaphore_mem>>)
    %mul3A_12 = arith.constant 1024 : i32
    %mul3A_13 = arith.muli %add3A, %mul3A_12 : i32
    %dma_start3A_14 = tpu.memref_slice %arg5[%mul3A_13] : memref<32768xi32, #tpu.memory_space<hbm>> -> memref<1024xi32, #tpu.memory_space<hbm>>
    %dma_start3A_15 = tpu.memref_slice %arg5[%mul3A_13] : memref<32768xi32, #tpu.memory_space<hbm>> -> memref<1024xi32, #tpu.memory_space<hbm>>
    tpu.enqueue_dma source(%dma_start3A_15 : memref<1024xi32, #tpu.memory_space<hbm>>) target(%arg16 : memref<1024xi32, #tpu.memory_space<vmem>>) target_semaphore(%arg24 : memref<!tpu.dma_semaphore, #tpu.memory_space<semaphore_mem>>)
    %dma_start3A_16 = tpu.memref_slice %arg6[%multiple_of3A] : memref<100000xf32, #tpu.memory_space<hbm>> -> memref<3136xf32, #tpu.memory_space<hbm>>
    %dma_start3A_17 = tpu.memref_slice %arg6[%multiple_of3A] : memref<100000xf32, #tpu.memory_space<hbm>> -> memref<3136xf32, #tpu.memory_space<hbm>>
    tpu.enqueue_dma source(%dma_start3A_17 : memref<3136xf32, #tpu.memory_space<hbm>>) target(%arg18 : memref<3136xf32, #tpu.memory_space<vmem>>) target_semaphore(%arg24 : memref<!tpu.dma_semaphore, #tpu.memory_space<semaphore_mem>>)
    %dma_start3A_18 = tpu.memref_slice %arg7[%multiple_of3A] : memref<100000xf32, #tpu.memory_space<hbm>> -> memref<3136xf32, #tpu.memory_space<hbm>>
    %dma_start3A_19 = tpu.memref_slice %arg7[%multiple_of3A] : memref<100000xf32, #tpu.memory_space<hbm>> -> memref<3136xf32, #tpu.memory_space<hbm>>
    tpu.enqueue_dma source(%dma_start3A_19 : memref<3136xf32, #tpu.memory_space<hbm>>) target(%arg19 : memref<3136xf32, #tpu.memory_space<vmem>>) target_semaphore(%arg24 : memref<!tpu.dma_semaphore, #tpu.memory_space<semaphore_mem>>)
    tpu.enqueue_dma source(%arg8 : memref<16xf32, #tpu.memory_space<hbm>>) target(%arg20 : memref<16xf32, #tpu.memory_space<vmem>>) target_semaphore(%arg24 : memref<!tpu.dma_semaphore, #tpu.memory_space<semaphore_mem>>)
    %broadcast_in_dim3A = arith.constant 0x7F800000 : f32
    %broadcast_in_dim3A_20 = vector.broadcast %broadcast_in_dim3A : f32 to vector<16xf32>
    %broadcast_in_dim3A_21 = arith.constant 0.000000e+00 : f32
    %broadcast_in_dim3A_22 = vector.broadcast %broadcast_in_dim3A_21 : f32 to vector<16xf32>
    %iota3A = tpu.iota {dimensions = array<i32: 0>} : vector<16xi32>
    %eq3A = arith.constant 0 : i32
    %eq3A_23 = vector.broadcast %eq3A : i32 to vector<16xi32>
    %eq3A_24 = arith.cmpi eq, %iota3A, %eq3A_23 : vector<16xi32>
    %parallel_loop3A = arith.constant 0 : i32
    %parallel_loop3A_25 = arith.constant 64 : i32
    %parallel_loop3A_26 = arith.constant 1 : i32
    scf.for %parallel_loop3A_256 = %parallel_loop3A to %parallel_loop3A_25 step %parallel_loop3A_26  : i32 {
      %parallel_loop3A_257 = arith.constant 16 : i32
      %parallel_loop3A_258 = arith.muli %parallel_loop3A_256, %parallel_loop3A_257 : i32
      %parallel_loop3A_259 = arith.index_cast %parallel_loop3A_258 : i32 to index
      %parallel_loop3A_260 = tpu.vector_load %arg17[%parallel_loop3A_259] {strides = array<i32>} : memref<1024xf32, #tpu.memory_space<vmem>>, vector<16xf32>,
      tpu.vector_store %arg17[%parallel_loop3A_259], %broadcast_in_dim3A_20 {strides = array<i32>} : memref<1024xf32, #tpu.memory_space<vmem>>, vector<16xf32>,
    } {sc.loop_unroll_factor = 4 : i64, sc.parallel_access}
    tpu.wait_dma2 semaphore(%arg24 : memref<!tpu.dma_semaphore, #tpu.memory_space<semaphore_mem>>) src(%arg2 : memref<3072xf32, #tpu.memory_space<hbm>>) dst(%arg11 : memref<3072xf32, #tpu.memory_space<vmem>>)
    tpu.wait_dma2 semaphore(%arg24 : memref<!tpu.dma_semaphore, #tpu.memory_space<semaphore_mem>>) src(%arg3 : memref<1024xi32, #tpu.memory_space<hbm>>) dst(%arg12 : memref<1024xi32, #tpu.memory_space<vmem>>)
    %dma_wait3A = arith.constant 0 : i32
    %dma_wait3A_27 = arith.constant 0 : i32
    %dma_wait3A_28 = tpu.memref_slice %arg4[%add3A, %dma_wait3A, %dma_wait3A_27] : memref<32x3x1024xf32, #tpu.memory_space<hbm>> -> memref<1x3x1024xf32, #tpu.memory_space<hbm>>
    %dma_wait3A_29 = tpu.memref_squeeze %dma_wait3A_28 : memref<1x3x1024xf32, #tpu.memory_space<hbm>> -> memref<3x1024xf32, #tpu.memory_space<hbm>>
    %dma_wait3A_30 = arith.constant 0 : i32
    %dma_wait3A_31 = arith.constant 0 : i32
    %dma_wait3A_32 = tpu.memref_slice %arg4[%add3A, %dma_wait3A_30, %dma_wait3A_31] : memref<32x3x1024xf32, #tpu.memory_space<hbm>> -> memref<1x3x1024xf32, #tpu.memory_space<hbm>>
    %dma_wait3A_33 = tpu.memref_squeeze %dma_wait3A_32 : memref<1x3x1024xf32, #tpu.memory_space<hbm>> -> memref<3x1024xf32, #tpu.memory_space<hbm>>
    tpu.wait_dma2 semaphore(%arg24 : memref<!tpu.dma_semaphore, #tpu.memory_space<semaphore_mem>>) src(%dma_wait3A_33 : memref<3x1024xf32, #tpu.memory_space<hbm>>) dst(%arg15 : memref<3x1024xf32, #tpu.memory_space<vmem>>)
    %dma_wait3A_34 = tpu.memref_slice %arg5[%mul3A_13] : memref<32768xi32, #tpu.memory_space<hbm>> -> memref<1024xi32, #tpu.memory_space<hbm>>
    %dma_wait3A_35 = tpu.memref_slice %arg5[%mul3A_13] : memref<32768xi32, #tpu.memory_space<hbm>> -> memref<1024xi32, #tpu.memory_space<hbm>>
    tpu.wait_dma2 semaphore(%arg24 : memref<!tpu.dma_semaphore, #tpu.memory_space<semaphore_mem>>) src(%dma_wait3A_35 : memref<1024xi32, #tpu.memory_space<hbm>>) dst(%arg16 : memref<1024xi32, #tpu.memory_space<vmem>>)
    %dma_wait3A_36 = tpu.memref_slice %arg6[%multiple_of3A] : memref<100000xf32, #tpu.memory_space<hbm>> -> memref<3136xf32, #tpu.memory_space<hbm>>
    %dma_wait3A_37 = tpu.memref_slice %arg6[%multiple_of3A] : memref<100000xf32, #tpu.memory_space<hbm>> -> memref<3136xf32, #tpu.memory_space<hbm>>
    tpu.wait_dma2 semaphore(%arg24 : memref<!tpu.dma_semaphore, #tpu.memory_space<semaphore_mem>>) src(%dma_wait3A_37 : memref<3136xf32, #tpu.memory_space<hbm>>) dst(%arg18 : memref<3136xf32, #tpu.memory_space<vmem>>)
    %dma_wait3A_38 = tpu.memref_slice %arg7[%multiple_of3A] : memref<100000xf32, #tpu.memory_space<hbm>> -> memref<3136xf32, #tpu.memory_space<hbm>>
    %dma_wait3A_39 = tpu.memref_slice %arg7[%multiple_of3A] : memref<100000xf32, #tpu.memory_space<hbm>> -> memref<3136xf32, #tpu.memory_space<hbm>>
    tpu.wait_dma2 semaphore(%arg24 : memref<!tpu.dma_semaphore, #tpu.memory_space<semaphore_mem>>) src(%dma_wait3A_39 : memref<3136xf32, #tpu.memory_space<hbm>>) dst(%arg19 : memref<3136xf32, #tpu.memory_space<vmem>>)
    tpu.wait_dma2 semaphore(%arg24 : memref<!tpu.dma_semaphore, #tpu.memory_space<semaphore_mem>>) src(%arg8 : memref<16xf32, #tpu.memory_space<hbm>>) dst(%arg20 : memref<16xf32, #tpu.memory_space<vmem>>)
    %parallel_loop3A_40 = arith.constant 0 : i32
    %parallel_loop3A_41 = arith.constant 8 : i32
    %parallel_loop3A_42 = arith.constant 1 : i32
    scf.for %parallel_loop3A_256 = %parallel_loop3A_40 to %parallel_loop3A_41 step %parallel_loop3A_42  : i32 {
      %parallel_loop3A_257 = arith.constant 16 : i32
      %parallel_loop3A_258 = arith.muli %parallel_loop3A_256, %parallel_loop3A_257 : i32
      %parallel_loop3A_259 = vector.broadcast %parallel_loop3A_258 : i32 to vector<16xi32>
      %parallel_loop3A_260 = arith.addi %iota3A, %parallel_loop3A_259 : vector<16xi32>
      %parallel_loop3A_261 = arith.constant 0 : i32
      %parallel_loop3A_262 = vector.broadcast %parallel_loop3A_261 : i32 to vector<16xi32>
      %parallel_loop3A_263 = arith.constant 1024 : i32
      %parallel_loop3A_264 = vector.broadcast %parallel_loop3A_263 : i32 to vector<16xi32>
      %parallel_loop3A_265 = arith.constant 0 : i32
      %parallel_loop3A_266 = vector.broadcast %parallel_loop3A_265 : i32 to vector<16xi32>
      %parallel_loop3A_267 = arith.constant 1024 : i32
      %parallel_loop3A_268 = vector.broadcast %parallel_loop3A_267 : i32 to vector<16xi32>
      %parallel_loop3A_269 = arith.addi %parallel_loop3A_262, %parallel_loop3A_264 : vector<16xi32>
      %parallel_loop3A_270 = arith.constant 1 : i32
      %parallel_loop3A_271 = vector.broadcast %parallel_loop3A_270 : i32 to vector<16xi32>
      %parallel_loop3A_272 = arith.shrsi %parallel_loop3A_269, %parallel_loop3A_271 : vector<16xi32>
      %parallel_loop3A_273 = arith.constant 1023 : i32
      %parallel_loop3A_274 = vector.broadcast %parallel_loop3A_273 : i32 to vector<16xi32>
      %parallel_loop3A_275 = arith.minsi %parallel_loop3A_272, %parallel_loop3A_274 : vector<16xi32>
      %parallel_loop3A_276 = tpu.vector_load_idx %arg12[%parallel_loop3A_275] : memref<1024xi32, #tpu.memory_space<vmem>>[vector<16xi32>], vector<16xi32>,
      %parallel_loop3A_277 = arith.cmpi slt, %parallel_loop3A_276, %parallel_loop3A_260 : vector<16xi32>
      %parallel_loop3A_278 = arith.constant 1 : i32
      %parallel_loop3A_279 = vector.broadcast %parallel_loop3A_278 : i32 to vector<16xi32>
      %parallel_loop3A_280 = arith.addi %parallel_loop3A_275, %parallel_loop3A_279 : vector<16xi32>
      %parallel_loop3A_281 = arith.select %parallel_loop3A_277, %parallel_loop3A_280, %parallel_loop3A_262 : vector<16xi1>, vector<16xi32>
      %parallel_loop3A_282 = arith.select %parallel_loop3A_277, %parallel_loop3A_264, %parallel_loop3A_275 : vector<16xi1>, vector<16xi32>
      %parallel_loop3A_283 = arith.addi %parallel_loop3A_266, %parallel_loop3A_268 : vector<16xi32>
      %parallel_loop3A_284 = arith.constant 1 : i32
      %parallel_loop3A_285 = vector.broadcast %parallel_loop3A_284 : i32 to vector<16xi32>
      %parallel_loop3A_286 = arith.shrsi %parallel_loop3A_283, %parallel_loop3A_285 : vector<16xi32>
      %parallel_loop3A_287 = arith.constant 1023 : i32
      %parallel_loop3A_288 = vector.broadcast %parallel_loop3A_287 : i32 to vector<16xi32>
      %parallel_loop3A_289 = arith.minsi %parallel_loop3A_286, %parallel_loop3A_288 : vector<16xi32>
      %parallel_loop3A_290 = tpu.vector_load_idx %arg12[%parallel_loop3A_289] : memref<1024xi32, #tpu.memory_space<vmem>>[vector<16xi32>], vector<16xi32>,
      %parallel_loop3A_291 = arith.cmpi sle, %parallel_loop3A_290, %parallel_loop3A_260 : vector<16xi32>
      %parallel_loop3A_292 = arith.constant 1 : i32
      %parallel_loop3A_293 = vector.broadcast %parallel_loop3A_292 : i32 to vector<16xi32>
      %parallel_loop3A_294 = arith.addi %parallel_loop3A_289, %parallel_loop3A_293 : vector<16xi32>
      %parallel_loop3A_295 = arith.select %parallel_loop3A_291, %parallel_loop3A_294, %parallel_loop3A_266 : vector<16xi1>, vector<16xi32>
      %parallel_loop3A_296 = arith.select %parallel_loop3A_291, %parallel_loop3A_268, %parallel_loop3A_289 : vector<16xi1>, vector<16xi32>
      %parallel_loop3A_297 = arith.addi %parallel_loop3A_281, %parallel_loop3A_282 : vector<16xi32>
      %parallel_loop3A_298 = arith.constant 1 : i32
      %parallel_loop3A_299 = vector.broadcast %parallel_loop3A_298 : i32 to vector<16xi32>
      %parallel_loop3A_300 = arith.shrsi %parallel_loop3A_297, %parallel_loop3A_299 : vector<16xi32>
      %parallel_loop3A_301 = arith.constant 1023 : i32
      %parallel_loop3A_302 = vector.broadcast %parallel_loop3A_301 : i32 to vector<16xi32>
      %parallel_loop3A_303 = arith.minsi %parallel_loop3A_300, %parallel_loop3A_302 : vector<16xi32>
      %parallel_loop3A_304 = tpu.vector_load_idx %arg12[%parallel_loop3A_303] : memref<1024xi32, #tpu.memory_space<vmem>>[vector<16xi32>], vector<16xi32>,
      %parallel_loop3A_305 = arith.cmpi slt, %parallel_loop3A_304, %parallel_loop3A_260 : vector<16xi32>
      %parallel_loop3A_306 = arith.constant 1 : i32
      %parallel_loop3A_307 = vector.broadcast %parallel_loop3A_306 : i32 to vector<16xi32>
      %parallel_loop3A_308 = arith.addi %parallel_loop3A_303, %parallel_loop3A_307 : vector<16xi32>
      %parallel_loop3A_309 = arith.select %parallel_loop3A_305, %parallel_loop3A_308, %parallel_loop3A_281 : vector<16xi1>, vector<16xi32>
      %parallel_loop3A_310 = arith.select %parallel_loop3A_305, %parallel_loop3A_282, %parallel_loop3A_303 : vector<16xi1>, vector<16xi32>
      %parallel_loop3A_311 = arith.addi %parallel_loop3A_295, %parallel_loop3A_296 : vector<16xi32>
      %parallel_loop3A_312 = arith.constant 1 : i32
      %parallel_loop3A_313 = vector.broadcast %parallel_loop3A_312 : i32 to vector<16xi32>
      %parallel_loop3A_314 = arith.shrsi %parallel_loop3A_311, %parallel_loop3A_313 : vector<16xi32>
      %parallel_loop3A_315 = arith.constant 1023 : i32
      %parallel_loop3A_316 = vector.broadcast %parallel_loop3A_315 : i32 to vector<16xi32>
      %parallel_loop3A_317 = arith.minsi %parallel_loop3A_314, %parallel_loop3A_316 : vector<16xi32>
      %parallel_loop3A_318 = tpu.vector_load_idx %arg12[%parallel_loop3A_317] : memref<1024xi32, #tpu.memory_space<vmem>>[vector<16xi32>], vector<16xi32>,
      %parallel_loop3A_319 = arith.cmpi sle, %parallel_loop3A_318, %parallel_loop3A_260 : vector<16xi32>
      %parallel_loop3A_320 = arith.constant 1 : i32
      %parallel_loop3A_321 = vector.broadcast %parallel_loop3A_320 : i32 to vector<16xi32>
      %parallel_loop3A_322 = arith.addi %parallel_loop3A_317, %parallel_loop3A_321 : vector<16xi32>
      %parallel_loop3A_323 = arith.select %parallel_loop3A_319, %parallel_loop3A_322, %parallel_loop3A_295 : vector<16xi1>, vector<16xi32>
      %parallel_loop3A_324 = arith.select %parallel_loop3A_319, %parallel_loop3A_296, %parallel_loop3A_317 : vector<16xi1>, vector<16xi32>
      %parallel_loop3A_325 = arith.addi %parallel_loop3A_309, %parallel_loop3A_310 : vector<16xi32>
      %parallel_loop3A_326 = arith.constant 1 : i32
      %parallel_loop3A_327 = vector.broadcast %parallel_loop3A_326 : i32 to vector<16xi32>
      %parallel_loop3A_328 = arith.shrsi %parallel_loop3A_325, %parallel_loop3A_327 : vector<16xi32>
      %parallel_loop3A_329 = arith.constant 1023 : i32
      %parallel_loop3A_330 = vector.broadcast %parallel_loop3A_329 : i32 to vector<16xi32>
      %parallel_loop3A_331 = arith.minsi %parallel_loop3A_328, %parallel_loop3A_330 : vector<16xi32>
      %parallel_loop3A_332 = tpu.vector_load_idx %arg12[%parallel_loop3A_331] : memref<1024xi32, #tpu.memory_space<vmem>>[vector<16xi32>], vector<16xi32>,
      %parallel_loop3A_333 = arith.cmpi slt, %parallel_loop3A_332, %parallel_loop3A_260 : vector<16xi32>
      %parallel_loop3A_334 = arith.constant 1 : i32
      %parallel_loop3A_335 = vector.broadcast %parallel_loop3A_334 : i32 to vector<16xi32>
      %parallel_loop3A_336 = arith.addi %parallel_loop3A_331, %parallel_loop3A_335 : vector<16xi32>
      %parallel_loop3A_337 = arith.select %parallel_loop3A_333, %parallel_loop3A_336, %parallel_loop3A_309 : vector<16xi1>, vector<16xi32>
      %parallel_loop3A_338 = arith.select %parallel_loop3A_333, %parallel_loop3A_310, %parallel_loop3A_331 : vector<16xi1>, vector<16xi32>
      %parallel_loop3A_339 = arith.addi %parallel_loop3A_323, %parallel_loop3A_324 : vector<16xi32>
      %parallel_loop3A_340 = arith.constant 1 : i32
      %parallel_loop3A_341 = vector.broadcast %parallel_loop3A_340 : i32 to vector<16xi32>
      %parallel_loop3A_342 = arith.shrsi %parallel_loop3A_339, %parallel_loop3A_341 : vector<16xi32>
      %parallel_loop3A_343 = arith.constant 1023 : i32
      %parallel_loop3A_344 = vector.broadcast %parallel_loop3A_343 : i32 to vector<16xi32>
      %parallel_loop3A_345 = arith.minsi %parallel_loop3A_342, %parallel_loop3A_344 : vector<16xi32>
      %parallel_loop3A_346 = tpu.vector_load_idx %arg12[%parallel_loop3A_345] : memref<1024xi32, #tpu.memory_space<vmem>>[vector<16xi32>], vector<16xi32>,
      %parallel_loop3A_347 = arith.cmpi sle, %parallel_loop3A_346, %parallel_loop3A_260 : vector<16xi32>
      %parallel_loop3A_348 = arith.constant 1 : i32
      %parallel_loop3A_349 = vector.broadcast %parallel_loop3A_348 : i32 to vector<16xi32>
      %parallel_loop3A_350 = arith.addi %parallel_loop3A_345, %parallel_loop3A_349 : vector<16xi32>
      %parallel_loop3A_351 = arith.select %parallel_loop3A_347, %parallel_loop3A_350, %parallel_loop3A_323 : vector<16xi1>, vector<16xi32>
      %parallel_loop3A_352 = arith.select %parallel_loop3A_347, %parallel_loop3A_324, %parallel_loop3A_345 : vector<16xi1>, vector<16xi32>
      %parallel_loop3A_353 = arith.addi %parallel_loop3A_337, %parallel_loop3A_338 : vector<16xi32>
      %parallel_loop3A_354 = arith.constant 1 : i32
      %parallel_loop3A_355 = vector.broadcast %parallel_loop3A_354 : i32 to vector<16xi32>
      %parallel_loop3A_356 = arith.shrsi %parallel_loop3A_353, %parallel_loop3A_355 : vector<16xi32>
      %parallel_loop3A_357 = arith.constant 1023 : i32
      %parallel_loop3A_358 = vector.broadcast %parallel_loop3A_357 : i32 to vector<16xi32>
      %parallel_loop3A_359 = arith.minsi %parallel_loop3A_356, %parallel_loop3A_358 : vector<16xi32>
      %parallel_loop3A_360 = tpu.vector_load_idx %arg12[%parallel_loop3A_359] : memref<1024xi32, #tpu.memory_space<vmem>>[vector<16xi32>], vector<16xi32>,
      %parallel_loop3A_361 = arith.cmpi slt, %parallel_loop3A_360, %parallel_loop3A_260 : vector<16xi32>
      %parallel_loop3A_362 = arith.constant 1 : i32
      %parallel_loop3A_363 = vector.broadcast %parallel_loop3A_362 : i32 to vector<16xi32>
      %parallel_loop3A_364 = arith.addi %parallel_loop3A_359, %parallel_loop3A_363 : vector<16xi32>
      %parallel_loop3A_365 = arith.select %parallel_loop3A_361, %parallel_loop3A_364, %parallel_loop3A_337 : vector<16xi1>, vector<16xi32>
      %parallel_loop3A_366 = arith.select %parallel_loop3A_361, %parallel_loop3A_338, %parallel_loop3A_359 : vector<16xi1>, vector<16xi32>
      %parallel_loop3A_367 = arith.addi %parallel_loop3A_351, %parallel_loop3A_352 : vector<16xi32>
      %parallel_loop3A_368 = arith.constant 1 : i32
      %parallel_loop3A_369 = vector.broadcast %parallel_loop3A_368 : i32 to vector<16xi32>
      %parallel_loop3A_370 = arith.shrsi %parallel_loop3A_367, %parallel_loop3A_369 : vector<16xi32>
      %parallel_loop3A_371 = arith.constant 1023 : i32
      %parallel_loop3A_372 = vector.broadcast %parallel_loop3A_371 : i32 to vector<16xi32>
      %parallel_loop3A_373 = arith.minsi %parallel_loop3A_370, %parallel_loop3A_372 : vector<16xi32>
      %parallel_loop3A_374 = tpu.vector_load_idx %arg12[%parallel_loop3A_373] : memref<1024xi32, #tpu.memory_space<vmem>>[vector<16xi32>], vector<16xi32>,
      %parallel_loop3A_375 = arith.cmpi sle, %parallel_loop3A_374, %parallel_loop3A_260 : vector<16xi32>
      %parallel_loop3A_376 = arith.constant 1 : i32
      %parallel_loop3A_377 = vector.broadcast %parallel_loop3A_376 : i32 to vector<16xi32>
      %parallel_loop3A_378 = arith.addi %parallel_loop3A_373, %parallel_loop3A_377 : vector<16xi32>
      %parallel_loop3A_379 = arith.select %parallel_loop3A_375, %parallel_loop3A_378, %parallel_loop3A_351 : vector<16xi1>, vector<16xi32>
      %parallel_loop3A_380 = arith.select %parallel_loop3A_375, %parallel_loop3A_352, %parallel_loop3A_373 : vector<16xi1>, vector<16xi32>
      %parallel_loop3A_381 = arith.addi %parallel_loop3A_365, %parallel_loop3A_366 : vector<16xi32>
      %parallel_loop3A_382 = arith.constant 1 : i32
      %parallel_loop3A_383 = vector.broadcast %parallel_loop3A_382 : i32 to vector<16xi32>
      %parallel_loop3A_384 = arith.shrsi %parallel_loop3A_381, %parallel_loop3A_383 : vector<16xi32>
      %parallel_loop3A_385 = arith.constant 1023 : i32
      %parallel_loop3A_386 = vector.broadcast %parallel_loop3A_385 : i32 to vector<16xi32>
      %parallel_loop3A_387 = arith.minsi %parallel_loop3A_384, %parallel_loop3A_386 : vector<16xi32>
      %parallel_loop3A_388 = tpu.vector_load_idx %arg12[%parallel_loop3A_387] : memref<1024xi32, #tpu.memory_space<vmem>>[vector<16xi32>], vector<16xi32>,
      %parallel_loop3A_389 = arith.cmpi slt, %parallel_loop3A_388, %parallel_loop3A_260 : vector<16xi32>
      %parallel_loop3A_390 = arith.constant 1 : i32
      %parallel_loop3A_391 = vector.broadcast %parallel_loop3A_390 : i32 to vector<16xi32>
      %parallel_loop3A_392 = arith.addi %parallel_loop3A_387, %parallel_loop3A_391 : vector<16xi32>
      %parallel_loop3A_393 = arith.select %parallel_loop3A_389, %parallel_loop3A_392, %parallel_loop3A_365 : vector<16xi1>, vector<16xi32>
      %parallel_loop3A_394 = arith.select %parallel_loop3A_389, %parallel_loop3A_366, %parallel_loop3A_387 : vector<16xi1>, vector<16xi32>
      %parallel_loop3A_395 = arith.addi %parallel_loop3A_379, %parallel_loop3A_380 : vector<16xi32>
      %parallel_loop3A_396 = arith.constant 1 : i32
      %parallel_loop3A_397 = vector.broadcast %parallel_loop3A_396 : i32 to vector<16xi32>
      %parallel_loop3A_398 = arith.shrsi %parallel_loop3A_395, %parallel_loop3A_397 : vector<16xi32>
      %parallel_loop3A_399 = arith.constant 1023 : i32
      %parallel_loop3A_400 = vector.broadcast %parallel_loop3A_399 : i32 to vector<16xi32>
      %parallel_loop3A_401 = arith.minsi %parallel_loop3A_398, %parallel_loop3A_400 : vector<16xi32>
      %parallel_loop3A_402 = tpu.vector_load_idx %arg12[%parallel_loop3A_401] : memref<1024xi32, #tpu.memory_space<vmem>>[vector<16xi32>], vector<16xi32>,
      %parallel_loop3A_403 = arith.cmpi sle, %parallel_loop3A_402, %parallel_loop3A_260 : vector<16xi32>
      %parallel_loop3A_404 = arith.constant 1 : i32
      %parallel_loop3A_405 = vector.broadcast %parallel_loop3A_404 : i32 to vector<16xi32>
      %parallel_loop3A_406 = arith.addi %parallel_loop3A_401, %parallel_loop3A_405 : vector<16xi32>
      %parallel_loop3A_407 = arith.select %parallel_loop3A_403, %parallel_loop3A_406, %parallel_loop3A_379 : vector<16xi1>, vector<16xi32>
      %parallel_loop3A_408 = arith.select %parallel_loop3A_403, %parallel_loop3A_380, %parallel_loop3A_401 : vector<16xi1>, vector<16xi32>
      %parallel_loop3A_409 = arith.addi %parallel_loop3A_393, %parallel_loop3A_394 : vector<16xi32>
      %parallel_loop3A_410 = arith.constant 1 : i32
      %parallel_loop3A_411 = vector.broadcast %parallel_loop3A_410 : i32 to vector<16xi32>
      %parallel_loop3A_412 = arith.shrsi %parallel_loop3A_409, %parallel_loop3A_411 : vector<16xi32>
      %parallel_loop3A_413 = arith.constant 1023 : i32
      %parallel_loop3A_414 = vector.broadcast %parallel_loop3A_413 : i32 to vector<16xi32>
      %parallel_loop3A_415 = arith.minsi %parallel_loop3A_412, %parallel_loop3A_414 : vector<16xi32>
      %parallel_loop3A_416 = tpu.vector_load_idx %arg12[%parallel_loop3A_415] : memref<1024xi32, #tpu.memory_space<vmem>>[vector<16xi32>], vector<16xi32>,
      %parallel_loop3A_417 = arith.cmpi slt, %parallel_loop3A_416, %parallel_loop3A_260 : vector<16xi32>
      %parallel_loop3A_418 = arith.constant 1 : i32
      %parallel_loop3A_419 = vector.broadcast %parallel_loop3A_418 : i32 to vector<16xi32>
      %parallel_loop3A_420 = arith.addi %parallel_loop3A_415, %parallel_loop3A_419 : vector<16xi32>
      %parallel_loop3A_421 = arith.select %parallel_loop3A_417, %parallel_loop3A_420, %parallel_loop3A_393 : vector<16xi1>, vector<16xi32>
      %parallel_loop3A_422 = arith.select %parallel_loop3A_417, %parallel_loop3A_394, %parallel_loop3A_415 : vector<16xi1>, vector<16xi32>
      %parallel_loop3A_423 = arith.addi %parallel_loop3A_407, %parallel_loop3A_408 : vector<16xi32>
      %parallel_loop3A_424 = arith.constant 1 : i32
      %parallel_loop3A_425 = vector.broadcast %parallel_loop3A_424 : i32 to vector<16xi32>
      %parallel_loop3A_426 = arith.shrsi %parallel_loop3A_423, %parallel_loop3A_425 : vector<16xi32>
      %parallel_loop3A_427 = arith.constant 1023 : i32
      %parallel_loop3A_428 = vector.broadcast %parallel_loop3A_427 : i32 to vector<16xi32>
      %parallel_loop3A_429 = arith.minsi %parallel_loop3A_426, %parallel_loop3A_428 : vector<16xi32>
      %parallel_loop3A_430 = tpu.vector_load_idx %arg12[%parallel_loop3A_429] : memref<1024xi32, #tpu.memory_space<vmem>>[vector<16xi32>], vector<16xi32>,
      %parallel_loop3A_431 = arith.cmpi sle, %parallel_loop3A_430, %parallel_loop3A_260 : vector<16xi32>
      %parallel_loop3A_432 = arith.constant 1 : i32
      %parallel_loop3A_433 = vector.broadcast %parallel_loop3A_432 : i32 to vector<16xi32>
      %parallel_loop3A_434 = arith.addi %parallel_loop3A_429, %parallel_loop3A_433 : vector<16xi32>
      %parallel_loop3A_435 = arith.select %parallel_loop3A_431, %parallel_loop3A_434, %parallel_loop3A_407 : vector<16xi1>, vector<16xi32>
      %parallel_loop3A_436 = arith.select %parallel_loop3A_431, %parallel_loop3A_408, %parallel_loop3A_429 : vector<16xi1>, vector<16xi32>
      %parallel_loop3A_437 = arith.addi %parallel_loop3A_421, %parallel_loop3A_422 : vector<16xi32>
      %parallel_loop3A_438 = arith.constant 1 : i32
      %parallel_loop3A_439 = vector.broadcast %parallel_loop3A_438 : i32 to vector<16xi32>
      %parallel_loop3A_440 = arith.shrsi %parallel_loop3A_437, %parallel_loop3A_439 : vector<16xi32>
      %parallel_loop3A_441 = arith.constant 1023 : i32
      %parallel_loop3A_442 = vector.broadcast %parallel_loop3A_441 : i32 to vector<16xi32>
      %parallel_loop3A_443 = arith.minsi %parallel_loop3A_440, %parallel_loop3A_442 : vector<16xi32>
      %parallel_loop3A_444 = tpu.vector_load_idx %arg12[%parallel_loop3A_443] : memref<1024xi32, #tpu.memory_space<vmem>>[vector<16xi32>], vector<16xi32>,
      %parallel_loop3A_445 = arith.cmpi slt, %parallel_loop3A_444, %parallel_loop3A_260 : vector<16xi32>
      %parallel_loop3A_446 = arith.constant 1 : i32
      %parallel_loop3A_447 = vector.broadcast %parallel_loop3A_446 : i32 to vector<16xi32>
      %parallel_loop3A_448 = arith.addi %parallel_loop3A_443, %parallel_loop3A_447 : vector<16xi32>
      %parallel_loop3A_449 = arith.select %parallel_loop3A_445, %parallel_loop3A_448, %parallel_loop3A_421 : vector<16xi1>, vector<16xi32>
      %parallel_loop3A_450 = arith.select %parallel_loop3A_445, %parallel_loop3A_422, %parallel_loop3A_443 : vector<16xi1>, vector<16xi32>
      %parallel_loop3A_451 = arith.addi %parallel_loop3A_435, %parallel_loop3A_436 : vector<16xi32>
      %parallel_loop3A_452 = arith.constant 1 : i32
      %parallel_loop3A_453 = vector.broadcast %parallel_loop3A_452 : i32 to vector<16xi32>
      %parallel_loop3A_454 = arith.shrsi %parallel_loop3A_451, %parallel_loop3A_453 : vector<16xi32>
      %parallel_loop3A_455 = arith.constant 1023 : i32
      %parallel_loop3A_456 = vector.broadcast %parallel_loop3A_455 : i32 to vector<16xi32>
      %parallel_loop3A_457 = arith.minsi %parallel_loop3A_454, %parallel_loop3A_456 : vector<16xi32>
      %parallel_loop3A_458 = tpu.vector_load_idx %arg12[%parallel_loop3A_457] : memref<1024xi32, #tpu.memory_space<vmem>>[vector<16xi32>], vector<16xi32>,
      %parallel_loop3A_459 = arith.cmpi sle, %parallel_loop3A_458, %parallel_loop3A_260 : vector<16xi32>
      %parallel_loop3A_460 = arith.constant 1 : i32
      %parallel_loop3A_461 = vector.broadcast %parallel_loop3A_460 : i32 to vector<16xi32>
      %parallel_loop3A_462 = arith.addi %parallel_loop3A_457, %parallel_loop3A_461 : vector<16xi32>
      %parallel_loop3A_463 = arith.select %parallel_loop3A_459, %parallel_loop3A_462, %parallel_loop3A_435 : vector<16xi1>, vector<16xi32>
      %parallel_loop3A_464 = arith.select %parallel_loop3A_459, %parallel_loop3A_436, %parallel_loop3A_457 : vector<16xi1>, vector<16xi32>
      %parallel_loop3A_465 = arith.addi %parallel_loop3A_449, %parallel_loop3A_450 : vector<16xi32>
      %parallel_loop3A_466 = arith.constant 1 : i32
      %parallel_loop3A_467 = vector.broadcast %parallel_loop3A_466 : i32 to vector<16xi32>
      %parallel_loop3A_468 = arith.shrsi %parallel_loop3A_465, %parallel_loop3A_467 : vector<16xi32>
      %parallel_loop3A_469 = arith.constant 1023 : i32
      %parallel_loop3A_470 = vector.broadcast %parallel_loop3A_469 : i32 to vector<16xi32>
      %parallel_loop3A_471 = arith.minsi %parallel_loop3A_468, %parallel_loop3A_470 : vector<16xi32>
      %parallel_loop3A_472 = tpu.vector_load_idx %arg12[%parallel_loop3A_471] : memref<1024xi32, #tpu.memory_space<vmem>>[vector<16xi32>], vector<16xi32>,
      %parallel_loop3A_473 = arith.cmpi slt, %parallel_loop3A_472, %parallel_loop3A_260 : vector<16xi32>
      %parallel_loop3A_474 = arith.constant 1 : i32
      %parallel_loop3A_475 = vector.broadcast %parallel_loop3A_474 : i32 to vector<16xi32>
      %parallel_loop3A_476 = arith.addi %parallel_loop3A_471, %parallel_loop3A_475 : vector<16xi32>
      %parallel_loop3A_477 = arith.select %parallel_loop3A_473, %parallel_loop3A_476, %parallel_loop3A_449 : vector<16xi1>, vector<16xi32>
      %parallel_loop3A_478 = arith.select %parallel_loop3A_473, %parallel_loop3A_450, %parallel_loop3A_471 : vector<16xi1>, vector<16xi32>
      %parallel_loop3A_479 = arith.addi %parallel_loop3A_463, %parallel_loop3A_464 : vector<16xi32>
      %parallel_loop3A_480 = arith.constant 1 : i32
      %parallel_loop3A_481 = vector.broadcast %parallel_loop3A_480 : i32 to vector<16xi32>
      %parallel_loop3A_482 = arith.shrsi %parallel_loop3A_479, %parallel_loop3A_481 : vector<16xi32>
      %parallel_loop3A_483 = arith.constant 1023 : i32
      %parallel_loop3A_484 = vector.broadcast %parallel_loop3A_483 : i32 to vector<16xi32>
      %parallel_loop3A_485 = arith.minsi %parallel_loop3A_482, %parallel_loop3A_484 : vector<16xi32>
      %parallel_loop3A_486 = tpu.vector_load_idx %arg12[%parallel_loop3A_485] : memref<1024xi32, #tpu.memory_space<vmem>>[vector<16xi32>], vector<16xi32>,
      %parallel_loop3A_487 = arith.cmpi sle, %parallel_loop3A_486, %parallel_loop3A_260 : vector<16xi32>
      %parallel_loop3A_488 = arith.constant 1 : i32
      %parallel_loop3A_489 = vector.broadcast %parallel_loop3A_488 : i32 to vector<16xi32>
      %parallel_loop3A_490 = arith.addi %parallel_loop3A_485, %parallel_loop3A_489 : vector<16xi32>
      %parallel_loop3A_491 = arith.select %parallel_loop3A_487, %parallel_loop3A_490, %parallel_loop3A_463 : vector<16xi1>, vector<16xi32>
      %parallel_loop3A_492 = arith.select %parallel_loop3A_487, %parallel_loop3A_464, %parallel_loop3A_485 : vector<16xi1>, vector<16xi32>
      %parallel_loop3A_493 = arith.addi %parallel_loop3A_477, %parallel_loop3A_478 : vector<16xi32>
      %parallel_loop3A_494 = arith.constant 1 : i32
      %parallel_loop3A_495 = vector.broadcast %parallel_loop3A_494 : i32 to vector<16xi32>
      %parallel_loop3A_496 = arith.shrsi %parallel_loop3A_493, %parallel_loop3A_495 : vector<16xi32>
      %parallel_loop3A_497 = arith.constant 1023 : i32
      %parallel_loop3A_498 = vector.broadcast %parallel_loop3A_497 : i32 to vector<16xi32>
      %parallel_loop3A_499 = arith.minsi %parallel_loop3A_496, %parallel_loop3A_498 : vector<16xi32>
      %parallel_loop3A_500 = tpu.vector_load_idx %arg12[%parallel_loop3A_499] : memref<1024xi32, #tpu.memory_space<vmem>>[vector<16xi32>], vector<16xi32>,
      %parallel_loop3A_501 = arith.cmpi slt, %parallel_loop3A_500, %parallel_loop3A_260 : vector<16xi32>
      %parallel_loop3A_502 = arith.constant 1 : i32
      %parallel_loop3A_503 = vector.broadcast %parallel_loop3A_502 : i32 to vector<16xi32>
      %parallel_loop3A_504 = arith.addi %parallel_loop3A_499, %parallel_loop3A_503 : vector<16xi32>
      %parallel_loop3A_505 = arith.select %parallel_loop3A_501, %parallel_loop3A_504, %parallel_loop3A_477 : vector<16xi1>, vector<16xi32>
      %parallel_loop3A_506 = arith.select %parallel_loop3A_501, %parallel_loop3A_478, %parallel_loop3A_499 : vector<16xi1>, vector<16xi32>
      %parallel_loop3A_507 = arith.addi %parallel_loop3A_491, %parallel_loop3A_492 : vector<16xi32>
      %parallel_loop3A_508 = arith.constant 1 : i32
      %parallel_loop3A_509 = vector.broadcast %parallel_loop3A_508 : i32 to vector<16xi32>
      %parallel_loop3A_510 = arith.shrsi %parallel_loop3A_507, %parallel_loop3A_509 : vector<16xi32>
      %parallel_loop3A_511 = arith.constant 1023 : i32
      %parallel_loop3A_512 = vector.broadcast %parallel_loop3A_511 : i32 to vector<16xi32>
      %parallel_loop3A_513 = arith.minsi %parallel_loop3A_510, %parallel_loop3A_512 : vector<16xi32>
      %parallel_loop3A_514 = tpu.vector_load_idx %arg12[%parallel_loop3A_513] : memref<1024xi32, #tpu.memory_space<vmem>>[vector<16xi32>], vector<16xi32>,
      %parallel_loop3A_515 = arith.cmpi sle, %parallel_loop3A_514, %parallel_loop3A_260 : vector<16xi32>
      %parallel_loop3A_516 = arith.constant 1 : i32
      %parallel_loop3A_517 = vector.broadcast %parallel_loop3A_516 : i32 to vector<16xi32>
      %parallel_loop3A_518 = arith.addi %parallel_loop3A_513, %parallel_loop3A_517 : vector<16xi32>
      %parallel_loop3A_519 = arith.select %parallel_loop3A_515, %parallel_loop3A_518, %parallel_loop3A_491 : vector<16xi1>, vector<16xi32>
      %parallel_loop3A_520 = arith.select %parallel_loop3A_515, %parallel_loop3A_492, %parallel_loop3A_513 : vector<16xi1>, vector<16xi32>
      %parallel_loop3A_521 = arith.addi %parallel_loop3A_505, %parallel_loop3A_506 : vector<16xi32>
      %parallel_loop3A_522 = arith.constant 1 : i32
      %parallel_loop3A_523 = vector.broadcast %parallel_loop3A_522 : i32 to vector<16xi32>
      %parallel_loop3A_524 = arith.shrsi %parallel_loop3A_521, %parallel_loop3A_523 : vector<16xi32>
      %parallel_loop3A_525 = arith.constant 1023 : i32
      %parallel_loop3A_526 = vector.broadcast %parallel_loop3A_525 : i32 to vector<16xi32>
      %parallel_loop3A_527 = arith.minsi %parallel_loop3A_524, %parallel_loop3A_526 : vector<16xi32>
      %parallel_loop3A_528 = tpu.vector_load_idx %arg12[%parallel_loop3A_527] : memref<1024xi32, #tpu.memory_space<vmem>>[vector<16xi32>], vector<16xi32>,
      %parallel_loop3A_529 = arith.cmpi slt, %parallel_loop3A_528, %parallel_loop3A_260 : vector<16xi32>
      %parallel_loop3A_530 = arith.constant 1 : i32
      %parallel_loop3A_531 = vector.broadcast %parallel_loop3A_530 : i32 to vector<16xi32>
      %parallel_loop3A_532 = arith.addi %parallel_loop3A_527, %parallel_loop3A_531 : vector<16xi32>
      %parallel_loop3A_533 = arith.select %parallel_loop3A_529, %parallel_loop3A_532, %parallel_loop3A_505 : vector<16xi1>, vector<16xi32>
      %parallel_loop3A_534 = arith.select %parallel_loop3A_529, %parallel_loop3A_506, %parallel_loop3A_527 : vector<16xi1>, vector<16xi32>
      %parallel_loop3A_535 = arith.addi %parallel_loop3A_519, %parallel_loop3A_520 : vector<16xi32>
      %parallel_loop3A_536 = arith.constant 1 : i32
      %parallel_loop3A_537 = vector.broadcast %parallel_loop3A_536 : i32 to vector<16xi32>
      %parallel_loop3A_538 = arith.shrsi %parallel_loop3A_535, %parallel_loop3A_537 : vector<16xi32>
      %parallel_loop3A_539 = arith.constant 1023 : i32
      %parallel_loop3A_540 = vector.broadcast %parallel_loop3A_539 : i32 to vector<16xi32>
      %parallel_loop3A_541 = arith.minsi %parallel_loop3A_538, %parallel_loop3A_540 : vector<16xi32>
      %parallel_loop3A_542 = tpu.vector_load_idx %arg12[%parallel_loop3A_541] : memref<1024xi32, #tpu.memory_space<vmem>>[vector<16xi32>], vector<16xi32>,
      %parallel_loop3A_543 = arith.cmpi sle, %parallel_loop3A_542, %parallel_loop3A_260 : vector<16xi32>
      %parallel_loop3A_544 = arith.constant 1 : i32
      %parallel_loop3A_545 = vector.broadcast %parallel_loop3A_544 : i32 to vector<16xi32>
      %parallel_loop3A_546 = arith.addi %parallel_loop3A_541, %parallel_loop3A_545 : vector<16xi32>
      %parallel_loop3A_547 = arith.select %parallel_loop3A_543, %parallel_loop3A_546, %parallel_loop3A_519 : vector<16xi1>, vector<16xi32>
      %parallel_loop3A_548 = arith.select %parallel_loop3A_543, %parallel_loop3A_520, %parallel_loop3A_541 : vector<16xi1>, vector<16xi32>
      %parallel_loop3A_549 = arith.addi %parallel_loop3A_533, %parallel_loop3A_534 : vector<16xi32>
      %parallel_loop3A_550 = arith.constant 1 : i32
      %parallel_loop3A_551 = vector.broadcast %parallel_loop3A_550 : i32 to vector<16xi32>
      %parallel_loop3A_552 = arith.shrsi %parallel_loop3A_549, %parallel_loop3A_551 : vector<16xi32>
      %parallel_loop3A_553 = arith.constant 1023 : i32
      %parallel_loop3A_554 = vector.broadcast %parallel_loop3A_553 : i32 to vector<16xi32>
      %parallel_loop3A_555 = arith.minsi %parallel_loop3A_552, %parallel_loop3A_554 : vector<16xi32>
      %parallel_loop3A_556 = tpu.vector_load_idx %arg12[%parallel_loop3A_555] : memref<1024xi32, #tpu.memory_space<vmem>>[vector<16xi32>], vector<16xi32>,
      %parallel_loop3A_557 = arith.cmpi slt, %parallel_loop3A_556, %parallel_loop3A_260 : vector<16xi32>
      %parallel_loop3A_558 = arith.constant 1 : i32
      %parallel_loop3A_559 = vector.broadcast %parallel_loop3A_558 : i32 to vector<16xi32>
      %parallel_loop3A_560 = arith.addi %parallel_loop3A_555, %parallel_loop3A_559 : vector<16xi32>
      %parallel_loop3A_561 = arith.select %parallel_loop3A_557, %parallel_loop3A_560, %parallel_loop3A_533 : vector<16xi1>, vector<16xi32>
      %parallel_loop3A_562 = arith.select %parallel_loop3A_557, %parallel_loop3A_534, %parallel_loop3A_555 : vector<16xi1>, vector<16xi32>
      %parallel_loop3A_563 = arith.addi %parallel_loop3A_547, %parallel_loop3A_548 : vector<16xi32>
      %parallel_loop3A_564 = arith.constant 1 : i32
      %parallel_loop3A_565 = vector.broadcast %parallel_loop3A_564 : i32 to vector<16xi32>
      %parallel_loop3A_566 = arith.shrsi %parallel_loop3A_563, %parallel_loop3A_565 : vector<16xi32>
      %parallel_loop3A_567 = arith.constant 1023 : i32
      %parallel_loop3A_568 = vector.broadcast %parallel_loop3A_567 : i32 to vector<16xi32>
      %parallel_loop3A_569 = arith.minsi %parallel_loop3A_566, %parallel_loop3A_568 : vector<16xi32>
      %parallel_loop3A_570 = tpu.vector_load_idx %arg12[%parallel_loop3A_569] : memref<1024xi32, #tpu.memory_space<vmem>>[vector<16xi32>], vector<16xi32>,
      %parallel_loop3A_571 = arith.cmpi sle, %parallel_loop3A_570, %parallel_loop3A_260 : vector<16xi32>
      %parallel_loop3A_572 = arith.constant 1 : i32
      %parallel_loop3A_573 = vector.broadcast %parallel_loop3A_572 : i32 to vector<16xi32>
      %parallel_loop3A_574 = arith.addi %parallel_loop3A_569, %parallel_loop3A_573 : vector<16xi32>
      %parallel_loop3A_575 = arith.select %parallel_loop3A_571, %parallel_loop3A_574, %parallel_loop3A_547 : vector<16xi1>, vector<16xi32>
      %parallel_loop3A_576 = arith.select %parallel_loop3A_571, %parallel_loop3A_548, %parallel_loop3A_569 : vector<16xi1>, vector<16xi32>
      %parallel_loop3A_577 = arith.constant 16 : i32
      %parallel_loop3A_578 = arith.muli %parallel_loop3A_256, %parallel_loop3A_577 : i32
      %parallel_loop3A_579 = arith.index_cast %parallel_loop3A_578 : i32 to index
      %parallel_loop3A_580 = tpu.vector_load %arg13[%parallel_loop3A_579] {strides = array<i32>} : memref<128xi32, #tpu.memory_space<vmem>>, vector<16xi32>,
      tpu.vector_store %arg13[%parallel_loop3A_579], %parallel_loop3A_561 {strides = array<i32>} : memref<128xi32, #tpu.memory_space<vmem>>, vector<16xi32>,
      %parallel_loop3A_581 = arith.constant 16 : i32
      %parallel_loop3A_582 = arith.muli %parallel_loop3A_256, %parallel_loop3A_581 : i32
      %parallel_loop3A_583 = arith.index_cast %parallel_loop3A_582 : i32 to index
      %parallel_loop3A_584 = tpu.vector_load %arg14[%parallel_loop3A_583] {strides = array<i32>} : memref<128xi32, #tpu.memory_space<vmem>>, vector<16xi32>,
      tpu.vector_store %arg14[%parallel_loop3A_583], %parallel_loop3A_575 {strides = array<i32>} : memref<128xi32, #tpu.memory_space<vmem>>, vector<16xi32>,
    } {sc.loop_unroll_factor = 2 : i64, sc.parallel_access}
    %scan3A = arith.constant 0 : i32
    %scan3A_43 = arith.constant 64 : i32
    %scan3A_44 = arith.addi %scan3A, %scan3A_43 : i32
    %scan3A_45 = arith.constant 1 : i32
    %scan3A_46 = scf.for %scan3A_256 = %scan3A to %scan3A_44 step %scan3A_45 iter_args(%scan3A_257 = %broadcast_in_dim3A_22) -> (vector<16xf32>)  : i32 {
      %mul3A_258 = arith.constant 16 : i32
      %mul3A_259 = arith.muli %scan3A_256, %mul3A_258 : i32
      %get3A = arith.index_cast %mul3A_259 : i32 to index
      %get3A_260 = tpu.vector_load %arg16[%get3A] {strides = array<i32>} : memref<1024xi32, #tpu.memory_space<vmem>>, vector<16xi32>,
      %mul3A_261 = arith.constant 16 : i32
      %mul3A_262 = arith.muli %scan3A_256, %mul3A_261 : i32
      %get3A_263 = arith.constant 0 : i32
      %get3A_264 = arith.index_cast %get3A_263 : i32 to index
      %get3A_265 = arith.index_cast %mul3A_262 : i32 to index
      %get3A_266 = tpu.vector_load %arg15[%get3A_264, %get3A_265] {strides = array<i32>} : memref<3x1024xf32, #tpu.memory_space<vmem>>, vector<16xf32>,
      %mul3A_267 = arith.constant 16 : i32
      %mul3A_268 = arith.muli %scan3A_256, %mul3A_267 : i32
      %get3A_269 = arith.constant 1 : i32
      %get3A_270 = arith.index_cast %get3A_269 : i32 to index
      %get3A_271 = arith.index_cast %mul3A_268 : i32 to index
      %get3A_272 = tpu.vector_load %arg15[%get3A_270, %get3A_271] {strides = array<i32>} : memref<3x1024xf32, #tpu.memory_space<vmem>>, vector<16xf32>,
      %mul3A_273 = arith.constant 16 : i32
      %mul3A_274 = arith.muli %scan3A_256, %mul3A_273 : i32
      %get3A_275 = arith.constant 2 : i32
      %get3A_276 = arith.index_cast %get3A_275 : i32 to index
      %get3A_277 = arith.index_cast %mul3A_274 : i32 to index
      %get3A_278 = tpu.vector_load %arg15[%get3A_276, %get3A_277] {strides = array<i32>} : memref<3x1024xf32, #tpu.memory_space<vmem>>, vector<16xf32>,
      %gather3A_279 = tpu.vector_load_idx %arg13[%get3A_260] : memref<128xi32, #tpu.memory_space<vmem>>[vector<16xi32>], vector<16xi32>,
      %gather3A_280 = tpu.vector_load_idx %arg14[%get3A_260] : memref<128xi32, #tpu.memory_space<vmem>>[vector<16xi32>], vector<16xi32>,
      %reduce_min3A = arith.constant true
      %reduce_min3A_281 = vector.broadcast %reduce_min3A : i1 to vector<16xi1>
      %reduce_min3A_282 = arith.constant -2147483648 : i32
      %reduce_min3A_283 = vector.broadcast %reduce_min3A_282 : i32 to vector<16xi32>
      %reduce_min3A_284 = arith.xori %gather3A_279, %reduce_min3A_283 : vector<16xi32>
      %reduce_min3A_285 = tpu.scan <min>, %reduce_min3A_284 masked %reduce_min3A_281 : vector<16xi32>, vector<16xi1> -> vector<16xi32>
      %reduce_min3A_286 = arith.xori %reduce_min3A_285, %reduce_min3A_283 : vector<16xi32>
      %reduce_min3A_287 = vector.extract %reduce_min3A_286[15] : i32 from vector<16xi32>
      %reduce_max3A = arith.constant true
      %reduce_max3A_288 = vector.broadcast %reduce_max3A : i1 to vector<16xi1>
      %reduce_max3A_289 = arith.constant -2147483648 : i32
      %reduce_max3A_290 = vector.broadcast %reduce_max3A_289 : i32 to vector<16xi32>
      %reduce_max3A_291 = arith.xori %gather3A_280, %reduce_max3A_290 : vector<16xi32>
      %reduce_max3A_292 = tpu.scan <max>, %reduce_max3A_291 masked %reduce_max3A_288 : vector<16xi32>, vector<16xi1> -> vector<16xi32>
      %reduce_max3A_293 = arith.xori %reduce_max3A_292, %reduce_max3A_290 : vector<16xi32>
      %reduce_max3A_294 = vector.extract %reduce_max3A_293[15] : i32 from vector<16xi32>
      %broadcast_in_dim3A_295 = arith.constant 0 : i32
      %broadcast_in_dim3A_296 = vector.broadcast %broadcast_in_dim3A_295 : i32 to vector<16xi32>
      %parallel_loop3A_297 = arith.constant 1 : i32
      %parallel_loop3A_298:2 = scf.for %parallel_loop3A_352 = %reduce_min3A_287 to %reduce_max3A_294 step %parallel_loop3A_297 iter_args(%parallel_loop3A_353 = %broadcast_in_dim3A_20, %parallel_loop3A_354 = %broadcast_in_dim3A_296) -> (vector<16xf32>, vector<16xi32>)  : i32 {
        %parallel_loop3A_355 = arith.constant 3 : i32
        %parallel_loop3A_356 = arith.muli %parallel_loop3A_352, %parallel_loop3A_355 : i32
        %parallel_loop3A_357 = vector.broadcast %parallel_loop3A_356 : i32 to vector<16xi32>
        %parallel_loop3A_358 = tpu.vector_load_idx %arg11[%parallel_loop3A_357] : memref<3072xf32, #tpu.memory_space<vmem>>[vector<16xi32>], vector<16xf32>,
        %parallel_loop3A_359 = arith.constant 1 : i32
        %parallel_loop3A_360 = vector.broadcast %parallel_loop3A_359 : i32 to vector<16xi32>
        %parallel_loop3A_361 = arith.addi %parallel_loop3A_357, %parallel_loop3A_360 : vector<16xi32>
        %parallel_loop3A_362 = tpu.vector_load_idx %arg11[%parallel_loop3A_361] : memref<3072xf32, #tpu.memory_space<vmem>>[vector<16xi32>], vector<16xf32>,
        %parallel_loop3A_363 = arith.constant 2 : i32
        %parallel_loop3A_364 = vector.broadcast %parallel_loop3A_363 : i32 to vector<16xi32>
        %parallel_loop3A_365 = arith.addi %parallel_loop3A_357, %parallel_loop3A_364 : vector<16xi32>
        %parallel_loop3A_366 = tpu.vector_load_idx %arg11[%parallel_loop3A_365] : memref<3072xf32, #tpu.memory_space<vmem>>[vector<16xi32>], vector<16xf32>,
        %parallel_loop3A_367 = arith.subf %get3A_266, %parallel_loop3A_358 : vector<16xf32>
        %parallel_loop3A_368 = arith.subf %get3A_272, %parallel_loop3A_362 : vector<16xf32>
        %parallel_loop3A_369 = arith.subf %get3A_278, %parallel_loop3A_366 : vector<16xf32>
        %parallel_loop3A_370 = arith.mulf %parallel_loop3A_367, %parallel_loop3A_367 : vector<16xf32>
        %parallel_loop3A_371 = arith.mulf %parallel_loop3A_368, %parallel_loop3A_368 : vector<16xf32>
        %parallel_loop3A_372 = arith.addf %parallel_loop3A_370, %parallel_loop3A_371 : vector<16xf32>
        %parallel_loop3A_373 = arith.mulf %parallel_loop3A_369, %parallel_loop3A_369 : vector<16xf32>
        %parallel_loop3A_374 = arith.addf %parallel_loop3A_372, %parallel_loop3A_373 : vector<16xf32>
        %parallel_loop3A_375 = vector.broadcast %parallel_loop3A_352 : i32 to vector<16xi32>
        %parallel_loop3A_376 = arith.cmpi sle, %gather3A_279, %parallel_loop3A_375 : vector<16xi32>
        %parallel_loop3A_377 = vector.broadcast %parallel_loop3A_352 : i32 to vector<16xi32>
        %parallel_loop3A_378 = arith.cmpi slt, %parallel_loop3A_377, %gather3A_280 : vector<16xi32>
        %parallel_loop3A_379 = arith.andi %parallel_loop3A_376, %parallel_loop3A_378 : vector<16xi1>
        %parallel_loop3A_380 = arith.constant 0x7F800000 : f32
        %parallel_loop3A_381 = vector.broadcast %parallel_loop3A_380 : f32 to vector<16xf32>
        %parallel_loop3A_382 = arith.select %parallel_loop3A_379, %parallel_loop3A_374, %parallel_loop3A_381 : vector<16xi1>, vector<16xf32>
        %parallel_loop3A_383 = arith.cmpf olt, %parallel_loop3A_382, %parallel_loop3A_353 : vector<16xf32>
        %parallel_loop3A_384 = arith.select %parallel_loop3A_383, %parallel_loop3A_382, %parallel_loop3A_353 : vector<16xi1>, vector<16xf32>
        %parallel_loop3A_385 = vector.broadcast %parallel_loop3A_352 : i32 to vector<16xi32>
        %parallel_loop3A_386 = arith.select %parallel_loop3A_383, %parallel_loop3A_385, %parallel_loop3A_354 : vector<16xi1>, vector<16xi32>
        %parallel_loop3A_387 = arith.constant true
        %parallel_loop3A_388 = vector.broadcast %parallel_loop3A_387 : i1 to vector<16xi1>
        %parallel_loop3A_389 = tpu.scan <min>, %parallel_loop3A_382 masked %parallel_loop3A_388 : vector<16xf32>, vector<16xi1> -> vector<16xf32>
        %parallel_loop3A_390 = vector.extract %parallel_loop3A_389[15] : f32 from vector<16xf32>
        %parallel_loop3A_391 = vector.broadcast %parallel_loop3A_352 : i32 to vector<16xi32>
        %parallel_loop3A_392 = tpu.vector_load_idx %arg17[%parallel_loop3A_391] : memref<1024xf32, #tpu.memory_space<vmem>>[vector<16xi32>], vector<16xf32>,
        %parallel_loop3A_393 = vector.broadcast %parallel_loop3A_390 : f32 to vector<16xf32>
        %parallel_loop3A_394 = arith.minimumf %parallel_loop3A_392, %parallel_loop3A_393 : vector<16xf32>
        tpu.vector_store_idx %arg17[%parallel_loop3A_391], %parallel_loop3A_394 masked %eq3A_24 : memref<1024xf32, #tpu.memory_space<vmem>>[vector<16xi32>], vector<16xf32>, vector<16xi1>
        scf.yield %parallel_loop3A_384, %parallel_loop3A_386 : vector<16xf32>, vector<16xi32>
      } {sc.loop_unroll_factor = 2 : i64, sc.parallel_access}
      %mul3A_299 = arith.constant 3 : i32
      %mul3A_300 = vector.broadcast %mul3A_299 : i32 to vector<16xi32>
      %mul3A_301 = arith.muli %parallel_loop3A_298#1, %mul3A_300 : vector<16xi32>
      %gather3A_302 = tpu.vector_load_idx %arg11[%mul3A_301] : memref<3072xf32, #tpu.memory_space<vmem>>[vector<16xi32>], vector<16xf32>,
      %add3A_303 = arith.constant 1 : i32
      %add3A_304 = vector.broadcast %add3A_303 : i32 to vector<16xi32>
      %add3A_305 = arith.addi %mul3A_301, %add3A_304 : vector<16xi32>
      %gather3A_306 = tpu.vector_load_idx %arg11[%add3A_305] : memref<3072xf32, #tpu.memory_space<vmem>>[vector<16xi32>], vector<16xf32>,
      %add3A_307 = arith.constant 2 : i32
      %add3A_308 = vector.broadcast %add3A_307 : i32 to vector<16xi32>
      %add3A_309 = arith.addi %mul3A_301, %add3A_308 : vector<16xi32>
      %gather3A_310 = tpu.vector_load_idx %arg11[%add3A_309] : memref<3072xf32, #tpu.memory_space<vmem>>[vector<16xi32>], vector<16xf32>,
      %sub3A_311 = arith.subf %get3A_266, %gather3A_302 : vector<16xf32>
      %abs3A_312 = math.absf %sub3A_311 : vector<16xf32>
      %lt3A = arith.constant 1.000000e+00 : f32
      %lt3A_313 = vector.broadcast %lt3A : f32 to vector<16xf32>
      %lt3A_314 = arith.cmpf olt, %abs3A_312, %lt3A_313 : vector<16xf32>
      %mul3A_315 = arith.constant 5.000000e-01 : f32
      %mul3A_316 = vector.broadcast %mul3A_315 : f32 to vector<16xf32>
      %mul3A_317 = arith.mulf %mul3A_316, %sub3A_311 : vector<16xf32>
      %mul3A_318 = arith.mulf %mul3A_317, %sub3A_311 : vector<16xf32>
      %sub3A_319 = arith.constant 5.000000e-01 : f32
      %sub3A_320 = vector.broadcast %sub3A_319 : f32 to vector<16xf32>
      %sub3A_321 = arith.subf %abs3A_312, %sub3A_320 : vector<16xf32>
      %select_n3A_322 = arith.select %lt3A_314, %mul3A_318, %sub3A_321 : vector<16xi1>, vector<16xf32>
      %add3A_323 = arith.addf %scan3A_257, %select_n3A_322 : vector<16xf32>
      %sub3A_324 = arith.subf %get3A_272, %gather3A_306 : vector<16xf32>
      %abs3A_325 = math.absf %sub3A_324 : vector<16xf32>
      %lt3A_326 = arith.constant 1.000000e+00 : f32
      %lt3A_327 = vector.broadcast %lt3A_326 : f32 to vector<16xf32>
      %lt3A_328 = arith.cmpf olt, %abs3A_325, %lt3A_327 : vector<16xf32>
      %mul3A_329 = arith.constant 5.000000e-01 : f32
      %mul3A_330 = vector.broadcast %mul3A_329 : f32 to vector<16xf32>
      %mul3A_331 = arith.mulf %mul3A_330, %sub3A_324 : vector<16xf32>
      %mul3A_332 = arith.mulf %mul3A_331, %sub3A_324 : vector<16xf32>
      %sub3A_333 = arith.constant 5.000000e-01 : f32
      %sub3A_334 = vector.broadcast %sub3A_333 : f32 to vector<16xf32>
      %sub3A_335 = arith.subf %abs3A_325, %sub3A_334 : vector<16xf32>
      %select_n3A_336 = arith.select %lt3A_328, %mul3A_332, %sub3A_335 : vector<16xi1>, vector<16xf32>
      %add3A_337 = arith.addf %add3A_323, %select_n3A_336 : vector<16xf32>
      %sub3A_338 = arith.subf %get3A_278, %gather3A_310 : vector<16xf32>
      %abs3A_339 = math.absf %sub3A_338 : vector<16xf32>
      %lt3A_340 = arith.constant 1.000000e+00 : f32
      %lt3A_341 = vector.broadcast %lt3A_340 : f32 to vector<16xf32>
      %lt3A_342 = arith.cmpf olt, %abs3A_339, %lt3A_341 : vector<16xf32>
      %mul3A_343 = arith.constant 5.000000e-01 : f32
      %mul3A_344 = vector.broadcast %mul3A_343 : f32 to vector<16xf32>
      %mul3A_345 = arith.mulf %mul3A_344, %sub3A_338 : vector<16xf32>
      %mul3A_346 = arith.mulf %mul3A_345, %sub3A_338 : vector<16xf32>
      %sub3A_347 = arith.constant 5.000000e-01 : f32
      %sub3A_348 = vector.broadcast %sub3A_347 : f32 to vector<16xf32>
      %sub3A_349 = arith.subf %abs3A_339, %sub3A_348 : vector<16xf32>
      %select_n3A_350 = arith.select %lt3A_342, %mul3A_346, %sub3A_349 : vector<16xi1>, vector<16xf32>
      %add3A_351 = arith.addf %add3A_337, %select_n3A_350 : vector<16xf32>
      scf.yield %add3A_351 : vector<16xf32>
    }
    %scan3A_47 = arith.constant 64 : i32
    %parallel_loop3A_48 = arith.constant 0 : i32
    %parallel_loop3A_49 = arith.constant 196 : i32
    %parallel_loop3A_50 = arith.constant 1 : i32
    %parallel_loop3A_51:3 = scf.for %parallel_loop3A_256 = %parallel_loop3A_48 to %parallel_loop3A_49 step %parallel_loop3A_50 iter_args(%parallel_loop3A_257 = %broadcast_in_dim3A_22, %parallel_loop3A_258 = %broadcast_in_dim3A_22, %parallel_loop3A_259 = %broadcast_in_dim3A_22) -> (vector<16xf32>, vector<16xf32>, vector<16xf32>)  : i32 {
      %parallel_loop3A_260 = arith.constant 16 : i32
      %parallel_loop3A_261 = arith.muli %parallel_loop3A_256, %parallel_loop3A_260 : i32
      %parallel_loop3A_262 = arith.addi %multiple_of3A, %parallel_loop3A_261 : i32
      %parallel_loop3A_263 = vector.broadcast %parallel_loop3A_262 : i32 to vector<16xi32>
      %parallel_loop3A_264 = arith.addi %parallel_loop3A_263, %iota3A : vector<16xi32>
      %parallel_loop3A_265 = vector.broadcast %mul3A_2 : i32 to vector<16xi32>
      %parallel_loop3A_266 = arith.cmpi sge, %parallel_loop3A_264, %parallel_loop3A_265 : vector<16xi32>
      %parallel_loop3A_267 = arith.constant 3125 : i32
      %parallel_loop3A_268 = arith.addi %mul3A_2, %parallel_loop3A_267 : i32
      %parallel_loop3A_269 = vector.broadcast %parallel_loop3A_268 : i32 to vector<16xi32>
      %parallel_loop3A_270 = arith.cmpi slt, %parallel_loop3A_264, %parallel_loop3A_269 : vector<16xi32>
      %parallel_loop3A_271 = arith.andi %parallel_loop3A_266, %parallel_loop3A_270 : vector<16xi1>
      %parallel_loop3A_272 = arith.constant 16 : i32
      %parallel_loop3A_273 = arith.muli %parallel_loop3A_256, %parallel_loop3A_272 : i32
      %parallel_loop3A_274 = arith.index_cast %parallel_loop3A_273 : i32 to index
      %parallel_loop3A_275 = tpu.vector_load %arg18[%parallel_loop3A_274] {strides = array<i32>} : memref<3136xf32, #tpu.memory_space<vmem>>, vector<16xf32>,
      %parallel_loop3A_276 = arith.constant 0.000000e+00 : f32
      %parallel_loop3A_277 = vector.broadcast %parallel_loop3A_276 : f32 to vector<16xf32>
      %parallel_loop3A_278 = arith.subf %parallel_loop3A_277, %parallel_loop3A_275 : vector<16xf32>
      %parallel_loop3A_279 = math.exp %parallel_loop3A_278 : vector<16xf32>
      %parallel_loop3A_280 = arith.constant 1.000000e+00 : f32
      %parallel_loop3A_281 = vector.broadcast %parallel_loop3A_280 : f32 to vector<16xf32>
      %parallel_loop3A_282 = arith.addf %parallel_loop3A_281, %parallel_loop3A_279 : vector<16xf32>
      %parallel_loop3A_283 = arith.constant 1.000000e+00 : f32
      %parallel_loop3A_284 = vector.broadcast %parallel_loop3A_283 : f32 to vector<16xf32>
      %parallel_loop3A_285 = arith.divf %parallel_loop3A_284, %parallel_loop3A_282 : vector<16xf32>
      %parallel_loop3A_286 = arith.constant 16 : i32
      %parallel_loop3A_287 = arith.muli %parallel_loop3A_256, %parallel_loop3A_286 : i32
      %parallel_loop3A_288 = arith.index_cast %parallel_loop3A_287 : i32 to index
      %parallel_loop3A_289 = tpu.vector_load %arg19[%parallel_loop3A_288] {strides = array<i32>} : memref<3136xf32, #tpu.memory_space<vmem>>, vector<16xf32>,
      %parallel_loop3A_290 = arith.constant 0.000000e+00 : f32
      %parallel_loop3A_291 = vector.broadcast %parallel_loop3A_290 : f32 to vector<16xf32>
      %parallel_loop3A_292 = arith.select %parallel_loop3A_271, %parallel_loop3A_285, %parallel_loop3A_291 : vector<16xi1>, vector<16xf32>
      %parallel_loop3A_293 = arith.addf %parallel_loop3A_257, %parallel_loop3A_292 : vector<16xf32>
      %parallel_loop3A_294 = arith.mulf %parallel_loop3A_285, %parallel_loop3A_289 : vector<16xf32>
      %parallel_loop3A_295 = arith.constant 0.000000e+00 : f32
      %parallel_loop3A_296 = vector.broadcast %parallel_loop3A_295 : f32 to vector<16xf32>
      %parallel_loop3A_297 = arith.select %parallel_loop3A_271, %parallel_loop3A_294, %parallel_loop3A_296 : vector<16xi1>, vector<16xf32>
      %parallel_loop3A_298 = arith.addf %parallel_loop3A_258, %parallel_loop3A_297 : vector<16xf32>
      %parallel_loop3A_299 = arith.constant 0.000000e+00 : f32
      %parallel_loop3A_300 = vector.broadcast %parallel_loop3A_299 : f32 to vector<16xf32>
      %parallel_loop3A_301 = arith.select %parallel_loop3A_271, %parallel_loop3A_289, %parallel_loop3A_300 : vector<16xi1>, vector<16xf32>
      %parallel_loop3A_302 = arith.addf %parallel_loop3A_259, %parallel_loop3A_301 : vector<16xf32>
      scf.yield %parallel_loop3A_293, %parallel_loop3A_298, %parallel_loop3A_302 : vector<16xf32>, vector<16xf32>, vector<16xf32>
    } {sc.loop_unroll_factor = 4 : i64, sc.parallel_access}
    %swap3A = arith.constant 0 : index
    %swap3A_52 = tpu.vector_load %arg21[%swap3A] {strides = array<i32>} : memref<64xf32, #tpu.memory_space<vmem>>, vector<16xf32>,
    tpu.vector_store %arg21[%swap3A], %scan3A_46 {strides = array<i32>} : memref<64xf32, #tpu.memory_space<vmem>>, vector<16xf32>,
    %swap3A_53 = arith.constant 16 : index
    %swap3A_54 = tpu.vector_load %arg21[%swap3A_53] {strides = array<i32>} : memref<64xf32, #tpu.memory_space<vmem>>, vector<16xf32>,
    tpu.vector_store %arg21[%swap3A_53], %parallel_loop3A_51#0 {strides = array<i32>} : memref<64xf32, #tpu.memory_space<vmem>>, vector<16xf32>,
    %swap3A_55 = arith.constant 32 : index
    %swap3A_56 = tpu.vector_load %arg21[%swap3A_55] {strides = array<i32>} : memref<64xf32, #tpu.memory_space<vmem>>, vector<16xf32>,
    tpu.vector_store %arg21[%swap3A_55], %parallel_loop3A_51#1 {strides = array<i32>} : memref<64xf32, #tpu.memory_space<vmem>>, vector<16xf32>,
    %swap3A_57 = arith.constant 48 : index
    %swap3A_58 = tpu.vector_load %arg21[%swap3A_57] {strides = array<i32>} : memref<64xf32, #tpu.memory_space<vmem>>, vector<16xf32>,
    tpu.vector_store %arg21[%swap3A_57], %parallel_loop3A_51#2 {strides = array<i32>} : memref<64xf32, #tpu.memory_space<vmem>>, vector<16xf32>,
    %mul3A_59 = arith.constant 64 : i32
    %mul3A_60 = arith.muli %add3A, %mul3A_59 : i32
    "tpu.region"() ({
      %run_scoped3A_256 = tpu.sem_alloc : memref<!tpu.dma_semaphore, #tpu.memory_space<semaphore_mem>>
      %dma_start3A_257 = tpu.memref_slice %arg10[%mul3A_60] : memref<2048xf32, #tpu.memory_space<hbm>> -> memref<64xf32, #tpu.memory_space<hbm>>
      %dma_start3A_258 = tpu.memref_slice %arg10[%mul3A_60] : memref<2048xf32, #tpu.memory_space<hbm>> -> memref<64xf32, #tpu.memory_space<hbm>>
      tpu.enqueue_dma source(%arg21 : memref<64xf32, #tpu.memory_space<vmem>>) target(%dma_start3A_258 : memref<64xf32, #tpu.memory_space<hbm>>) target_semaphore(%run_scoped3A_256 : memref<!tpu.dma_semaphore, #tpu.memory_space<semaphore_mem>>)
      %dma_wait3A_259 = tpu.memref_slice %arg10[%mul3A_60] : memref<2048xf32, #tpu.memory_space<hbm>> -> memref<64xf32, #tpu.memory_space<hbm>>
      %dma_wait3A_260 = tpu.memref_slice %arg10[%mul3A_60] : memref<2048xf32, #tpu.memory_space<hbm>> -> memref<64xf32, #tpu.memory_space<hbm>>
      tpu.wait_dma2 semaphore(%run_scoped3A_256 : memref<!tpu.dma_semaphore, #tpu.memory_space<semaphore_mem>>) src(%arg21 : memref<64xf32, #tpu.memory_space<vmem>>) dst(%dma_wait3A_260 : memref<64xf32, #tpu.memory_space<hbm>>)
      tpu.yield
    }) : () -> ()
    "tpu.region"() ({
      %run_scoped3A_256 = tpu.sem_alloc : memref<!tpu.dma_semaphore, #tpu.memory_space<semaphore_mem>>
      %dma_start3A_257 = arith.constant 0 : i32
      %dma_start3A_258 = tpu.memref_slice %arg25[%arg1, %dma_start3A_257] : memref<16x1024xf32, #tpu.memory_space<vmem_shared>> -> memref<1x1024xf32, #tpu.memory_space<vmem_shared>>
      %dma_start3A_259 = tpu.memref_squeeze %dma_start3A_258 : memref<1x1024xf32, #tpu.memory_space<vmem_shared>> -> memref<1024xf32, #tpu.memory_space<vmem_shared>>
      %dma_start3A_260 = arith.constant 0 : i32
      %dma_start3A_261 = tpu.memref_slice %arg25[%arg1, %dma_start3A_260] : memref<16x1024xf32, #tpu.memory_space<vmem_shared>> -> memref<1x1024xf32, #tpu.memory_space<vmem_shared>>
      %dma_start3A_262 = tpu.memref_squeeze %dma_start3A_261 : memref<1x1024xf32, #tpu.memory_space<vmem_shared>> -> memref<1024xf32, #tpu.memory_space<vmem_shared>>
      tpu.enqueue_dma source(%arg17 : memref<1024xf32, #tpu.memory_space<vmem>>) target(%dma_start3A_262 : memref<1024xf32, #tpu.memory_space<vmem_shared>>) target_semaphore(%run_scoped3A_256 : memref<!tpu.dma_semaphore, #tpu.memory_space<semaphore_mem>>)
      %dma_wait3A_263 = arith.constant 0 : i32
      %dma_wait3A_264 = tpu.memref_slice %arg25[%arg1, %dma_wait3A_263] : memref<16x1024xf32, #tpu.memory_space<vmem_shared>> -> memref<1x1024xf32, #tpu.memory_space<vmem_shared>>
      %dma_wait3A_265 = tpu.memref_squeeze %dma_wait3A_264 : memref<1x1024xf32, #tpu.memory_space<vmem_shared>> -> memref<1024xf32, #tpu.memory_space<vmem_shared>>
      %dma_wait3A_266 = arith.constant 0 : i32
      %dma_wait3A_267 = tpu.memref_slice %arg25[%arg1, %dma_wait3A_266] : memref<16x1024xf32, #tpu.memory_space<vmem_shared>> -> memref<1x1024xf32, #tpu.memory_space<vmem_shared>>
      %dma_wait3A_268 = tpu.memref_squeeze %dma_wait3A_267 : memref<1x1024xf32, #tpu.memory_space<vmem_shared>> -> memref<1024xf32, #tpu.memory_space<vmem_shared>>
      tpu.wait_dma2 semaphore(%run_scoped3A_256 : memref<!tpu.dma_semaphore, #tpu.memory_space<semaphore_mem>>) src(%arg17 : memref<1024xf32, #tpu.memory_space<vmem>>) dst(%dma_wait3A_268 : memref<1024xf32, #tpu.memory_space<vmem_shared>>)
      tpu.yield
    }) : () -> ()
    %barrier3A = arith.constant 0 : index
    tpu.barrier barrier_id(%barrier3A)
    %mul3A_61 = arith.constant 64 : i32
    %mul3A_62 = arith.muli %arg1, %mul3A_61 : i32
    %run_scoped3A = arith.constant 0 : i32
    "tpu.region"() ({
      %run_scoped3A_256 = tpu.sem_alloc : memref<!tpu.dma_semaphore, #tpu.memory_space<semaphore_mem>>
      %dma_start3A_257 = arith.constant 0 : i32
      %dma_start3A_258 = tpu.memref_slice %arg22[%dma_start3A_257] : memref<1024xf32, #tpu.memory_space<vmem>> -> memref<64xf32, #tpu.memory_space<vmem>>
      %dma_start3A_259 = tpu.memref_slice %arg25[%run_scoped3A, %mul3A_62] : memref<16x1024xf32, #tpu.memory_space<vmem_shared>> -> memref<1x64xf32, #tpu.memory_space<vmem_shared>>
      %dma_start3A_260 = tpu.memref_squeeze %dma_start3A_259 : memref<1x64xf32, #tpu.memory_space<vmem_shared>> -> memref<64xf32, #tpu.memory_space<vmem_shared>>
      %dma_start3A_261 = arith.constant 0 : i32
      %dma_start3A_262 = tpu.memref_slice %arg22[%dma_start3A_261] : memref<1024xf32, #tpu.memory_space<vmem>> -> memref<64xf32, #tpu.memory_space<vmem>>
      %dma_start3A_263 = tpu.memref_slice %arg25[%run_scoped3A, %mul3A_62] : memref<16x1024xf32, #tpu.memory_space<vmem_shared>> -> memref<1x64xf32, #tpu.memory_space<vmem_shared>>
      %dma_start3A_264 = tpu.memref_squeeze %dma_start3A_263 : memref<1x64xf32, #tpu.memory_space<vmem_shared>> -> memref<64xf32, #tpu.memory_space<vmem_shared>>
      tpu.enqueue_dma source(%dma_start3A_264 : memref<64xf32, #tpu.memory_space<vmem_shared>>) target(%dma_start3A_262 : memref<64xf32, #tpu.memory_space<vmem>>) target_semaphore(%run_scoped3A_256 : memref<!tpu.dma_semaphore, #tpu.memory_space<semaphore_mem>>)
      %dma_wait3A_265 = arith.constant 0 : i32
      %dma_wait3A_266 = tpu.memref_slice %arg22[%dma_wait3A_265] : memref<1024xf32, #tpu.memory_space<vmem>> -> memref<64xf32, #tpu.memory_space<vmem>>
      %dma_wait3A_267 = tpu.memref_slice %arg25[%run_scoped3A, %mul3A_62] : memref<16x1024xf32, #tpu.memory_space<vmem_shared>> -> memref<1x64xf32, #tpu.memory_space<vmem_shared>>
      %dma_wait3A_268 = tpu.memref_squeeze %dma_wait3A_267 : memref<1x64xf32, #tpu.memory_space<vmem_shared>> -> memref<64xf32, #tpu.memory_space<vmem_shared>>
      %dma_wait3A_269 = arith.constant 0 : i32
      %dma_wait3A_270 = tpu.memref_slice %arg22[%dma_wait3A_269] : memref<1024xf32, #tpu.memory_space<vmem>> -> memref<64xf32, #tpu.memory_space<vmem>>
      %dma_wait3A_271 = tpu.memref_slice %arg25[%run_scoped3A, %mul3A_62] : memref<16x1024xf32, #tpu.memory_space<vmem_shared>> -> memref<1x64xf32, #tpu.memory_space<vmem_shared>>
      %dma_wait3A_272 = tpu.memref_squeeze %dma_wait3A_271 : memref<1x64xf32, #tpu.memory_space<vmem_shared>> -> memref<64xf32, #tpu.memory_space<vmem_shared>>
      tpu.wait_dma2 semaphore(%run_scoped3A_256 : memref<!tpu.dma_semaphore, #tpu.memory_space<semaphore_mem>>) src(%dma_wait3A_272 : memref<64xf32, #tpu.memory_space<vmem_shared>>) dst(%dma_wait3A_270 : memref<64xf32, #tpu.memory_space<vmem>>)
      tpu.yield
    }) : () -> ()
    %mul3A_63 = arith.constant 64 : i32
    %mul3A_64 = arith.muli %arg1, %mul3A_63 : i32
    %run_scoped3A_65 = arith.constant 1 : i32
    "tpu.region"() ({
      %run_scoped3A_256 = tpu.sem_alloc : memref<!tpu.dma_semaphore, #tpu.memory_space<semaphore_mem>>
      %dma_start3A_257 = arith.constant 64 : i32
      %dma_start3A_258 = tpu.memref_slice %arg22[%dma_start3A_257] : memref<1024xf32, #tpu.memory_space<vmem>> -> memref<64xf32, #tpu.memory_space<vmem>>
      %dma_start3A_259 = tpu.memref_slice %arg25[%run_scoped3A_65, %mul3A_64] : memref<16x1024xf32, #tpu.memory_space<vmem_shared>> -> memref<1x64xf32, #tpu.memory_space<vmem_shared>>
      %dma_start3A_260 = tpu.memref_squeeze %dma_start3A_259 : memref<1x64xf32, #tpu.memory_space<vmem_shared>> -> memref<64xf32, #tpu.memory_space<vmem_shared>>
      %dma_start3A_261 = arith.constant 64 : i32
      %dma_start3A_262 = tpu.memref_slice %arg22[%dma_start3A_261] : memref<1024xf32, #tpu.memory_space<vmem>> -> memref<64xf32, #tpu.memory_space<vmem>>
      %dma_start3A_263 = tpu.memref_slice %arg25[%run_scoped3A_65, %mul3A_64] : memref<16x1024xf32, #tpu.memory_space<vmem_shared>> -> memref<1x64xf32, #tpu.memory_space<vmem_shared>>
      %dma_start3A_264 = tpu.memref_squeeze %dma_start3A_263 : memref<1x64xf32, #tpu.memory_space<vmem_shared>> -> memref<64xf32, #tpu.memory_space<vmem_shared>>
      tpu.enqueue_dma source(%dma_start3A_264 : memref<64xf32, #tpu.memory_space<vmem_shared>>) target(%dma_start3A_262 : memref<64xf32, #tpu.memory_space<vmem>>) target_semaphore(%run_scoped3A_256 : memref<!tpu.dma_semaphore, #tpu.memory_space<semaphore_mem>>)
      %dma_wait3A_265 = arith.constant 64 : i32
      %dma_wait3A_266 = tpu.memref_slice %arg22[%dma_wait3A_265] : memref<1024xf32, #tpu.memory_space<vmem>> -> memref<64xf32, #tpu.memory_space<vmem>>
      %dma_wait3A_267 = tpu.memref_slice %arg25[%run_scoped3A_65, %mul3A_64] : memref<16x1024xf32, #tpu.memory_space<vmem_shared>> -> memref<1x64xf32, #tpu.memory_space<vmem_shared>>
      %dma_wait3A_268 = tpu.memref_squeeze %dma_wait3A_267 : memref<1x64xf32, #tpu.memory_space<vmem_shared>> -> memref<64xf32, #tpu.memory_space<vmem_shared>>
      %dma_wait3A_269 = arith.constant 64 : i32
      %dma_wait3A_270 = tpu.memref_slice %arg22[%dma_wait3A_269] : memref<1024xf32, #tpu.memory_space<vmem>> -> memref<64xf32, #tpu.memory_space<vmem>>
      %dma_wait3A_271 = tpu.memref_slice %arg25[%run_scoped3A_65, %mul3A_64] : memref<16x1024xf32, #tpu.memory_space<vmem_shared>> -> memref<1x64xf32, #tpu.memory_space<vmem_shared>>
      %dma_wait3A_272 = tpu.memref_squeeze %dma_wait3A_271 : memref<1x64xf32, #tpu.memory_space<vmem_shared>> -> memref<64xf32, #tpu.memory_space<vmem_shared>>
      tpu.wait_dma2 semaphore(%run_scoped3A_256 : memref<!tpu.dma_semaphore, #tpu.memory_space<semaphore_mem>>) src(%dma_wait3A_272 : memref<64xf32, #tpu.memory_space<vmem_shared>>) dst(%dma_wait3A_270 : memref<64xf32, #tpu.memory_space<vmem>>)
      tpu.yield
    }) : () -> ()
    %mul3A_66 = arith.constant 64 : i32
    %mul3A_67 = arith.muli %arg1, %mul3A_66 : i32
    %run_scoped3A_68 = arith.constant 2 : i32
    "tpu.region"() ({
      %run_scoped3A_256 = tpu.sem_alloc : memref<!tpu.dma_semaphore, #tpu.memory_space<semaphore_mem>>
      %dma_start3A_257 = arith.constant 128 : i32
      %dma_start3A_258 = tpu.memref_slice %arg22[%dma_start3A_257] : memref<1024xf32, #tpu.memory_space<vmem>> -> memref<64xf32, #tpu.memory_space<vmem>>
      %dma_start3A_259 = tpu.memref_slice %arg25[%run_scoped3A_68, %mul3A_67] : memref<16x1024xf32, #tpu.memory_space<vmem_shared>> -> memref<1x64xf32, #tpu.memory_space<vmem_shared>>
      %dma_start3A_260 = tpu.memref_squeeze %dma_start3A_259 : memref<1x64xf32, #tpu.memory_space<vmem_shared>> -> memref<64xf32, #tpu.memory_space<vmem_shared>>
      %dma_start3A_261 = arith.constant 128 : i32
      %dma_start3A_262 = tpu.memref_slice %arg22[%dma_start3A_261] : memref<1024xf32, #tpu.memory_space<vmem>> -> memref<64xf32, #tpu.memory_space<vmem>>
      %dma_start3A_263 = tpu.memref_slice %arg25[%run_scoped3A_68, %mul3A_67] : memref<16x1024xf32, #tpu.memory_space<vmem_shared>> -> memref<1x64xf32, #tpu.memory_space<vmem_shared>>
      %dma_start3A_264 = tpu.memref_squeeze %dma_start3A_263 : memref<1x64xf32, #tpu.memory_space<vmem_shared>> -> memref<64xf32, #tpu.memory_space<vmem_shared>>
      tpu.enqueue_dma source(%dma_start3A_264 : memref<64xf32, #tpu.memory_space<vmem_shared>>) target(%dma_start3A_262 : memref<64xf32, #tpu.memory_space<vmem>>) target_semaphore(%run_scoped3A_256 : memref<!tpu.dma_semaphore, #tpu.memory_space<semaphore_mem>>)
      %dma_wait3A_265 = arith.constant 128 : i32
      %dma_wait3A_266 = tpu.memref_slice %arg22[%dma_wait3A_265] : memref<1024xf32, #tpu.memory_space<vmem>> -> memref<64xf32, #tpu.memory_space<vmem>>
      %dma_wait3A_267 = tpu.memref_slice %arg25[%run_scoped3A_68, %mul3A_67] : memref<16x1024xf32, #tpu.memory_space<vmem_shared>> -> memref<1x64xf32, #tpu.memory_space<vmem_shared>>
      %dma_wait3A_268 = tpu.memref_squeeze %dma_wait3A_267 : memref<1x64xf32, #tpu.memory_space<vmem_shared>> -> memref<64xf32, #tpu.memory_space<vmem_shared>>
      %dma_wait3A_269 = arith.constant 128 : i32
      %dma_wait3A_270 = tpu.memref_slice %arg22[%dma_wait3A_269] : memref<1024xf32, #tpu.memory_space<vmem>> -> memref<64xf32, #tpu.memory_space<vmem>>
      %dma_wait3A_271 = tpu.memref_slice %arg25[%run_scoped3A_68, %mul3A_67] : memref<16x1024xf32, #tpu.memory_space<vmem_shared>> -> memref<1x64xf32, #tpu.memory_space<vmem_shared>>
      %dma_wait3A_272 = tpu.memref_squeeze %dma_wait3A_271 : memref<1x64xf32, #tpu.memory_space<vmem_shared>> -> memref<64xf32, #tpu.memory_space<vmem_shared>>
      tpu.wait_dma2 semaphore(%run_scoped3A_256 : memref<!tpu.dma_semaphore, #tpu.memory_space<semaphore_mem>>) src(%dma_wait3A_272 : memref<64xf32, #tpu.memory_space<vmem_shared>>) dst(%dma_wait3A_270 : memref<64xf32, #tpu.memory_space<vmem>>)
      tpu.yield
    }) : () -> ()
    %mul3A_69 = arith.constant 64 : i32
    %mul3A_70 = arith.muli %arg1, %mul3A_69 : i32
    %run_scoped3A_71 = arith.constant 3 : i32
    "tpu.region"() ({
      %run_scoped3A_256 = tpu.sem_alloc : memref<!tpu.dma_semaphore, #tpu.memory_space<semaphore_mem>>
      %dma_start3A_257 = arith.constant 192 : i32
      %dma_start3A_258 = tpu.memref_slice %arg22[%dma_start3A_257] : memref<1024xf32, #tpu.memory_space<vmem>> -> memref<64xf32, #tpu.memory_space<vmem>>
      %dma_start3A_259 = tpu.memref_slice %arg25[%run_scoped3A_71, %mul3A_70] : memref<16x1024xf32, #tpu.memory_space<vmem_shared>> -> memref<1x64xf32, #tpu.memory_space<vmem_shared>>
      %dma_start3A_260 = tpu.memref_squeeze %dma_start3A_259 : memref<1x64xf32, #tpu.memory_space<vmem_shared>> -> memref<64xf32, #tpu.memory_space<vmem_shared>>
      %dma_start3A_261 = arith.constant 192 : i32
      %dma_start3A_262 = tpu.memref_slice %arg22[%dma_start3A_261] : memref<1024xf32, #tpu.memory_space<vmem>> -> memref<64xf32, #tpu.memory_space<vmem>>
      %dma_start3A_263 = tpu.memref_slice %arg25[%run_scoped3A_71, %mul3A_70] : memref<16x1024xf32, #tpu.memory_space<vmem_shared>> -> memref<1x64xf32, #tpu.memory_space<vmem_shared>>
      %dma_start3A_264 = tpu.memref_squeeze %dma_start3A_263 : memref<1x64xf32, #tpu.memory_space<vmem_shared>> -> memref<64xf32, #tpu.memory_space<vmem_shared>>
      tpu.enqueue_dma source(%dma_start3A_264 : memref<64xf32, #tpu.memory_space<vmem_shared>>) target(%dma_start3A_262 : memref<64xf32, #tpu.memory_space<vmem>>) target_semaphore(%run_scoped3A_256 : memref<!tpu.dma_semaphore, #tpu.memory_space<semaphore_mem>>)
      %dma_wait3A_265 = arith.constant 192 : i32
      %dma_wait3A_266 = tpu.memref_slice %arg22[%dma_wait3A_265] : memref<1024xf32, #tpu.memory_space<vmem>> -> memref<64xf32, #tpu.memory_space<vmem>>
      %dma_wait3A_267 = tpu.memref_slice %arg25[%run_scoped3A_71, %mul3A_70] : memref<16x1024xf32, #tpu.memory_space<vmem_shared>> -> memref<1x64xf32, #tpu.memory_space<vmem_shared>>
      %dma_wait3A_268 = tpu.memref_squeeze %dma_wait3A_267 : memref<1x64xf32, #tpu.memory_space<vmem_shared>> -> memref<64xf32, #tpu.memory_space<vmem_shared>>
      %dma_wait3A_269 = arith.constant 192 : i32
      %dma_wait3A_270 = tpu.memref_slice %arg22[%dma_wait3A_269] : memref<1024xf32, #tpu.memory_space<vmem>> -> memref<64xf32, #tpu.memory_space<vmem>>
      %dma_wait3A_271 = tpu.memref_slice %arg25[%run_scoped3A_71, %mul3A_70] : memref<16x1024xf32, #tpu.memory_space<vmem_shared>> -> memref<1x64xf32, #tpu.memory_space<vmem_shared>>
      %dma_wait3A_272 = tpu.memref_squeeze %dma_wait3A_271 : memref<1x64xf32, #tpu.memory_space<vmem_shared>> -> memref<64xf32, #tpu.memory_space<vmem_shared>>
      tpu.wait_dma2 semaphore(%run_scoped3A_256 : memref<!tpu.dma_semaphore, #tpu.memory_space<semaphore_mem>>) src(%dma_wait3A_272 : memref<64xf32, #tpu.memory_space<vmem_shared>>) dst(%dma_wait3A_270 : memref<64xf32, #tpu.memory_space<vmem>>)
      tpu.yield
    }) : () -> ()
    %mul3A_72 = arith.constant 64 : i32
    %mul3A_73 = arith.muli %arg1, %mul3A_72 : i32
    %run_scoped3A_74 = arith.constant 4 : i32
    "tpu.region"() ({
      %run_scoped3A_256 = tpu.sem_alloc : memref<!tpu.dma_semaphore, #tpu.memory_space<semaphore_mem>>
      %dma_start3A_257 = arith.constant 256 : i32
      %dma_start3A_258 = tpu.memref_slice %arg22[%dma_start3A_257] : memref<1024xf32, #tpu.memory_space<vmem>> -> memref<64xf32, #tpu.memory_space<vmem>>
      %dma_start3A_259 = tpu.memref_slice %arg25[%run_scoped3A_74, %mul3A_73] : memref<16x1024xf32, #tpu.memory_space<vmem_shared>> -> memref<1x64xf32, #tpu.memory_space<vmem_shared>>
      %dma_start3A_260 = tpu.memref_squeeze %dma_start3A_259 : memref<1x64xf32, #tpu.memory_space<vmem_shared>> -> memref<64xf32, #tpu.memory_space<vmem_shared>>
      %dma_start3A_261 = arith.constant 256 : i32
      %dma_start3A_262 = tpu.memref_slice %arg22[%dma_start3A_261] : memref<1024xf32, #tpu.memory_space<vmem>> -> memref<64xf32, #tpu.memory_space<vmem>>
      %dma_start3A_263 = tpu.memref_slice %arg25[%run_scoped3A_74, %mul3A_73] : memref<16x1024xf32, #tpu.memory_space<vmem_shared>> -> memref<1x64xf32, #tpu.memory_space<vmem_shared>>
      %dma_start3A_264 = tpu.memref_squeeze %dma_start3A_263 : memref<1x64xf32, #tpu.memory_space<vmem_shared>> -> memref<64xf32, #tpu.memory_space<vmem_shared>>
      tpu.enqueue_dma source(%dma_start3A_264 : memref<64xf32, #tpu.memory_space<vmem_shared>>) target(%dma_start3A_262 : memref<64xf32, #tpu.memory_space<vmem>>) target_semaphore(%run_scoped3A_256 : memref<!tpu.dma_semaphore, #tpu.memory_space<semaphore_mem>>)
      %dma_wait3A_265 = arith.constant 256 : i32
      %dma_wait3A_266 = tpu.memref_slice %arg22[%dma_wait3A_265] : memref<1024xf32, #tpu.memory_space<vmem>> -> memref<64xf32, #tpu.memory_space<vmem>>
      %dma_wait3A_267 = tpu.memref_slice %arg25[%run_scoped3A_74, %mul3A_73] : memref<16x1024xf32, #tpu.memory_space<vmem_shared>> -> memref<1x64xf32, #tpu.memory_space<vmem_shared>>
      %dma_wait3A_268 = tpu.memref_squeeze %dma_wait3A_267 : memref<1x64xf32, #tpu.memory_space<vmem_shared>> -> memref<64xf32, #tpu.memory_space<vmem_shared>>
      %dma_wait3A_269 = arith.constant 256 : i32
      %dma_wait3A_270 = tpu.memref_slice %arg22[%dma_wait3A_269] : memref<1024xf32, #tpu.memory_space<vmem>> -> memref<64xf32, #tpu.memory_space<vmem>>
      %dma_wait3A_271 = tpu.memref_slice %arg25[%run_scoped3A_74, %mul3A_73] : memref<16x1024xf32, #tpu.memory_space<vmem_shared>> -> memref<1x64xf32, #tpu.memory_space<vmem_shared>>
      %dma_wait3A_272 = tpu.memref_squeeze %dma_wait3A_271 : memref<1x64xf32, #tpu.memory_space<vmem_shared>> -> memref<64xf32, #tpu.memory_space<vmem_shared>>
      tpu.wait_dma2 semaphore(%run_scoped3A_256 : memref<!tpu.dma_semaphore, #tpu.memory_space<semaphore_mem>>) src(%dma_wait3A_272 : memref<64xf32, #tpu.memory_space<vmem_shared>>) dst(%dma_wait3A_270 : memref<64xf32, #tpu.memory_space<vmem>>)
      tpu.yield
    }) : () -> ()
    %mul3A_75 = arith.constant 64 : i32
    %mul3A_76 = arith.muli %arg1, %mul3A_75 : i32
    %run_scoped3A_77 = arith.constant 5 : i32
    "tpu.region"() ({
      %run_scoped3A_256 = tpu.sem_alloc : memref<!tpu.dma_semaphore, #tpu.memory_space<semaphore_mem>>
      %dma_start3A_257 = arith.constant 320 : i32
      %dma_start3A_258 = tpu.memref_slice %arg22[%dma_start3A_257] : memref<1024xf32, #tpu.memory_space<vmem>> -> memref<64xf32, #tpu.memory_space<vmem>>
      %dma_start3A_259 = tpu.memref_slice %arg25[%run_scoped3A_77, %mul3A_76] : memref<16x1024xf32, #tpu.memory_space<vmem_shared>> -> memref<1x64xf32, #tpu.memory_space<vmem_shared>>
      %dma_start3A_260 = tpu.memref_squeeze %dma_start3A_259 : memref<1x64xf32, #tpu.memory_space<vmem_shared>> -> memref<64xf32, #tpu.memory_space<vmem_shared>>
      %dma_start3A_261 = arith.constant 320 : i32
      %dma_start3A_262 = tpu.memref_slice %arg22[%dma_start3A_261] : memref<1024xf32, #tpu.memory_space<vmem>> -> memref<64xf32, #tpu.memory_space<vmem>>
      %dma_start3A_263 = tpu.memref_slice %arg25[%run_scoped3A_77, %mul3A_76] : memref<16x1024xf32, #tpu.memory_space<vmem_shared>> -> memref<1x64xf32, #tpu.memory_space<vmem_shared>>
      %dma_start3A_264 = tpu.memref_squeeze %dma_start3A_263 : memref<1x64xf32, #tpu.memory_space<vmem_shared>> -> memref<64xf32, #tpu.memory_space<vmem_shared>>
      tpu.enqueue_dma source(%dma_start3A_264 : memref<64xf32, #tpu.memory_space<vmem_shared>>) target(%dma_start3A_262 : memref<64xf32, #tpu.memory_space<vmem>>) target_semaphore(%run_scoped3A_256 : memref<!tpu.dma_semaphore, #tpu.memory_space<semaphore_mem>>)
      %dma_wait3A_265 = arith.constant 320 : i32
      %dma_wait3A_266 = tpu.memref_slice %arg22[%dma_wait3A_265] : memref<1024xf32, #tpu.memory_space<vmem>> -> memref<64xf32, #tpu.memory_space<vmem>>
      %dma_wait3A_267 = tpu.memref_slice %arg25[%run_scoped3A_77, %mul3A_76] : memref<16x1024xf32, #tpu.memory_space<vmem_shared>> -> memref<1x64xf32, #tpu.memory_space<vmem_shared>>
      %dma_wait3A_268 = tpu.memref_squeeze %dma_wait3A_267 : memref<1x64xf32, #tpu.memory_space<vmem_shared>> -> memref<64xf32, #tpu.memory_space<vmem_shared>>
      %dma_wait3A_269 = arith.constant 320 : i32
      %dma_wait3A_270 = tpu.memref_slice %arg22[%dma_wait3A_269] : memref<1024xf32, #tpu.memory_space<vmem>> -> memref<64xf32, #tpu.memory_space<vmem>>
      %dma_wait3A_271 = tpu.memref_slice %arg25[%run_scoped3A_77, %mul3A_76] : memref<16x1024xf32, #tpu.memory_space<vmem_shared>> -> memref<1x64xf32, #tpu.memory_space<vmem_shared>>
      %dma_wait3A_272 = tpu.memref_squeeze %dma_wait3A_271 : memref<1x64xf32, #tpu.memory_space<vmem_shared>> -> memref<64xf32, #tpu.memory_space<vmem_shared>>
      tpu.wait_dma2 semaphore(%run_scoped3A_256 : memref<!tpu.dma_semaphore, #tpu.memory_space<semaphore_mem>>) src(%dma_wait3A_272 : memref<64xf32, #tpu.memory_space<vmem_shared>>) dst(%dma_wait3A_270 : memref<64xf32, #tpu.memory_space<vmem>>)
      tpu.yield
    }) : () -> ()
    %mul3A_78 = arith.constant 64 : i32
    %mul3A_79 = arith.muli %arg1, %mul3A_78 : i32
    %run_scoped3A_80 = arith.constant 6 : i32
    "tpu.region"() ({
      %run_scoped3A_256 = tpu.sem_alloc : memref<!tpu.dma_semaphore, #tpu.memory_space<semaphore_mem>>
      %dma_start3A_257 = arith.constant 384 : i32
      %dma_start3A_258 = tpu.memref_slice %arg22[%dma_start3A_257] : memref<1024xf32, #tpu.memory_space<vmem>> -> memref<64xf32, #tpu.memory_space<vmem>>
      %dma_start3A_259 = tpu.memref_slice %arg25[%run_scoped3A_80, %mul3A_79] : memref<16x1024xf32, #tpu.memory_space<vmem_shared>> -> memref<1x64xf32, #tpu.memory_space<vmem_shared>>
      %dma_start3A_260 = tpu.memref_squeeze %dma_start3A_259 : memref<1x64xf32, #tpu.memory_space<vmem_shared>> -> memref<64xf32, #tpu.memory_space<vmem_shared>>
      %dma_start3A_261 = arith.constant 384 : i32
      %dma_start3A_262 = tpu.memref_slice %arg22[%dma_start3A_261] : memref<1024xf32, #tpu.memory_space<vmem>> -> memref<64xf32, #tpu.memory_space<vmem>>
      %dma_start3A_263 = tpu.memref_slice %arg25[%run_scoped3A_80, %mul3A_79] : memref<16x1024xf32, #tpu.memory_space<vmem_shared>> -> memref<1x64xf32, #tpu.memory_space<vmem_shared>>
      %dma_start3A_264 = tpu.memref_squeeze %dma_start3A_263 : memref<1x64xf32, #tpu.memory_space<vmem_shared>> -> memref<64xf32, #tpu.memory_space<vmem_shared>>
      tpu.enqueue_dma source(%dma_start3A_264 : memref<64xf32, #tpu.memory_space<vmem_shared>>) target(%dma_start3A_262 : memref<64xf32, #tpu.memory_space<vmem>>) target_semaphore(%run_scoped3A_256 : memref<!tpu.dma_semaphore, #tpu.memory_space<semaphore_mem>>)
      %dma_wait3A_265 = arith.constant 384 : i32
      %dma_wait3A_266 = tpu.memref_slice %arg22[%dma_wait3A_265] : memref<1024xf32, #tpu.memory_space<vmem>> -> memref<64xf32, #tpu.memory_space<vmem>>
      %dma_wait3A_267 = tpu.memref_slice %arg25[%run_scoped3A_80, %mul3A_79] : memref<16x1024xf32, #tpu.memory_space<vmem_shared>> -> memref<1x64xf32, #tpu.memory_space<vmem_shared>>
      %dma_wait3A_268 = tpu.memref_squeeze %dma_wait3A_267 : memref<1x64xf32, #tpu.memory_space<vmem_shared>> -> memref<64xf32, #tpu.memory_space<vmem_shared>>
      %dma_wait3A_269 = arith.constant 384 : i32
      %dma_wait3A_270 = tpu.memref_slice %arg22[%dma_wait3A_269] : memref<1024xf32, #tpu.memory_space<vmem>> -> memref<64xf32, #tpu.memory_space<vmem>>
      %dma_wait3A_271 = tpu.memref_slice %arg25[%run_scoped3A_80, %mul3A_79] : memref<16x1024xf32, #tpu.memory_space<vmem_shared>> -> memref<1x64xf32, #tpu.memory_space<vmem_shared>>
      %dma_wait3A_272 = tpu.memref_squeeze %dma_wait3A_271 : memref<1x64xf32, #tpu.memory_space<vmem_shared>> -> memref<64xf32, #tpu.memory_space<vmem_shared>>
      tpu.wait_dma2 semaphore(%run_scoped3A_256 : memref<!tpu.dma_semaphore, #tpu.memory_space<semaphore_mem>>) src(%dma_wait3A_272 : memref<64xf32, #tpu.memory_space<vmem_shared>>) dst(%dma_wait3A_270 : memref<64xf32, #tpu.memory_space<vmem>>)
      tpu.yield
    }) : () -> ()
    %mul3A_81 = arith.constant 64 : i32
    %mul3A_82 = arith.muli %arg1, %mul3A_81 : i32
    %run_scoped3A_83 = arith.constant 7 : i32
    "tpu.region"() ({
      %run_scoped3A_256 = tpu.sem_alloc : memref<!tpu.dma_semaphore, #tpu.memory_space<semaphore_mem>>
      %dma_start3A_257 = arith.constant 448 : i32
      %dma_start3A_258 = tpu.memref_slice %arg22[%dma_start3A_257] : memref<1024xf32, #tpu.memory_space<vmem>> -> memref<64xf32, #tpu.memory_space<vmem>>
      %dma_start3A_259 = tpu.memref_slice %arg25[%run_scoped3A_83, %mul3A_82] : memref<16x1024xf32, #tpu.memory_space<vmem_shared>> -> memref<1x64xf32, #tpu.memory_space<vmem_shared>>
      %dma_start3A_260 = tpu.memref_squeeze %dma_start3A_259 : memref<1x64xf32, #tpu.memory_space<vmem_shared>> -> memref<64xf32, #tpu.memory_space<vmem_shared>>
      %dma_start3A_261 = arith.constant 448 : i32
      %dma_start3A_262 = tpu.memref_slice %arg22[%dma_start3A_261] : memref<1024xf32, #tpu.memory_space<vmem>> -> memref<64xf32, #tpu.memory_space<vmem>>
      %dma_start3A_263 = tpu.memref_slice %arg25[%run_scoped3A_83, %mul3A_82] : memref<16x1024xf32, #tpu.memory_space<vmem_shared>> -> memref<1x64xf32, #tpu.memory_space<vmem_shared>>
      %dma_start3A_264 = tpu.memref_squeeze %dma_start3A_263 : memref<1x64xf32, #tpu.memory_space<vmem_shared>> -> memref<64xf32, #tpu.memory_space<vmem_shared>>
      tpu.enqueue_dma source(%dma_start3A_264 : memref<64xf32, #tpu.memory_space<vmem_shared>>) target(%dma_start3A_262 : memref<64xf32, #tpu.memory_space<vmem>>) target_semaphore(%run_scoped3A_256 : memref<!tpu.dma_semaphore, #tpu.memory_space<semaphore_mem>>)
      %dma_wait3A_265 = arith.constant 448 : i32
      %dma_wait3A_266 = tpu.memref_slice %arg22[%dma_wait3A_265] : memref<1024xf32, #tpu.memory_space<vmem>> -> memref<64xf32, #tpu.memory_space<vmem>>
      %dma_wait3A_267 = tpu.memref_slice %arg25[%run_scoped3A_83, %mul3A_82] : memref<16x1024xf32, #tpu.memory_space<vmem_shared>> -> memref<1x64xf32, #tpu.memory_space<vmem_shared>>
      %dma_wait3A_268 = tpu.memref_squeeze %dma_wait3A_267 : memref<1x64xf32, #tpu.memory_space<vmem_shared>> -> memref<64xf32, #tpu.memory_space<vmem_shared>>
      %dma_wait3A_269 = arith.constant 448 : i32
      %dma_wait3A_270 = tpu.memref_slice %arg22[%dma_wait3A_269] : memref<1024xf32, #tpu.memory_space<vmem>> -> memref<64xf32, #tpu.memory_space<vmem>>
      %dma_wait3A_271 = tpu.memref_slice %arg25[%run_scoped3A_83, %mul3A_82] : memref<16x1024xf32, #tpu.memory_space<vmem_shared>> -> memref<1x64xf32, #tpu.memory_space<vmem_shared>>
      %dma_wait3A_272 = tpu.memref_squeeze %dma_wait3A_271 : memref<1x64xf32, #tpu.memory_space<vmem_shared>> -> memref<64xf32, #tpu.memory_space<vmem_shared>>
      tpu.wait_dma2 semaphore(%run_scoped3A_256 : memref<!tpu.dma_semaphore, #tpu.memory_space<semaphore_mem>>) src(%dma_wait3A_272 : memref<64xf32, #tpu.memory_space<vmem_shared>>) dst(%dma_wait3A_270 : memref<64xf32, #tpu.memory_space<vmem>>)
      tpu.yield
    }) : () -> ()
    %mul3A_84 = arith.constant 64 : i32
    %mul3A_85 = arith.muli %arg1, %mul3A_84 : i32
    %run_scoped3A_86 = arith.constant 8 : i32
    "tpu.region"() ({
      %run_scoped3A_256 = tpu.sem_alloc : memref<!tpu.dma_semaphore, #tpu.memory_space<semaphore_mem>>
      %dma_start3A_257 = arith.constant 512 : i32
      %dma_start3A_258 = tpu.memref_slice %arg22[%dma_start3A_257] : memref<1024xf32, #tpu.memory_space<vmem>> -> memref<64xf32, #tpu.memory_space<vmem>>
      %dma_start3A_259 = tpu.memref_slice %arg25[%run_scoped3A_86, %mul3A_85] : memref<16x1024xf32, #tpu.memory_space<vmem_shared>> -> memref<1x64xf32, #tpu.memory_space<vmem_shared>>
      %dma_start3A_260 = tpu.memref_squeeze %dma_start3A_259 : memref<1x64xf32, #tpu.memory_space<vmem_shared>> -> memref<64xf32, #tpu.memory_space<vmem_shared>>
      %dma_start3A_261 = arith.constant 512 : i32
      %dma_start3A_262 = tpu.memref_slice %arg22[%dma_start3A_261] : memref<1024xf32, #tpu.memory_space<vmem>> -> memref<64xf32, #tpu.memory_space<vmem>>
      %dma_start3A_263 = tpu.memref_slice %arg25[%run_scoped3A_86, %mul3A_85] : memref<16x1024xf32, #tpu.memory_space<vmem_shared>> -> memref<1x64xf32, #tpu.memory_space<vmem_shared>>
      %dma_start3A_264 = tpu.memref_squeeze %dma_start3A_263 : memref<1x64xf32, #tpu.memory_space<vmem_shared>> -> memref<64xf32, #tpu.memory_space<vmem_shared>>
      tpu.enqueue_dma source(%dma_start3A_264 : memref<64xf32, #tpu.memory_space<vmem_shared>>) target(%dma_start3A_262 : memref<64xf32, #tpu.memory_space<vmem>>) target_semaphore(%run_scoped3A_256 : memref<!tpu.dma_semaphore, #tpu.memory_space<semaphore_mem>>)
      %dma_wait3A_265 = arith.constant 512 : i32
      %dma_wait3A_266 = tpu.memref_slice %arg22[%dma_wait3A_265] : memref<1024xf32, #tpu.memory_space<vmem>> -> memref<64xf32, #tpu.memory_space<vmem>>
      %dma_wait3A_267 = tpu.memref_slice %arg25[%run_scoped3A_86, %mul3A_85] : memref<16x1024xf32, #tpu.memory_space<vmem_shared>> -> memref<1x64xf32, #tpu.memory_space<vmem_shared>>
      %dma_wait3A_268 = tpu.memref_squeeze %dma_wait3A_267 : memref<1x64xf32, #tpu.memory_space<vmem_shared>> -> memref<64xf32, #tpu.memory_space<vmem_shared>>
      %dma_wait3A_269 = arith.constant 512 : i32
      %dma_wait3A_270 = tpu.memref_slice %arg22[%dma_wait3A_269] : memref<1024xf32, #tpu.memory_space<vmem>> -> memref<64xf32, #tpu.memory_space<vmem>>
      %dma_wait3A_271 = tpu.memref_slice %arg25[%run_scoped3A_86, %mul3A_85] : memref<16x1024xf32, #tpu.memory_space<vmem_shared>> -> memref<1x64xf32, #tpu.memory_space<vmem_shared>>
      %dma_wait3A_272 = tpu.memref_squeeze %dma_wait3A_271 : memref<1x64xf32, #tpu.memory_space<vmem_shared>> -> memref<64xf32, #tpu.memory_space<vmem_shared>>
      tpu.wait_dma2 semaphore(%run_scoped3A_256 : memref<!tpu.dma_semaphore, #tpu.memory_space<semaphore_mem>>) src(%dma_wait3A_272 : memref<64xf32, #tpu.memory_space<vmem_shared>>) dst(%dma_wait3A_270 : memref<64xf32, #tpu.memory_space<vmem>>)
      tpu.yield
    }) : () -> ()
    %mul3A_87 = arith.constant 64 : i32
    %mul3A_88 = arith.muli %arg1, %mul3A_87 : i32
    %run_scoped3A_89 = arith.constant 9 : i32
    "tpu.region"() ({
      %run_scoped3A_256 = tpu.sem_alloc : memref<!tpu.dma_semaphore, #tpu.memory_space<semaphore_mem>>
      %dma_start3A_257 = arith.constant 576 : i32
      %dma_start3A_258 = tpu.memref_slice %arg22[%dma_start3A_257] : memref<1024xf32, #tpu.memory_space<vmem>> -> memref<64xf32, #tpu.memory_space<vmem>>
      %dma_start3A_259 = tpu.memref_slice %arg25[%run_scoped3A_89, %mul3A_88] : memref<16x1024xf32, #tpu.memory_space<vmem_shared>> -> memref<1x64xf32, #tpu.memory_space<vmem_shared>>
      %dma_start3A_260 = tpu.memref_squeeze %dma_start3A_259 : memref<1x64xf32, #tpu.memory_space<vmem_shared>> -> memref<64xf32, #tpu.memory_space<vmem_shared>>
      %dma_start3A_261 = arith.constant 576 : i32
      %dma_start3A_262 = tpu.memref_slice %arg22[%dma_start3A_261] : memref<1024xf32, #tpu.memory_space<vmem>> -> memref<64xf32, #tpu.memory_space<vmem>>
      %dma_start3A_263 = tpu.memref_slice %arg25[%run_scoped3A_89, %mul3A_88] : memref<16x1024xf32, #tpu.memory_space<vmem_shared>> -> memref<1x64xf32, #tpu.memory_space<vmem_shared>>
      %dma_start3A_264 = tpu.memref_squeeze %dma_start3A_263 : memref<1x64xf32, #tpu.memory_space<vmem_shared>> -> memref<64xf32, #tpu.memory_space<vmem_shared>>
      tpu.enqueue_dma source(%dma_start3A_264 : memref<64xf32, #tpu.memory_space<vmem_shared>>) target(%dma_start3A_262 : memref<64xf32, #tpu.memory_space<vmem>>) target_semaphore(%run_scoped3A_256 : memref<!tpu.dma_semaphore, #tpu.memory_space<semaphore_mem>>)
      %dma_wait3A_265 = arith.constant 576 : i32
      %dma_wait3A_266 = tpu.memref_slice %arg22[%dma_wait3A_265] : memref<1024xf32, #tpu.memory_space<vmem>> -> memref<64xf32, #tpu.memory_space<vmem>>
      %dma_wait3A_267 = tpu.memref_slice %arg25[%run_scoped3A_89, %mul3A_88] : memref<16x1024xf32, #tpu.memory_space<vmem_shared>> -> memref<1x64xf32, #tpu.memory_space<vmem_shared>>
      %dma_wait3A_268 = tpu.memref_squeeze %dma_wait3A_267 : memref<1x64xf32, #tpu.memory_space<vmem_shared>> -> memref<64xf32, #tpu.memory_space<vmem_shared>>
      %dma_wait3A_269 = arith.constant 576 : i32
      %dma_wait3A_270 = tpu.memref_slice %arg22[%dma_wait3A_269] : memref<1024xf32, #tpu.memory_space<vmem>> -> memref<64xf32, #tpu.memory_space<vmem>>
      %dma_wait3A_271 = tpu.memref_slice %arg25[%run_scoped3A_89, %mul3A_88] : memref<16x1024xf32, #tpu.memory_space<vmem_shared>> -> memref<1x64xf32, #tpu.memory_space<vmem_shared>>
      %dma_wait3A_272 = tpu.memref_squeeze %dma_wait3A_271 : memref<1x64xf32, #tpu.memory_space<vmem_shared>> -> memref<64xf32, #tpu.memory_space<vmem_shared>>
      tpu.wait_dma2 semaphore(%run_scoped3A_256 : memref<!tpu.dma_semaphore, #tpu.memory_space<semaphore_mem>>) src(%dma_wait3A_272 : memref<64xf32, #tpu.memory_space<vmem_shared>>) dst(%dma_wait3A_270 : memref<64xf32, #tpu.memory_space<vmem>>)
      tpu.yield
    }) : () -> ()
    %mul3A_90 = arith.constant 64 : i32
    %mul3A_91 = arith.muli %arg1, %mul3A_90 : i32
    %run_scoped3A_92 = arith.constant 10 : i32
    "tpu.region"() ({
      %run_scoped3A_256 = tpu.sem_alloc : memref<!tpu.dma_semaphore, #tpu.memory_space<semaphore_mem>>
      %dma_start3A_257 = arith.constant 640 : i32
      %dma_start3A_258 = tpu.memref_slice %arg22[%dma_start3A_257] : memref<1024xf32, #tpu.memory_space<vmem>> -> memref<64xf32, #tpu.memory_space<vmem>>
      %dma_start3A_259 = tpu.memref_slice %arg25[%run_scoped3A_92, %mul3A_91] : memref<16x1024xf32, #tpu.memory_space<vmem_shared>> -> memref<1x64xf32, #tpu.memory_space<vmem_shared>>
      %dma_start3A_260 = tpu.memref_squeeze %dma_start3A_259 : memref<1x64xf32, #tpu.memory_space<vmem_shared>> -> memref<64xf32, #tpu.memory_space<vmem_shared>>
      %dma_start3A_261 = arith.constant 640 : i32
      %dma_start3A_262 = tpu.memref_slice %arg22[%dma_start3A_261] : memref<1024xf32, #tpu.memory_space<vmem>> -> memref<64xf32, #tpu.memory_space<vmem>>
      %dma_start3A_263 = tpu.memref_slice %arg25[%run_scoped3A_92, %mul3A_91] : memref<16x1024xf32, #tpu.memory_space<vmem_shared>> -> memref<1x64xf32, #tpu.memory_space<vmem_shared>>
      %dma_start3A_264 = tpu.memref_squeeze %dma_start3A_263 : memref<1x64xf32, #tpu.memory_space<vmem_shared>> -> memref<64xf32, #tpu.memory_space<vmem_shared>>
      tpu.enqueue_dma source(%dma_start3A_264 : memref<64xf32, #tpu.memory_space<vmem_shared>>) target(%dma_start3A_262 : memref<64xf32, #tpu.memory_space<vmem>>) target_semaphore(%run_scoped3A_256 : memref<!tpu.dma_semaphore, #tpu.memory_space<semaphore_mem>>)
      %dma_wait3A_265 = arith.constant 640 : i32
      %dma_wait3A_266 = tpu.memref_slice %arg22[%dma_wait3A_265] : memref<1024xf32, #tpu.memory_space<vmem>> -> memref<64xf32, #tpu.memory_space<vmem>>
      %dma_wait3A_267 = tpu.memref_slice %arg25[%run_scoped3A_92, %mul3A_91] : memref<16x1024xf32, #tpu.memory_space<vmem_shared>> -> memref<1x64xf32, #tpu.memory_space<vmem_shared>>
      %dma_wait3A_268 = tpu.memref_squeeze %dma_wait3A_267 : memref<1x64xf32, #tpu.memory_space<vmem_shared>> -> memref<64xf32, #tpu.memory_space<vmem_shared>>
      %dma_wait3A_269 = arith.constant 640 : i32
      %dma_wait3A_270 = tpu.memref_slice %arg22[%dma_wait3A_269] : memref<1024xf32, #tpu.memory_space<vmem>> -> memref<64xf32, #tpu.memory_space<vmem>>
      %dma_wait3A_271 = tpu.memref_slice %arg25[%run_scoped3A_92, %mul3A_91] : memref<16x1024xf32, #tpu.memory_space<vmem_shared>> -> memref<1x64xf32, #tpu.memory_space<vmem_shared>>
      %dma_wait3A_272 = tpu.memref_squeeze %dma_wait3A_271 : memref<1x64xf32, #tpu.memory_space<vmem_shared>> -> memref<64xf32, #tpu.memory_space<vmem_shared>>
      tpu.wait_dma2 semaphore(%run_scoped3A_256 : memref<!tpu.dma_semaphore, #tpu.memory_space<semaphore_mem>>) src(%dma_wait3A_272 : memref<64xf32, #tpu.memory_space<vmem_shared>>) dst(%dma_wait3A_270 : memref<64xf32, #tpu.memory_space<vmem>>)
      tpu.yield
    }) : () -> ()
    %mul3A_93 = arith.constant 64 : i32
    %mul3A_94 = arith.muli %arg1, %mul3A_93 : i32
    %run_scoped3A_95 = arith.constant 11 : i32
    "tpu.region"() ({
      %run_scoped3A_256 = tpu.sem_alloc : memref<!tpu.dma_semaphore, #tpu.memory_space<semaphore_mem>>
      %dma_start3A_257 = arith.constant 704 : i32
      %dma_start3A_258 = tpu.memref_slice %arg22[%dma_start3A_257] : memref<1024xf32, #tpu.memory_space<vmem>> -> memref<64xf32, #tpu.memory_space<vmem>>
      %dma_start3A_259 = tpu.memref_slice %arg25[%run_scoped3A_95, %mul3A_94] : memref<16x1024xf32, #tpu.memory_space<vmem_shared>> -> memref<1x64xf32, #tpu.memory_space<vmem_shared>>
      %dma_start3A_260 = tpu.memref_squeeze %dma_start3A_259 : memref<1x64xf32, #tpu.memory_space<vmem_shared>> -> memref<64xf32, #tpu.memory_space<vmem_shared>>
      %dma_start3A_261 = arith.constant 704 : i32
      %dma_start3A_262 = tpu.memref_slice %arg22[%dma_start3A_261] : memref<1024xf32, #tpu.memory_space<vmem>> -> memref<64xf32, #tpu.memory_space<vmem>>
      %dma_start3A_263 = tpu.memref_slice %arg25[%run_scoped3A_95, %mul3A_94] : memref<16x1024xf32, #tpu.memory_space<vmem_shared>> -> memref<1x64xf32, #tpu.memory_space<vmem_shared>>
      %dma_start3A_264 = tpu.memref_squeeze %dma_start3A_263 : memref<1x64xf32, #tpu.memory_space<vmem_shared>> -> memref<64xf32, #tpu.memory_space<vmem_shared>>
      tpu.enqueue_dma source(%dma_start3A_264 : memref<64xf32, #tpu.memory_space<vmem_shared>>) target(%dma_start3A_262 : memref<64xf32, #tpu.memory_space<vmem>>) target_semaphore(%run_scoped3A_256 : memref<!tpu.dma_semaphore, #tpu.memory_space<semaphore_mem>>)
      %dma_wait3A_265 = arith.constant 704 : i32
      %dma_wait3A_266 = tpu.memref_slice %arg22[%dma_wait3A_265] : memref<1024xf32, #tpu.memory_space<vmem>> -> memref<64xf32, #tpu.memory_space<vmem>>
      %dma_wait3A_267 = tpu.memref_slice %arg25[%run_scoped3A_95, %mul3A_94] : memref<16x1024xf32, #tpu.memory_space<vmem_shared>> -> memref<1x64xf32, #tpu.memory_space<vmem_shared>>
      %dma_wait3A_268 = tpu.memref_squeeze %dma_wait3A_267 : memref<1x64xf32, #tpu.memory_space<vmem_shared>> -> memref<64xf32, #tpu.memory_space<vmem_shared>>
      %dma_wait3A_269 = arith.constant 704 : i32
      %dma_wait3A_270 = tpu.memref_slice %arg22[%dma_wait3A_269] : memref<1024xf32, #tpu.memory_space<vmem>> -> memref<64xf32, #tpu.memory_space<vmem>>
      %dma_wait3A_271 = tpu.memref_slice %arg25[%run_scoped3A_95, %mul3A_94] : memref<16x1024xf32, #tpu.memory_space<vmem_shared>> -> memref<1x64xf32, #tpu.memory_space<vmem_shared>>
      %dma_wait3A_272 = tpu.memref_squeeze %dma_wait3A_271 : memref<1x64xf32, #tpu.memory_space<vmem_shared>> -> memref<64xf32, #tpu.memory_space<vmem_shared>>
      tpu.wait_dma2 semaphore(%run_scoped3A_256 : memref<!tpu.dma_semaphore, #tpu.memory_space<semaphore_mem>>) src(%dma_wait3A_272 : memref<64xf32, #tpu.memory_space<vmem_shared>>) dst(%dma_wait3A_270 : memref<64xf32, #tpu.memory_space<vmem>>)
      tpu.yield
    }) : () -> ()
    %mul3A_96 = arith.constant 64 : i32
    %mul3A_97 = arith.muli %arg1, %mul3A_96 : i32
    %run_scoped3A_98 = arith.constant 12 : i32
    "tpu.region"() ({
      %run_scoped3A_256 = tpu.sem_alloc : memref<!tpu.dma_semaphore, #tpu.memory_space<semaphore_mem>>
      %dma_start3A_257 = arith.constant 768 : i32
      %dma_start3A_258 = tpu.memref_slice %arg22[%dma_start3A_257] : memref<1024xf32, #tpu.memory_space<vmem>> -> memref<64xf32, #tpu.memory_space<vmem>>
      %dma_start3A_259 = tpu.memref_slice %arg25[%run_scoped3A_98, %mul3A_97] : memref<16x1024xf32, #tpu.memory_space<vmem_shared>> -> memref<1x64xf32, #tpu.memory_space<vmem_shared>>
      %dma_start3A_260 = tpu.memref_squeeze %dma_start3A_259 : memref<1x64xf32, #tpu.memory_space<vmem_shared>> -> memref<64xf32, #tpu.memory_space<vmem_shared>>
      %dma_start3A_261 = arith.constant 768 : i32
      %dma_start3A_262 = tpu.memref_slice %arg22[%dma_start3A_261] : memref<1024xf32, #tpu.memory_space<vmem>> -> memref<64xf32, #tpu.memory_space<vmem>>
      %dma_start3A_263 = tpu.memref_slice %arg25[%run_scoped3A_98, %mul3A_97] : memref<16x1024xf32, #tpu.memory_space<vmem_shared>> -> memref<1x64xf32, #tpu.memory_space<vmem_shared>>
      %dma_start3A_264 = tpu.memref_squeeze %dma_start3A_263 : memref<1x64xf32, #tpu.memory_space<vmem_shared>> -> memref<64xf32, #tpu.memory_space<vmem_shared>>
      tpu.enqueue_dma source(%dma_start3A_264 : memref<64xf32, #tpu.memory_space<vmem_shared>>) target(%dma_start3A_262 : memref<64xf32, #tpu.memory_space<vmem>>) target_semaphore(%run_scoped3A_256 : memref<!tpu.dma_semaphore, #tpu.memory_space<semaphore_mem>>)
      %dma_wait3A_265 = arith.constant 768 : i32
      %dma_wait3A_266 = tpu.memref_slice %arg22[%dma_wait3A_265] : memref<1024xf32, #tpu.memory_space<vmem>> -> memref<64xf32, #tpu.memory_space<vmem>>
      %dma_wait3A_267 = tpu.memref_slice %arg25[%run_scoped3A_98, %mul3A_97] : memref<16x1024xf32, #tpu.memory_space<vmem_shared>> -> memref<1x64xf32, #tpu.memory_space<vmem_shared>>
      %dma_wait3A_268 = tpu.memref_squeeze %dma_wait3A_267 : memref<1x64xf32, #tpu.memory_space<vmem_shared>> -> memref<64xf32, #tpu.memory_space<vmem_shared>>
      %dma_wait3A_269 = arith.constant 768 : i32
      %dma_wait3A_270 = tpu.memref_slice %arg22[%dma_wait3A_269] : memref<1024xf32, #tpu.memory_space<vmem>> -> memref<64xf32, #tpu.memory_space<vmem>>
      %dma_wait3A_271 = tpu.memref_slice %arg25[%run_scoped3A_98, %mul3A_97] : memref<16x1024xf32, #tpu.memory_space<vmem_shared>> -> memref<1x64xf32, #tpu.memory_space<vmem_shared>>
      %dma_wait3A_272 = tpu.memref_squeeze %dma_wait3A_271 : memref<1x64xf32, #tpu.memory_space<vmem_shared>> -> memref<64xf32, #tpu.memory_space<vmem_shared>>
      tpu.wait_dma2 semaphore(%run_scoped3A_256 : memref<!tpu.dma_semaphore, #tpu.memory_space<semaphore_mem>>) src(%dma_wait3A_272 : memref<64xf32, #tpu.memory_space<vmem_shared>>) dst(%dma_wait3A_270 : memref<64xf32, #tpu.memory_space<vmem>>)
      tpu.yield
    }) : () -> ()
    %mul3A_99 = arith.constant 64 : i32
    %mul3A_100 = arith.muli %arg1, %mul3A_99 : i32
    %run_scoped3A_101 = arith.constant 13 : i32
    "tpu.region"() ({
      %run_scoped3A_256 = tpu.sem_alloc : memref<!tpu.dma_semaphore, #tpu.memory_space<semaphore_mem>>
      %dma_start3A_257 = arith.constant 832 : i32
      %dma_start3A_258 = tpu.memref_slice %arg22[%dma_start3A_257] : memref<1024xf32, #tpu.memory_space<vmem>> -> memref<64xf32, #tpu.memory_space<vmem>>
      %dma_start3A_259 = tpu.memref_slice %arg25[%run_scoped3A_101, %mul3A_100] : memref<16x1024xf32, #tpu.memory_space<vmem_shared>> -> memref<1x64xf32, #tpu.memory_space<vmem_shared>>
      %dma_start3A_260 = tpu.memref_squeeze %dma_start3A_259 : memref<1x64xf32, #tpu.memory_space<vmem_shared>> -> memref<64xf32, #tpu.memory_space<vmem_shared>>
      %dma_start3A_261 = arith.constant 832 : i32
      %dma_start3A_262 = tpu.memref_slice %arg22[%dma_start3A_261] : memref<1024xf32, #tpu.memory_space<vmem>> -> memref<64xf32, #tpu.memory_space<vmem>>
      %dma_start3A_263 = tpu.memref_slice %arg25[%run_scoped3A_101, %mul3A_100] : memref<16x1024xf32, #tpu.memory_space<vmem_shared>> -> memref<1x64xf32, #tpu.memory_space<vmem_shared>>
      %dma_start3A_264 = tpu.memref_squeeze %dma_start3A_263 : memref<1x64xf32, #tpu.memory_space<vmem_shared>> -> memref<64xf32, #tpu.memory_space<vmem_shared>>
      tpu.enqueue_dma source(%dma_start3A_264 : memref<64xf32, #tpu.memory_space<vmem_shared>>) target(%dma_start3A_262 : memref<64xf32, #tpu.memory_space<vmem>>) target_semaphore(%run_scoped3A_256 : memref<!tpu.dma_semaphore, #tpu.memory_space<semaphore_mem>>)
      %dma_wait3A_265 = arith.constant 832 : i32
      %dma_wait3A_266 = tpu.memref_slice %arg22[%dma_wait3A_265] : memref<1024xf32, #tpu.memory_space<vmem>> -> memref<64xf32, #tpu.memory_space<vmem>>
      %dma_wait3A_267 = tpu.memref_slice %arg25[%run_scoped3A_101, %mul3A_100] : memref<16x1024xf32, #tpu.memory_space<vmem_shared>> -> memref<1x64xf32, #tpu.memory_space<vmem_shared>>
      %dma_wait3A_268 = tpu.memref_squeeze %dma_wait3A_267 : memref<1x64xf32, #tpu.memory_space<vmem_shared>> -> memref<64xf32, #tpu.memory_space<vmem_shared>>
      %dma_wait3A_269 = arith.constant 832 : i32
      %dma_wait3A_270 = tpu.memref_slice %arg22[%dma_wait3A_269] : memref<1024xf32, #tpu.memory_space<vmem>> -> memref<64xf32, #tpu.memory_space<vmem>>
      %dma_wait3A_271 = tpu.memref_slice %arg25[%run_scoped3A_101, %mul3A_100] : memref<16x1024xf32, #tpu.memory_space<vmem_shared>> -> memref<1x64xf32, #tpu.memory_space<vmem_shared>>
      %dma_wait3A_272 = tpu.memref_squeeze %dma_wait3A_271 : memref<1x64xf32, #tpu.memory_space<vmem_shared>> -> memref<64xf32, #tpu.memory_space<vmem_shared>>
      tpu.wait_dma2 semaphore(%run_scoped3A_256 : memref<!tpu.dma_semaphore, #tpu.memory_space<semaphore_mem>>) src(%dma_wait3A_272 : memref<64xf32, #tpu.memory_space<vmem_shared>>) dst(%dma_wait3A_270 : memref<64xf32, #tpu.memory_space<vmem>>)
      tpu.yield
    }) : () -> ()
    %mul3A_102 = arith.constant 64 : i32
    %mul3A_103 = arith.muli %arg1, %mul3A_102 : i32
    %run_scoped3A_104 = arith.constant 14 : i32
    "tpu.region"() ({
      %run_scoped3A_256 = tpu.sem_alloc : memref<!tpu.dma_semaphore, #tpu.memory_space<semaphore_mem>>
      %dma_start3A_257 = arith.constant 896 : i32
      %dma_start3A_258 = tpu.memref_slice %arg22[%dma_start3A_257] : memref<1024xf32, #tpu.memory_space<vmem>> -> memref<64xf32, #tpu.memory_space<vmem>>
      %dma_start3A_259 = tpu.memref_slice %arg25[%run_scoped3A_104, %mul3A_103] : memref<16x1024xf32, #tpu.memory_space<vmem_shared>> -> memref<1x64xf32, #tpu.memory_space<vmem_shared>>
      %dma_start3A_260 = tpu.memref_squeeze %dma_start3A_259 : memref<1x64xf32, #tpu.memory_space<vmem_shared>> -> memref<64xf32, #tpu.memory_space<vmem_shared>>
      %dma_start3A_261 = arith.constant 896 : i32
      %dma_start3A_262 = tpu.memref_slice %arg22[%dma_start3A_261] : memref<1024xf32, #tpu.memory_space<vmem>> -> memref<64xf32, #tpu.memory_space<vmem>>
      %dma_start3A_263 = tpu.memref_slice %arg25[%run_scoped3A_104, %mul3A_103] : memref<16x1024xf32, #tpu.memory_space<vmem_shared>> -> memref<1x64xf32, #tpu.memory_space<vmem_shared>>
      %dma_start3A_264 = tpu.memref_squeeze %dma_start3A_263 : memref<1x64xf32, #tpu.memory_space<vmem_shared>> -> memref<64xf32, #tpu.memory_space<vmem_shared>>
      tpu.enqueue_dma source(%dma_start3A_264 : memref<64xf32, #tpu.memory_space<vmem_shared>>) target(%dma_start3A_262 : memref<64xf32, #tpu.memory_space<vmem>>) target_semaphore(%run_scoped3A_256 : memref<!tpu.dma_semaphore, #tpu.memory_space<semaphore_mem>>)
      %dma_wait3A_265 = arith.constant 896 : i32
      %dma_wait3A_266 = tpu.memref_slice %arg22[%dma_wait3A_265] : memref<1024xf32, #tpu.memory_space<vmem>> -> memref<64xf32, #tpu.memory_space<vmem>>
      %dma_wait3A_267 = tpu.memref_slice %arg25[%run_scoped3A_104, %mul3A_103] : memref<16x1024xf32, #tpu.memory_space<vmem_shared>> -> memref<1x64xf32, #tpu.memory_space<vmem_shared>>
      %dma_wait3A_268 = tpu.memref_squeeze %dma_wait3A_267 : memref<1x64xf32, #tpu.memory_space<vmem_shared>> -> memref<64xf32, #tpu.memory_space<vmem_shared>>
      %dma_wait3A_269 = arith.constant 896 : i32
      %dma_wait3A_270 = tpu.memref_slice %arg22[%dma_wait3A_269] : memref<1024xf32, #tpu.memory_space<vmem>> -> memref<64xf32, #tpu.memory_space<vmem>>
      %dma_wait3A_271 = tpu.memref_slice %arg25[%run_scoped3A_104, %mul3A_103] : memref<16x1024xf32, #tpu.memory_space<vmem_shared>> -> memref<1x64xf32, #tpu.memory_space<vmem_shared>>
      %dma_wait3A_272 = tpu.memref_squeeze %dma_wait3A_271 : memref<1x64xf32, #tpu.memory_space<vmem_shared>> -> memref<64xf32, #tpu.memory_space<vmem_shared>>
      tpu.wait_dma2 semaphore(%run_scoped3A_256 : memref<!tpu.dma_semaphore, #tpu.memory_space<semaphore_mem>>) src(%dma_wait3A_272 : memref<64xf32, #tpu.memory_space<vmem_shared>>) dst(%dma_wait3A_270 : memref<64xf32, #tpu.memory_space<vmem>>)
      tpu.yield
    }) : () -> ()
    %mul3A_105 = arith.constant 64 : i32
    %mul3A_106 = arith.muli %arg1, %mul3A_105 : i32
    %run_scoped3A_107 = arith.constant 15 : i32
    "tpu.region"() ({
      %run_scoped3A_256 = tpu.sem_alloc : memref<!tpu.dma_semaphore, #tpu.memory_space<semaphore_mem>>
      %dma_start3A_257 = arith.constant 960 : i32
      %dma_start3A_258 = tpu.memref_slice %arg22[%dma_start3A_257] : memref<1024xf32, #tpu.memory_space<vmem>> -> memref<64xf32, #tpu.memory_space<vmem>>
      %dma_start3A_259 = tpu.memref_slice %arg25[%run_scoped3A_107, %mul3A_106] : memref<16x1024xf32, #tpu.memory_space<vmem_shared>> -> memref<1x64xf32, #tpu.memory_space<vmem_shared>>
      %dma_start3A_260 = tpu.memref_squeeze %dma_start3A_259 : memref<1x64xf32, #tpu.memory_space<vmem_shared>> -> memref<64xf32, #tpu.memory_space<vmem_shared>>
      %dma_start3A_261 = arith.constant 960 : i32
      %dma_start3A_262 = tpu.memref_slice %arg22[%dma_start3A_261] : memref<1024xf32, #tpu.memory_space<vmem>> -> memref<64xf32, #tpu.memory_space<vmem>>
      %dma_start3A_263 = tpu.memref_slice %arg25[%run_scoped3A_107, %mul3A_106] : memref<16x1024xf32, #tpu.memory_space<vmem_shared>> -> memref<1x64xf32, #tpu.memory_space<vmem_shared>>
      %dma_start3A_264 = tpu.memref_squeeze %dma_start3A_263 : memref<1x64xf32, #tpu.memory_space<vmem_shared>> -> memref<64xf32, #tpu.memory_space<vmem_shared>>
      tpu.enqueue_dma source(%dma_start3A_264 : memref<64xf32, #tpu.memory_space<vmem_shared>>) target(%dma_start3A_262 : memref<64xf32, #tpu.memory_space<vmem>>) target_semaphore(%run_scoped3A_256 : memref<!tpu.dma_semaphore, #tpu.memory_space<semaphore_mem>>)
      %dma_wait3A_265 = arith.constant 960 : i32
      %dma_wait3A_266 = tpu.memref_slice %arg22[%dma_wait3A_265] : memref<1024xf32, #tpu.memory_space<vmem>> -> memref<64xf32, #tpu.memory_space<vmem>>
      %dma_wait3A_267 = tpu.memref_slice %arg25[%run_scoped3A_107, %mul3A_106] : memref<16x1024xf32, #tpu.memory_space<vmem_shared>> -> memref<1x64xf32, #tpu.memory_space<vmem_shared>>
      %dma_wait3A_268 = tpu.memref_squeeze %dma_wait3A_267 : memref<1x64xf32, #tpu.memory_space<vmem_shared>> -> memref<64xf32, #tpu.memory_space<vmem_shared>>
      %dma_wait3A_269 = arith.constant 960 : i32
      %dma_wait3A_270 = tpu.memref_slice %arg22[%dma_wait3A_269] : memref<1024xf32, #tpu.memory_space<vmem>> -> memref<64xf32, #tpu.memory_space<vmem>>
      %dma_wait3A_271 = tpu.memref_slice %arg25[%run_scoped3A_107, %mul3A_106] : memref<16x1024xf32, #tpu.memory_space<vmem_shared>> -> memref<1x64xf32, #tpu.memory_space<vmem_shared>>
      %dma_wait3A_272 = tpu.memref_squeeze %dma_wait3A_271 : memref<1x64xf32, #tpu.memory_space<vmem_shared>> -> memref<64xf32, #tpu.memory_space<vmem_shared>>
      tpu.wait_dma2 semaphore(%run_scoped3A_256 : memref<!tpu.dma_semaphore, #tpu.memory_space<semaphore_mem>>) src(%dma_wait3A_272 : memref<64xf32, #tpu.memory_space<vmem_shared>>) dst(%dma_wait3A_270 : memref<64xf32, #tpu.memory_space<vmem>>)
      tpu.yield
    }) : () -> ()
    %scan3A_108 = arith.constant 0 : i32
    %scan3A_109 = arith.constant 16 : i32
    %scan3A_110 = arith.addi %scan3A_108, %scan3A_109 : i32
    %scan3A_111 = arith.constant 1 : i32
    %scan3A_112:4 = scf.for %scan3A_256 = %scan3A_108 to %scan3A_110 step %scan3A_111 iter_args(%scan3A_257 = %broadcast_in_dim3A_20, %scan3A_258 = %broadcast_in_dim3A_20, %scan3A_259 = %broadcast_in_dim3A_20, %scan3A_260 = %broadcast_in_dim3A_20) -> (vector<16xf32>, vector<16xf32>, vector<16xf32>, vector<16xf32>)  : i32 {
      %mul3A_261 = arith.constant 64 : i32
      %mul3A_262 = arith.muli %scan3A_256, %mul3A_261 : i32
      %get3A = arith.index_cast %mul3A_262 : i32 to index
      %get3A_263 = tpu.vector_load %arg22[%get3A] {strides = array<i32>} : memref<1024xf32, #tpu.memory_space<vmem>>, vector<16xf32>,
      %min3A_264 = arith.minimumf %scan3A_257, %get3A_263 : vector<16xf32>
      %mul3A_265 = arith.constant 64 : i32
      %mul3A_266 = arith.muli %scan3A_256, %mul3A_265 : i32
      %add3A_267 = arith.constant 16 : i32
      %add3A_268 = arith.addi %mul3A_266, %add3A_267 : i32
      %get3A_269 = arith.index_cast %add3A_268 : i32 to index
      %get3A_270 = tpu.vector_load %arg22[%get3A_269] {strides = array<i32>} : memref<1024xf32, #tpu.memory_space<vmem>>, vector<16xf32>,
      %min3A_271 = arith.minimumf %scan3A_258, %get3A_270 : vector<16xf32>
      %mul3A_272 = arith.constant 64 : i32
      %mul3A_273 = arith.muli %scan3A_256, %mul3A_272 : i32
      %add3A_274 = arith.constant 32 : i32
      %add3A_275 = arith.addi %mul3A_273, %add3A_274 : i32
      %get3A_276 = arith.index_cast %add3A_275 : i32 to index
      %get3A_277 = tpu.vector_load %arg22[%get3A_276] {strides = array<i32>} : memref<1024xf32, #tpu.memory_space<vmem>>, vector<16xf32>,
      %min3A_278 = arith.minimumf %scan3A_259, %get3A_277 : vector<16xf32>
      %mul3A_279 = arith.constant 64 : i32
      %mul3A_280 = arith.muli %scan3A_256, %mul3A_279 : i32
      %add3A_281 = arith.constant 48 : i32
      %add3A_282 = arith.addi %mul3A_280, %add3A_281 : i32
      %get3A_283 = arith.index_cast %add3A_282 : i32 to index
      %get3A_284 = tpu.vector_load %arg22[%get3A_283] {strides = array<i32>} : memref<1024xf32, #tpu.memory_space<vmem>>, vector<16xf32>,
      %min3A_285 = arith.minimumf %scan3A_260, %get3A_284 : vector<16xf32>
      scf.yield %min3A_264, %min3A_271, %min3A_278, %min3A_285 : vector<16xf32>, vector<16xf32>, vector<16xf32>, vector<16xf32>
    }
    %scan3A_113 = arith.constant 16 : i32
    %broadcast_in_dim3A_114 = arith.constant 0 : i32
    %broadcast_in_dim3A_115 = vector.broadcast %broadcast_in_dim3A_114 : i32 to vector<16xi32>
    %gather3A = tpu.vector_load_idx %arg20[%broadcast_in_dim3A_115] : memref<16xf32, #tpu.memory_space<vmem>>[vector<16xi32>], vector<16xf32>,
    %broadcast_in_dim3A_116 = arith.constant 1 : i32
    %broadcast_in_dim3A_117 = vector.broadcast %broadcast_in_dim3A_116 : i32 to vector<16xi32>
    %gather3A_118 = tpu.vector_load_idx %arg20[%broadcast_in_dim3A_117] : memref<16xf32, #tpu.memory_space<vmem>>[vector<16xi32>], vector<16xf32>,
    %broadcast_in_dim3A_119 = arith.constant 2 : i32
    %broadcast_in_dim3A_120 = vector.broadcast %broadcast_in_dim3A_119 : i32 to vector<16xi32>
    %gather3A_121 = tpu.vector_load_idx %arg20[%broadcast_in_dim3A_120] : memref<16xf32, #tpu.memory_space<vmem>>[vector<16xi32>], vector<16xf32>,
    %mul3A_122 = arith.constant 64 : i32
    %mul3A_123 = arith.muli %arg1, %mul3A_122 : i32
    %add3A_124 = arith.constant 0 : i32
    %add3A_125 = arith.addi %mul3A_123, %add3A_124 : i32
    %add3A_126 = vector.broadcast %add3A_125 : i32 to vector<16xi32>
    %add3A_127 = arith.addi %add3A_126, %iota3A : vector<16xi32>
    %mul3A_128 = arith.constant 3 : i32
    %mul3A_129 = vector.broadcast %mul3A_128 : i32 to vector<16xi32>
    %mul3A_130 = arith.muli %add3A_127, %mul3A_129 : vector<16xi32>
    %gather3A_131 = tpu.vector_load_idx %arg11[%mul3A_130] : memref<3072xf32, #tpu.memory_space<vmem>>[vector<16xi32>], vector<16xf32>,
    %add3A_132 = arith.constant 1 : i32
    %add3A_133 = vector.broadcast %add3A_132 : i32 to vector<16xi32>
    %add3A_134 = arith.addi %mul3A_130, %add3A_133 : vector<16xi32>
    %gather3A_135 = tpu.vector_load_idx %arg11[%add3A_134] : memref<3072xf32, #tpu.memory_space<vmem>>[vector<16xi32>], vector<16xf32>,
    %add3A_136 = arith.constant 2 : i32
    %add3A_137 = vector.broadcast %add3A_136 : i32 to vector<16xi32>
    %add3A_138 = arith.addi %mul3A_130, %add3A_137 : vector<16xi32>
    %gather3A_139 = tpu.vector_load_idx %arg11[%add3A_138] : memref<3072xf32, #tpu.memory_space<vmem>>[vector<16xi32>], vector<16xf32>,
    %sub3A = arith.subf %gather3A_131, %gather3A : vector<16xf32>
    %sub3A_140 = arith.subf %gather3A_135, %gather3A_118 : vector<16xf32>
    %sub3A_141 = arith.subf %gather3A_139, %gather3A_121 : vector<16xf32>
    %mul3A_142 = arith.mulf %sub3A, %sub3A : vector<16xf32>
    %mul3A_143 = arith.mulf %sub3A_140, %sub3A_140 : vector<16xf32>
    %add3A_144 = arith.addf %mul3A_142, %mul3A_143 : vector<16xf32>
    %mul3A_145 = arith.mulf %sub3A_141, %sub3A_141 : vector<16xf32>
    %add3A_146 = arith.addf %add3A_144, %mul3A_145 : vector<16xf32>
    %abs3A = math.absf %scan3A_112#0 : vector<16xf32>
    %eq3A_147 = arith.constant 0x7F800000 : f32
    %eq3A_148 = vector.broadcast %eq3A_147 : f32 to vector<16xf32>
    %eq3A_149 = arith.cmpf oeq, %abs3A, %eq3A_148 : vector<16xf32>
    %select_n3A = arith.select %eq3A_149, %add3A_146, %scan3A_112#0 : vector<16xi1>, vector<16xf32>
    %swap3A_150 = arith.constant 0 : index
    %swap3A_151 = tpu.vector_load %arg23[%swap3A_150] {strides = array<i32>} : memref<64xf32, #tpu.memory_space<vmem>>, vector<16xf32>,
    tpu.vector_store %arg23[%swap3A_150], %select_n3A {strides = array<i32>} : memref<64xf32, #tpu.memory_space<vmem>>, vector<16xf32>,
    %mul3A_152 = arith.constant 64 : i32
    %mul3A_153 = arith.muli %arg1, %mul3A_152 : i32
    %add3A_154 = arith.constant 16 : i32
    %add3A_155 = arith.addi %mul3A_153, %add3A_154 : i32
    %add3A_156 = vector.broadcast %add3A_155 : i32 to vector<16xi32>
    %add3A_157 = arith.addi %add3A_156, %iota3A : vector<16xi32>
    %mul3A_158 = arith.constant 3 : i32
    %mul3A_159 = vector.broadcast %mul3A_158 : i32 to vector<16xi32>
    %mul3A_160 = arith.muli %add3A_157, %mul3A_159 : vector<16xi32>
    %gather3A_161 = tpu.vector_load_idx %arg11[%mul3A_160] : memref<3072xf32, #tpu.memory_space<vmem>>[vector<16xi32>], vector<16xf32>,
    %add3A_162 = arith.constant 1 : i32
    %add3A_163 = vector.broadcast %add3A_162 : i32 to vector<16xi32>
    %add3A_164 = arith.addi %mul3A_160, %add3A_163 : vector<16xi32>
    %gather3A_165 = tpu.vector_load_idx %arg11[%add3A_164] : memref<3072xf32, #tpu.memory_space<vmem>>[vector<16xi32>], vector<16xf32>,
    %add3A_166 = arith.constant 2 : i32
    %add3A_167 = vector.broadcast %add3A_166 : i32 to vector<16xi32>
    %add3A_168 = arith.addi %mul3A_160, %add3A_167 : vector<16xi32>
    %gather3A_169 = tpu.vector_load_idx %arg11[%add3A_168] : memref<3072xf32, #tpu.memory_space<vmem>>[vector<16xi32>], vector<16xf32>,
    %sub3A_170 = arith.subf %gather3A_161, %gather3A : vector<16xf32>
    %sub3A_171 = arith.subf %gather3A_165, %gather3A_118 : vector<16xf32>
    %sub3A_172 = arith.subf %gather3A_169, %gather3A_121 : vector<16xf32>
    %mul3A_173 = arith.mulf %sub3A_170, %sub3A_170 : vector<16xf32>
    %mul3A_174 = arith.mulf %sub3A_171, %sub3A_171 : vector<16xf32>
    %add3A_175 = arith.addf %mul3A_173, %mul3A_174 : vector<16xf32>
    %mul3A_176 = arith.mulf %sub3A_172, %sub3A_172 : vector<16xf32>
    %add3A_177 = arith.addf %add3A_175, %mul3A_176 : vector<16xf32>
    %abs3A_178 = math.absf %scan3A_112#1 : vector<16xf32>
    %eq3A_179 = arith.constant 0x7F800000 : f32
    %eq3A_180 = vector.broadcast %eq3A_179 : f32 to vector<16xf32>
    %eq3A_181 = arith.cmpf oeq, %abs3A_178, %eq3A_180 : vector<16xf32>
    %select_n3A_182 = arith.select %eq3A_181, %add3A_177, %scan3A_112#1 : vector<16xi1>, vector<16xf32>
    %swap3A_183 = arith.constant 16 : index
    %swap3A_184 = tpu.vector_load %arg23[%swap3A_183] {strides = array<i32>} : memref<64xf32, #tpu.memory_space<vmem>>, vector<16xf32>,
    tpu.vector_store %arg23[%swap3A_183], %select_n3A_182 {strides = array<i32>} : memref<64xf32, #tpu.memory_space<vmem>>, vector<16xf32>,
    %mul3A_185 = arith.constant 64 : i32
    %mul3A_186 = arith.muli %arg1, %mul3A_185 : i32
    %add3A_187 = arith.constant 32 : i32
    %add3A_188 = arith.addi %mul3A_186, %add3A_187 : i32
    %add3A_189 = vector.broadcast %add3A_188 : i32 to vector<16xi32>
    %add3A_190 = arith.addi %add3A_189, %iota3A : vector<16xi32>
    %mul3A_191 = arith.constant 3 : i32
    %mul3A_192 = vector.broadcast %mul3A_191 : i32 to vector<16xi32>
    %mul3A_193 = arith.muli %add3A_190, %mul3A_192 : vector<16xi32>
    %gather3A_194 = tpu.vector_load_idx %arg11[%mul3A_193] : memref<3072xf32, #tpu.memory_space<vmem>>[vector<16xi32>], vector<16xf32>,
    %add3A_195 = arith.constant 1 : i32
    %add3A_196 = vector.broadcast %add3A_195 : i32 to vector<16xi32>
    %add3A_197 = arith.addi %mul3A_193, %add3A_196 : vector<16xi32>
    %gather3A_198 = tpu.vector_load_idx %arg11[%add3A_197] : memref<3072xf32, #tpu.memory_space<vmem>>[vector<16xi32>], vector<16xf32>,
    %add3A_199 = arith.constant 2 : i32
    %add3A_200 = vector.broadcast %add3A_199 : i32 to vector<16xi32>
    %add3A_201 = arith.addi %mul3A_193, %add3A_200 : vector<16xi32>
    %gather3A_202 = tpu.vector_load_idx %arg11[%add3A_201] : memref<3072xf32, #tpu.memory_space<vmem>>[vector<16xi32>], vector<16xf32>,
    %sub3A_203 = arith.subf %gather3A_194, %gather3A : vector<16xf32>
    %sub3A_204 = arith.subf %gather3A_198, %gather3A_118 : vector<16xf32>
    %sub3A_205 = arith.subf %gather3A_202, %gather3A_121 : vector<16xf32>
    %mul3A_206 = arith.mulf %sub3A_203, %sub3A_203 : vector<16xf32>
    %mul3A_207 = arith.mulf %sub3A_204, %sub3A_204 : vector<16xf32>
    %add3A_208 = arith.addf %mul3A_206, %mul3A_207 : vector<16xf32>
    %mul3A_209 = arith.mulf %sub3A_205, %sub3A_205 : vector<16xf32>
    %add3A_210 = arith.addf %add3A_208, %mul3A_209 : vector<16xf32>
    %abs3A_211 = math.absf %scan3A_112#2 : vector<16xf32>
    %eq3A_212 = arith.constant 0x7F800000 : f32
    %eq3A_213 = vector.broadcast %eq3A_212 : f32 to vector<16xf32>
    %eq3A_214 = arith.cmpf oeq, %abs3A_211, %eq3A_213 : vector<16xf32>
    %select_n3A_215 = arith.select %eq3A_214, %add3A_210, %scan3A_112#2 : vector<16xi1>, vector<16xf32>
    %swap3A_216 = arith.constant 32 : index
    %swap3A_217 = tpu.vector_load %arg23[%swap3A_216] {strides = array<i32>} : memref<64xf32, #tpu.memory_space<vmem>>, vector<16xf32>,
    tpu.vector_store %arg23[%swap3A_216], %select_n3A_215 {strides = array<i32>} : memref<64xf32, #tpu.memory_space<vmem>>, vector<16xf32>,
    %mul3A_218 = arith.constant 64 : i32
    %mul3A_219 = arith.muli %arg1, %mul3A_218 : i32
    %add3A_220 = arith.constant 48 : i32
    %add3A_221 = arith.addi %mul3A_219, %add3A_220 : i32
    %add3A_222 = vector.broadcast %add3A_221 : i32 to vector<16xi32>
    %add3A_223 = arith.addi %add3A_222, %iota3A : vector<16xi32>
    %mul3A_224 = arith.constant 3 : i32
    %mul3A_225 = vector.broadcast %mul3A_224 : i32 to vector<16xi32>
    %mul3A_226 = arith.muli %add3A_223, %mul3A_225 : vector<16xi32>
    %gather3A_227 = tpu.vector_load_idx %arg11[%mul3A_226] : memref<3072xf32, #tpu.memory_space<vmem>>[vector<16xi32>], vector<16xf32>,
    %add3A_228 = arith.constant 1 : i32
    %add3A_229 = vector.broadcast %add3A_228 : i32 to vector<16xi32>
    %add3A_230 = arith.addi %mul3A_226, %add3A_229 : vector<16xi32>
    %gather3A_231 = tpu.vector_load_idx %arg11[%add3A_230] : memref<3072xf32, #tpu.memory_space<vmem>>[vector<16xi32>], vector<16xf32>,
    %add3A_232 = arith.constant 2 : i32
    %add3A_233 = vector.broadcast %add3A_232 : i32 to vector<16xi32>
    %add3A_234 = arith.addi %mul3A_226, %add3A_233 : vector<16xi32>
    %gather3A_235 = tpu.vector_load_idx %arg11[%add3A_234] : memref<3072xf32, #tpu.memory_space<vmem>>[vector<16xi32>], vector<16xf32>,
    %sub3A_236 = arith.subf %gather3A_227, %gather3A : vector<16xf32>
    %sub3A_237 = arith.subf %gather3A_231, %gather3A_118 : vector<16xf32>
    %sub3A_238 = arith.subf %gather3A_235, %gather3A_121 : vector<16xf32>
    %mul3A_239 = arith.mulf %sub3A_236, %sub3A_236 : vector<16xf32>
    %mul3A_240 = arith.mulf %sub3A_237, %sub3A_237 : vector<16xf32>
    %add3A_241 = arith.addf %mul3A_239, %mul3A_240 : vector<16xf32>
    %mul3A_242 = arith.mulf %sub3A_238, %sub3A_238 : vector<16xf32>
    %add3A_243 = arith.addf %add3A_241, %mul3A_242 : vector<16xf32>
    %abs3A_244 = math.absf %scan3A_112#3 : vector<16xf32>
    %eq3A_245 = arith.constant 0x7F800000 : f32
    %eq3A_246 = vector.broadcast %eq3A_245 : f32 to vector<16xf32>
    %eq3A_247 = arith.cmpf oeq, %abs3A_244, %eq3A_246 : vector<16xf32>
    %select_n3A_248 = arith.select %eq3A_247, %add3A_243, %scan3A_112#3 : vector<16xi1>, vector<16xf32>
    %swap3A_249 = arith.constant 48 : index
    %swap3A_250 = tpu.vector_load %arg23[%swap3A_249] {strides = array<i32>} : memref<64xf32, #tpu.memory_space<vmem>>, vector<16xf32>,
    tpu.vector_store %arg23[%swap3A_249], %select_n3A_248 {strides = array<i32>} : memref<64xf32, #tpu.memory_space<vmem>>, vector<16xf32>,
    %mul3A_251 = arith.constant 1024 : i32
    %mul3A_252 = arith.muli %arg0, %mul3A_251 : i32
    %mul3A_253 = arith.constant 64 : i32
    %mul3A_254 = arith.muli %arg1, %mul3A_253 : i32
    %add3A_255 = arith.addi %mul3A_252, %mul3A_254 : i32
    "tpu.region"() ({
      %run_scoped3A_256 = tpu.sem_alloc : memref<!tpu.dma_semaphore, #tpu.memory_space<semaphore_mem>>
      %dma_start3A_257 = tpu.memref_slice %arg9[%add3A_255] : memref<2048xf32, #tpu.memory_space<hbm>> -> memref<64xf32, #tpu.memory_space<hbm>>
      %dma_start3A_258 = tpu.memref_slice %arg9[%add3A_255] : memref<2048xf32, #tpu.memory_space<hbm>> -> memref<64xf32, #tpu.memory_space<hbm>>
      tpu.enqueue_dma source(%arg23 : memref<64xf32, #tpu.memory_space<vmem>>) target(%dma_start3A_258 : memref<64xf32, #tpu.memory_space<hbm>>) target_semaphore(%run_scoped3A_256 : memref<!tpu.dma_semaphore, #tpu.memory_space<semaphore_mem>>)
      %dma_wait3A_259 = tpu.memref_slice %arg9[%add3A_255] : memref<2048xf32, #tpu.memory_space<hbm>> -> memref<64xf32, #tpu.memory_space<hbm>>
      %dma_wait3A_260 = tpu.memref_slice %arg9[%add3A_255] : memref<2048xf32, #tpu.memory_space<hbm>> -> memref<64xf32, #tpu.memory_space<hbm>>
      tpu.wait_dma2 semaphore(%run_scoped3A_256 : memref<!tpu.dma_semaphore, #tpu.memory_space<semaphore_mem>>) src(%arg23 : memref<64xf32, #tpu.memory_space<vmem>>) dst(%dma_wait3A_260 : memref<64xf32, #tpu.memory_space<hbm>>)
      tpu.yield
    }) : () -> ()
    return
  }
}

module attributes {stable_mosaic.version = 14 : i64} {
  func.func @_fin_body(%arg0: memref<2048xf32, #tpu.memory_space<vmem>>, %arg1: memref<2048xf32, #tpu.memory_space<vmem>>, %arg2: memref<1024x1xf32, #tpu.memory_space<vmem>>, %arg3: memref<1x1xf32, #tpu.memory_space<vmem>>) attributes {dimension_semantics = [], scalar_prefetch = 0 : i64, scratch_operands = 0 : i64, tpu.core_type = #tpu.core_type<tc>} {
    %get3A = arith.constant 0 : index
    %get3A_0 = vector.load %arg0[%get3A] : memref<2048xf32, #tpu.memory_space<vmem>>, vector<1024xf32>
    %get3A_1 = arith.constant 1024 : index
    %get3A_2 = vector.load %arg0[%get3A_1] : memref<2048xf32, #tpu.memory_space<vmem>>, vector<1024xf32>
    %min3A = arith.minimumf %get3A_0, %get3A_2 : vector<1024xf32>
    %sqrt3A = math.sqrt %min3A : vector<1024xf32>
    %get3A_3 = arith.constant 0 : index
    %get3A_4 = arith.constant 0 : index
    %get3A_5 = vector.load %arg2[%get3A_3, %get3A_4] : memref<1024x1xf32, #tpu.memory_space<vmem>>, vector<1024x1xf32>
    %reshape3A = vector.shape_cast %sqrt3A : vector<1024xf32> to vector<1024x1xf32>
    %sub3A = arith.subf %get3A_5, %reshape3A : vector<1024x1xf32>
    %mul3A = arith.mulf %sub3A, %sub3A : vector<1024x1xf32>
    %reduce_sum3A = vector.shape_cast %mul3A : vector<1024x1xf32> to vector<1x1024x1xf32>
    %reduce_sum3A_6 = arith.constant dense<0.000000e+00> : vector<1xf32>
    %reduce_sum3A_7 = vector.multi_reduction <add>, %reduce_sum3A, %reduce_sum3A_6 [1, 2] : vector<1x1024x1xf32> to vector<1xf32>
    %reduce_sum3A_8 = vector.shape_cast %reduce_sum3A_7 : vector<1xf32> to vector<1x1x1xf32>
    %reduce_sum3A_9 = vector.extract %reduce_sum3A_8[0, 0, 0] : f32 from vector<1x1x1xf32>
    %div3A = arith.constant 1.024000e+03 : f32
    %div3A_10 = arith.divf %reduce_sum3A_9, %div3A : f32
    %get3A_11 = arith.constant 0 : index
    %get3A_12 = vector.load %arg1[%get3A_11] : memref<2048xf32, #tpu.memory_space<vmem>>, vector<2048xf32>
    %iota3A = tpu.iota {dimensions = array<i32: 1>} : vector<1x2048xi32>
    %iota3A_13 = vector.shape_cast %iota3A : vector<1x2048xi32> to vector<2048xi32>
    %jit3A = arith.constant 16 : i32
    %div3A_14 = vector.broadcast %jit3A : i32 to vector<2048xi32>
    %div3A_15 = arith.divsi %iota3A_13, %div3A_14 : vector<2048xi32>
    %sign3A = arith.constant 0 : i32
    %sign3A_16 = vector.broadcast %sign3A : i32 to vector<2048xi32>
    %sign3A_17 = arith.cmpi sgt, %iota3A_13, %sign3A_16 : vector<2048xi32>
    %sign3A_18 = arith.extui %sign3A_17 : vector<2048xi1> to vector<2048xi32>
    %sign3A_19 = arith.constant 0 : i32
    %sign3A_20 = vector.broadcast %sign3A_19 : i32 to vector<2048xi32>
    %sign3A_21 = arith.cmpi slt, %iota3A_13, %sign3A_20 : vector<2048xi32>
    %sign3A_22 = arith.extui %sign3A_21 : vector<2048xi1> to vector<2048xi32>
    %sign3A_23 = arith.subi %sign3A_18, %sign3A_22 : vector<2048xi32>
    %sign3A_24 = arith.constant 0 : i32
    %sign3A_25 = arith.cmpi sgt, %jit3A, %sign3A_24 : i32
    %sign3A_26 = arith.extui %sign3A_25 : i1 to i32
    %sign3A_27 = arith.constant 0 : i32
    %sign3A_28 = arith.cmpi slt, %jit3A, %sign3A_27 : i32
    %sign3A_29 = arith.extui %sign3A_28 : i1 to i32
    %sign3A_30 = arith.subi %sign3A_26, %sign3A_29 : i32
    %ne3A = vector.broadcast %sign3A_30 : i32 to vector<2048xi32>
    %ne3A_31 = arith.cmpi ne, %sign3A_23, %ne3A : vector<2048xi32>
    %rem3A = vector.broadcast %jit3A : i32 to vector<2048xi32>
    %rem3A_32 = arith.remsi %iota3A_13, %rem3A : vector<2048xi32>
    %ne3A_33 = arith.constant 0 : i32
    %ne3A_34 = vector.broadcast %ne3A_33 : i32 to vector<2048xi32>
    %ne3A_35 = arith.cmpi ne, %rem3A_32, %ne3A_34 : vector<2048xi32>
    %and3A = arith.andi %ne3A_31, %ne3A_35 : vector<2048xi1>
    %sub3A_36 = arith.constant 1 : i32
    %sub3A_37 = vector.broadcast %sub3A_36 : i32 to vector<2048xi32>
    %sub3A_38 = arith.subi %div3A_15, %sub3A_37 : vector<2048xi32>
    %select_n3A = arith.select %and3A, %sub3A_38, %div3A_15 : vector<2048xi1>, vector<2048xi32>
    %jit3A_39 = arith.constant 4 : i32
    %eq3A = arith.constant 0 : i32
    %eq3A_40 = arith.cmpi eq, %jit3A_39, %eq3A : i32
    %jit3A_41 = arith.constant 1 : i32
    %select_n3A_42 = arith.select %eq3A_40, %jit3A_41, %jit3A_39 : i32
    %rem3A_43 = vector.broadcast %select_n3A_42 : i32 to vector<2048xi32>
    %rem3A_44 = arith.remsi %select_n3A, %rem3A_43 : vector<2048xi32>
    %ne3A_45 = arith.constant 0 : i32
    %ne3A_46 = vector.broadcast %ne3A_45 : i32 to vector<2048xi32>
    %ne3A_47 = arith.cmpi ne, %rem3A_44, %ne3A_46 : vector<2048xi32>
    %lt3A = arith.constant 0 : i32
    %lt3A_48 = vector.broadcast %lt3A : i32 to vector<2048xi32>
    %lt3A_49 = arith.cmpi slt, %rem3A_44, %lt3A_48 : vector<2048xi32>
    %lt3A_50 = arith.constant 0 : i32
    %lt3A_51 = arith.cmpi slt, %select_n3A_42, %lt3A_50 : i32
    %ne3A_52 = vector.broadcast %lt3A_51 : i1 to vector<2048xi1>
    %ne3A_53 = vector.broadcast %ne3A_52 : vector<2048xi1> to vector<2048xi1>
    %ne3A_54 = arith.xori %lt3A_49, %ne3A_53 : vector<2048xi1>
    %and3A_55 = arith.andi %ne3A_54, %ne3A_47 : vector<2048xi1>
    %add3A = vector.broadcast %select_n3A_42 : i32 to vector<2048xi32>
    %add3A_56 = arith.addi %rem3A_44, %add3A : vector<2048xi32>
    %select_n3A_57 = arith.select %and3A_55, %add3A_56, %rem3A_44 : vector<2048xi1>, vector<2048xi32>
    %eq3A_58 = arith.constant 0 : i32
    %eq3A_59 = vector.broadcast %eq3A_58 : i32 to vector<2048xi32>
    %eq3A_60 = arith.cmpi eq, %select_n3A_57, %eq3A_59 : vector<2048xi32>
    %jit3A_61 = arith.constant 0.000000e+00 : f32
    %broadcast_in_dim3A = vector.broadcast %jit3A_61 : f32 to vector<2048xf32>
    %select_n3A_62 = arith.select %eq3A_60, %get3A_12, %broadcast_in_dim3A : vector<2048xi1>, vector<2048xf32>
    %reduce_sum3A_63 = vector.shape_cast %select_n3A_62 : vector<2048xf32> to vector<1x2048xf32>
    %reduce_sum3A_64 = arith.constant dense<0.000000e+00> : vector<1xf32>
    %reduce_sum3A_65 = vector.multi_reduction <add>, %reduce_sum3A_63, %reduce_sum3A_64 [1] : vector<1x2048xf32> to vector<1xf32>
    %reduce_sum3A_66 = vector.shape_cast %reduce_sum3A_65 : vector<1xf32> to vector<1x1xf32>
    %reduce_sum3A_67 = vector.extract %reduce_sum3A_66[0, 0] : f32 from vector<1x1xf32>
    %eq3A_68 = arith.constant 1 : i32
    %eq3A_69 = vector.broadcast %eq3A_68 : i32 to vector<2048xi32>
    %eq3A_70 = arith.cmpi eq, %select_n3A_57, %eq3A_69 : vector<2048xi32>
    %jit3A_71 = arith.constant 0.000000e+00 : f32
    %broadcast_in_dim3A_72 = vector.broadcast %jit3A_71 : f32 to vector<2048xf32>
    %select_n3A_73 = arith.select %eq3A_70, %get3A_12, %broadcast_in_dim3A_72 : vector<2048xi1>, vector<2048xf32>
    %reduce_sum3A_74 = vector.shape_cast %select_n3A_73 : vector<2048xf32> to vector<1x2048xf32>
    %reduce_sum3A_75 = arith.constant dense<0.000000e+00> : vector<1xf32>
    %reduce_sum3A_76 = vector.multi_reduction <add>, %reduce_sum3A_74, %reduce_sum3A_75 [1] : vector<1x2048xf32> to vector<1xf32>
    %reduce_sum3A_77 = vector.shape_cast %reduce_sum3A_76 : vector<1xf32> to vector<1x1xf32>
    %reduce_sum3A_78 = vector.extract %reduce_sum3A_77[0, 0] : f32 from vector<1x1xf32>
    %eq3A_79 = arith.constant 2 : i32
    %eq3A_80 = vector.broadcast %eq3A_79 : i32 to vector<2048xi32>
    %eq3A_81 = arith.cmpi eq, %select_n3A_57, %eq3A_80 : vector<2048xi32>
    %jit3A_82 = arith.constant 0.000000e+00 : f32
    %broadcast_in_dim3A_83 = vector.broadcast %jit3A_82 : f32 to vector<2048xf32>
    %select_n3A_84 = arith.select %eq3A_81, %get3A_12, %broadcast_in_dim3A_83 : vector<2048xi1>, vector<2048xf32>
    %reduce_sum3A_85 = vector.shape_cast %select_n3A_84 : vector<2048xf32> to vector<1x2048xf32>
    %reduce_sum3A_86 = arith.constant dense<0.000000e+00> : vector<1xf32>
    %reduce_sum3A_87 = vector.multi_reduction <add>, %reduce_sum3A_85, %reduce_sum3A_86 [1] : vector<1x2048xf32> to vector<1xf32>
    %reduce_sum3A_88 = vector.shape_cast %reduce_sum3A_87 : vector<1xf32> to vector<1x1xf32>
    %reduce_sum3A_89 = vector.extract %reduce_sum3A_88[0, 0] : f32 from vector<1x1xf32>
    %eq3A_90 = arith.constant 3 : i32
    %eq3A_91 = vector.broadcast %eq3A_90 : i32 to vector<2048xi32>
    %eq3A_92 = arith.cmpi eq, %select_n3A_57, %eq3A_91 : vector<2048xi32>
    %jit3A_93 = arith.constant 0.000000e+00 : f32
    %broadcast_in_dim3A_94 = vector.broadcast %jit3A_93 : f32 to vector<2048xf32>
    %select_n3A_95 = arith.select %eq3A_92, %get3A_12, %broadcast_in_dim3A_94 : vector<2048xi1>, vector<2048xf32>
    %reduce_sum3A_96 = vector.shape_cast %select_n3A_95 : vector<2048xf32> to vector<1x2048xf32>
    %reduce_sum3A_97 = arith.constant dense<0.000000e+00> : vector<1xf32>
    %reduce_sum3A_98 = vector.multi_reduction <add>, %reduce_sum3A_96, %reduce_sum3A_97 [1] : vector<1x2048xf32> to vector<1xf32>
    %reduce_sum3A_99 = vector.shape_cast %reduce_sum3A_98 : vector<1xf32> to vector<1x1xf32>
    %reduce_sum3A_100 = vector.extract %reduce_sum3A_99[0, 0] : f32 from vector<1x1xf32>
    %mul3A_101 = arith.constant 2.000000e+00 : f32
    %mul3A_102 = arith.mulf %mul3A_101, %reduce_sum3A_89 : f32
    %add3A_103 = arith.constant 9.99999997E-7 : f32
    %add3A_104 = arith.addf %mul3A_102, %add3A_103 : f32
    %add3A_105 = arith.addf %reduce_sum3A_78, %reduce_sum3A_100 : f32
    %add3A_106 = arith.constant 9.99999997E-7 : f32
    %add3A_107 = arith.addf %add3A_105, %add3A_106 : f32
    %div3A_108 = arith.divf %add3A_104, %add3A_107 : f32
    %sub3A_109 = arith.constant 1.000000e+00 : f32
    %sub3A_110 = arith.subf %sub3A_109, %div3A_108 : f32
    %div3A_111 = arith.constant 9.830400e+04 : f32
    %div3A_112 = arith.divf %reduce_sum3A_67, %div3A_111 : f32
    %add3A_113 = arith.addf %div3A_112, %sub3A_110 : f32
    %add3A_114 = arith.addf %add3A_113, %div3A_10 : f32
    %reshape3A_115 = vector.broadcast %add3A_114 : f32 to vector<1x1xf32>
    %swap3A = arith.constant 0 : index
    %swap3A_116 = arith.constant 0 : index
    %swap3A_117 = vector.load %arg3[%swap3A, %swap3A_116] : memref<1x1xf32, #tpu.memory_space<vmem>>, vector<1x1xf32>
    tpu.vector_store %arg3[%swap3A, %swap3A_116], %reshape3A_115 {strides = array<i32>} : memref<1x1xf32, #tpu.memory_space<vmem>>, vector<1x1xf32>,
    return
  }
}

</mosaic_0001>

<sc_bundles>
// kernel: kernel.4.cloned.1.call-start
scs
__scs_entry_jumppad:
0x0: {  	(pc) =	sbr.rel $0x88, $3  }
0x1: {  	(tag) =	ssettag $0x0;
	lr =	simm.s32 $0x1  }
0x2: {  	[smem:$0x3F9A] =	sst lr;
	_ =	strace $0xD0000000  }
0x3: {  	_ = 	snop  }
0x4: {  	_ = 	snop  }
0x5: {  	_ = 	snop  }
0x6: {  	_ = 	snop  }
0x7: {  	_ = 	snop  }
__scs_overlays_trampoline_lowered:
0x8: {  	[smem:$0x3FA9] =	sst s0  }
0x9: {  	[smem:$0x3FAA] =	sst s1  }
0xa: {  	[smem:$0x3FAB] =	sst s2  }
0xb: {  	[smem:$0x3FAC] =	sst s3  }
0xc: {  	[smem:$0x3FAD] =	sst s4  }
0xd: {  	[smem:$0x3FAE] =	sst s5  }
0xe: {  	[smem:$0x3FAF] =	sst s6  }
0xf: {  	[smem:$0x3FB0] =	sst s7  }
0x10: {  	[smem:$0x3FB1] =	sst s8  }
0x11: {  	[smem:$0x3FB2] =	sst s9;
	s0 =	simm.s32 @!p0 $0x0  }
0x12: {  	s1 =	sld [smem:$0x3F98];
	s0 =	simm.s32 @p0 $0x1  }
0x13: {  	[smem:$0x3FB3] =	sst s0;
	s0 =	simm.s32 @!p1 $0x0  }
0x14: {  	s2 =	sld [smem:$0x3F97];
	s0 =	simm.s32 @p1 $0x1  }
0x15: {  	[smem:$0x3FB4] =	sst s0;
	s0 =	simm.s32 @!p2 $0x0  }
0x16: {  	s3 =	sld [smem:$0x3FDB];
	s0 =	simm.s32 @p2 $0x1  }
0x17: {  	s4 =	simm.s32 $0x1BF5;
	[smem:$0x3FB6] =	sst s0  }
0x18: {  	s0 =	sld [smem:$0x3F99];
	_ =	swait.ge [sflag:s4], $0x0  }
0x19: {  	s7 =	sld [smem:$0x3F9A]  }
0x1a: {  	s8 =	sadd.s32 $0xFFFFE003, lr  }
0x1b: {  	s9 =	sadd.s32 $0xFFFFFEF7, lr;
	s5 =	simm.s32 $0xFFFFFFFF;
	p2 =	slt.u32 s8, $0xFFFFF086  }
0x1c: {  	p1 =	slt.u32 s9, $0xF7A;
	s5 =	simm.s32 @!p2 $0x0  }
0x1d: {  	s5 =	simm.s32 @p1 $0x1;
	p0 =	seq.s32 s7, s2  }
0x1e: {  	s7 =	smul.u32 @!p0 $0xF7A, s2;
	p2 =	seq.s32 @!p0 s5, $0x0  }
0x1f: {  	s9 =	smul.u32 $0xF7A, s1;
	s8 =	simm.s32 @!p0 $0x1BF5;
	p2 =	por !p2, p0  }
0x20: {  	[sflag:s8] =	ssyncset.s32 @!p0 $0xFFFFF086;
	s6 =	sadd.s32 @!p0 s3, s7;
	s7 =	simm.s32 @!p0 $0x108  }
0x21: {  	s3 =	sadd.s32 s3, s9;
	s6 =	sadd.s32 @!p0 $0x88, s6;
	s7 =	simm.s32 @p2 $0x1082  }
0x22: {  	[simem:s7], [sflag:s8] =	dma.local @!p0 [hbm:s6], $0xF7A  }
0x23: {  	s9 =	sor.u32 $0xD0000000, s2;
	s6 =	simm.s32 $0x108;
	_ =	swait.ge @!p0 [sflag:s8], $0x0  }
0x24: {  	s3 =	sadd.s32 $0x88, s3;
	s6 =	simm.s32 @!p1 $0x1082;
	[sflag:s4] =	ssyncset.s32 $0xFFFFF086  }
0x25: {  	[simem:s6], [sflag:s4] =	dma.local [hbm:s3], $0xF7A  }
0x26: {  	[smem:$0x3F9A] =	sst s1;
	(tag) =	ssettag s2;
	_ =	strace s9  }
0x27: {  	s1 =	sld [smem:$0x3FAA]  }
0x28: {  	s2 =	sld [smem:$0x3FAB]  }
0x29: {  	s4 =	sld [smem:$0x3FAD]  }
0x2a: {  	p0 =	seq.s32 s5, $0x0;
	s5 =	sld [smem:$0x3FAE]  }
0x2b: {  	s6 =	sld [smem:$0x3FAF]  }
0x2c: {  	s7 =	sld [smem:$0x3FB0]  }
0x2d: {  	s3 =	simm.s32 $0x108;
	s8 =	sld [smem:$0x3FB1]  }
0x2e: {  	s3 =	simm.s32 @!p0 $0x1082;
	s9 =	sld [smem:$0x3FB2]  }
0x2f: {  	lr =	sadd.s32 s0, s3;
	s0 =	sld [smem:$0x3FA9]  }
0x30: {  	s3 =	sld [smem:$0x3FAC]  }
0x31: {  	[smem:$0x3FB5] =	sst s10  }
0x32: {  	s10 =	sld [smem:$0x3FB3];
	_ =	sdelay $0x3  }
0x33: {  	p0 =	seq.s32 s10, $0x1;
	s10 =	sld [smem:$0x3FB5];
	_ =	sdelay $0x3  }
0x34: {  	[smem:$0x3FB5] =	sst s10  }
0x35: {  	s10 =	sld [smem:$0x3FB4];
	_ =	sdelay $0x3  }
0x36: {  	p1 =	seq.s32 s10, $0x1;
	s10 =	sld [smem:$0x3FB5];
	_ =	sdelay $0x3  }
0x37: {  	[smem:$0x3FB5] =	sst s10  }
0x38: {  	s10 =	sld [smem:$0x3FB6]  }
0x39: {  	_ = 	snop;
	(pc) =	sbr.ind lr, $3  }
0x3a: {  	_ = 	snop  }
0x3b: {  	_ = 	snop  }
0x3c: {  	p2 =	seq.s32 s10, $0x1;
	s10 =	sld [smem:$0x3FB5]  }
0x3d: {  	_ =	shalt  }
0x3e: {  	_ =	shalt  }
0x3f: {  	_ =	shalt  }
0x40: {  	_ =	shalt  }
0x41: {  	_ =	shalt  }
0x42: {  	_ =	shalt  }
0x43: {  	_ =	shalt  }
0x44: {  	_ =	shalt  }
0x45: {  	_ =	shalt  }
0x46: {  	_ =	shalt  }
0x47: {  	_ =	shalt  }
0x48: {  	_ =	shalt  }
0x49: {  	_ =	shalt  }
0x4a: {  	_ =	shalt  }
0x4b: {  	_ =	shalt  }
0x4c: {  	_ =	shalt  }
0x4d: {  	_ =	shalt  }
0x4e: {  	_ =	shalt  }
0x4f: {  	_ =	shalt  }
0x50: {  	_ =	shalt  }
0x51: {  	_ =	shalt  }
0x52: {  	_ =	shalt  }
0x53: {  	_ =	shalt  }
0x54: {  	_ =	shalt  }
0x55: {  	_ =	shalt  }
0x56: {  	_ =	shalt  }
0x57: {  	_ =	shalt  }
0x58: {  	_ =	shalt  }
0x59: {  	_ =	shalt  }
0x5a: {  	_ =	shalt  }
0x5b: {  	_ =	shalt  }
0x5c: {  	_ =	shalt  }
0x5d: {  	_ =	shalt  }
0x5e: {  	_ =	shalt  }
0x5f: {  	_ =	shalt  }
0x60: {  	_ =	shalt  }
0x61: {  	_ =	shalt  }
0x62: {  	_ =	shalt  }
0x63: {  	_ =	shalt  }
0x64: {  	_ =	shalt  }
0x65: {  	_ =	shalt  }
0x66: {  	_ =	shalt  }
0x67: {  	_ =	shalt  }
0x68: {  	_ =	shalt  }
0x69: {  	_ =	shalt  }
0x6a: {  	_ =	shalt  }
0x6b: {  	_ =	shalt  }
0x6c: {  	_ =	shalt  }
0x6d: {  	_ =	shalt  }
0x6e: {  	_ =	shalt  }
0x6f: {  	_ =	shalt  }
0x70: {  	_ =	shalt  }
0x71: {  	_ =	shalt  }
0x72: {  	_ =	shalt  }
0x73: {  	_ =	shalt  }
0x74: {  	_ =	shalt  }
0x75: {  	_ =	shalt  }
0x76: {  	_ =	shalt  }
0x77: {  	_ =	shalt  }
0x78: {  	_ =	shalt  }
0x79: {  	_ =	shalt  }
0x7a: {  	_ =	shalt  }
0x7b: {  	_ =	shalt  }
0x7c: {  	_ =	shalt  }
0x7d: {  	_ =	shalt  }
0x7e: {  	_ =	shalt  }
0x7f: {  	_ =	shalt  }
0x80: {  	_ =	shalt  }
0x81: {  	_ =	shalt  }
0x82: {  	_ =	shalt  }
0x83: {  	_ =	shalt  }
0x84: {  	_ =	shalt  }
0x85: {  	_ =	shalt  }
0x86: {  	_ =	shalt  }
0x87: {  	_ =	shalt  }
.Lfunc_end0:
.L_simem_size_0:
called_computation_lowered:
.L_overlay_start_0:
0x88: {  	s2 =	sld [smem:$0x3FD9]  }
0x89: {  	s3 =	sld [smem:$0x3FFE];
	_ =	sdelay $0x1  }
0x8a: {  	s1 =	srdreg.scid  }
0x8b: {  	s0 =	sand.u32 $0x1, s1  }
0x8c: {  	s17 =	sshll.u32 s0, $0xA;
	s2 =	sadd.s32 s3, s2  }
0x8d: {  	s2 =	sadd.s32 s2, s17  }
0x8e: {  	[smem:$0x3FC1] =	sst s2  }
0x8f: {  	_ = 	snop  }
0x90: {  	s2 =	sld [smem:$0x3FC8]  }
0x91: {  	s18 =	sld [smem:$0x3FC6]  }
0x92: {  	s4 =	sld [smem:$0x3FC4]  }
0x93: {  	s5 =	sld [smem:$0x3FC3]  }
0x94: {  	s6 =	sld [smem:$0x3FD0];
	(tm) =	ssettm $0x1  }
0x95: {  	s7 =	sld [smem:$0x3FFB];
	_ =	sdelay $0x3  }
0x96: {  	_ =	strace s7  }
0x97: {  	s7 =	sld [smem:$0x3FFC];
	_ =	sdelay $0x3  }
0x98: {  	_ =	strace s7  }
0x99: {  	s7 =	sld [smem:$0x3FFD];
	_ =	sdelay $0x3  }
0x9a: {  	_ =	strace s7  }
0x9b: {  	_ =	strace $0x8FFFFFFF  }
0x9c: {  	s19 =	sld [smem:$0x3FDB];
	_ =	sdelay $0x1  }
0x9d: {  	s8 =	simm.s32 $_scs_section_size  }
0x9e: {  	s9 =	simm.s32 $_size__tile_overlayer_lowered;
	s10 =	simm.s32 $_tile_overlayer_lowered  }
0x9f: {  	s22 =	simm.s32 $0x1BFF;
	s21 =	sshll.u32 s10, $0x1;
	s7 =	sadd.s32 s8, s19  }
0xa0: {  	s11 =	simm.s32 $0x0;
	s20 =	sshll.u32 s9, $0x1;
	s9 =	sadd.s32 s21, s7  }
0xa1: {  	[timem:s11], [sflag:s22] =	dma.local [hbm:s9], s20  }
0xa2: {  	_ =	swait.ge [sflag:s22], s20  }
0xa3: {  	s8 =	ssub.s32 $0x0, s20;
	[sflag:s22] =	ssyncset.done $0x0  }
0xa4: {  	[sflag:s22] =	ssyncadd.s32 s8;
	_ =	sdelay $0x1  }
0xa5: {  	s23 =	simm.s32 $0x1B8B  }
0xa6: {  	_ =	swait.ge [sflag:s23], $0x1  }
0xa7: {  	[sflag:s23] =	ssyncset.done $0x0  }
0xa8: {  	s25 =	simm.s32 $0x1B8E;
	s24 =	sld [smem:$0x3FFE];
	[sflag:s23] =	ssyncadd.s32 $0xFFFFFFFF  }
0xa9: {  	s26 =	simm.s32 $execute0_lowered;
	[smem:$0x3FD2] =	sst s25  }
0xaa: {  	s9 =	sshll.u32 s26, $0x1;
	_ =	strace $0x80000046;
	[dreg:$0x1] =	wrdreg $0xFFFFFFFF  }
0xab: {  	s28 =	simm.s32 $_size_execute0_lowered;
	s7 =	sadd.s32 s7, s9;
	[dreg:$0x0] =	wrdreg $0x0  }
0xac: {  	s9 =	sshll.u32 s28, $0x1;
	[dreg:$0x2] =	wrdreg s7  }
0xad: {  	[dreg:$0x3] =	wrdreg s9  }
0xae: {  	[dreg:$0x4] =	wrdreg $0xC0  }
0xaf: {  	_ =	task [dreg:s11], $0x5FFFF  }
0xb0: {  	[dreg:$0x1] =	wrdreg $0xFFFFFFFF  }
0xb1: {  	[dreg:$0x0] =	wrdreg $0x60  }
0xb2: {  	[dreg:$0x2] =	wrdreg s24  }
0xb3: {  	[dreg:$0x3] =	wrdreg s4  }
0xb4: {  	[dreg:$0x4] =	wrdreg s18  }
0xb5: {  	[dreg:$0x5] =	wrdreg s5  }
0xb6: {  	[dreg:$0x6] =	wrdreg s2  }
0xb7: {  	[dreg:$0x7] =	wrdreg s6  }
0xb8: {  	[dreg:$0x8] =	wrdreg $0x47800  }
0xb9: {  	[dreg:$0x9] =	wrdreg $0x9  }
0xba: {  	_ =	task.clear_ibuf [dreg:s11], $0xAFFFF;
	_ =	strace $0x90000046  }
0xbb: {  	s29 =	simm.s32 $0x9;
	_ =	strace $0x80000048  }
0xbc: {  	_ =	swait.ge [sflag:s29], $0x1  }
0xbd: {  	[sflag:s29] =	ssyncadd.s32 $0xFFFFFFFF  }
0xbe: {  	_ =	strace $0x90000048  }
0xbf: {  	_ =	sfence  }
0xc0: {  	s30 =	sld [smem:$0x0];
	_ =	sdelay $0x2  }
0xc1: {  	s31 =	sshll.u32 s1, $0xD;
	s1 =	sshrl.u32 s1, $0x2  }
0xc2: {  	s3 =	sand.u32 $0x4000, s31;
	s1 =	sadd.s32 s1, s30  }
0xc3: {  	s0 =	sor.u32 s3, s0;
	s1 =	sshll.u32 s1, $0x11  }
0xc4: {  	s0 =	sor.u32 s1, s0  }
0xc5: {  	s0 =	sadd.s32 $0x8F2B, s0  }
0xc6: {  	[sflag:s0] =	ssyncadd.remote.s32 $0x1  }
0xc7: {  	_ =	sfence.sel $0xFFFF  }
0xc8: {  	[dreg:$0x0] =	wrdreg $0xFFFFFFFF;
	(pc) =	sbr.abs _section_cstart, $3  }
0xc9: {  	[dreg:$0x1] =	wrdreg $0xFFFFFFFF  }
0xca: {  	_ =	task.clear_ibuf [dreg:s11], $0x2FFFF;
	_ =	strace $0x9FFFFFFF  }
0xcb: {  	(tm) =	ssettm $0x7FFFFFFF  }
tec
execute0_lowered:
.L_overlay_start_1:
0x0: {  	(tag) =	ssettag $0x1  }
0x1: {  	s1 =	rddreg [dreg:$0x0]  }
0x2: {  	s2 =	rddreg [dreg:$0x2]  }
0x3: {  	s3 =	rddreg [dreg:$0x3]  }
0x4: {  	s0 =	srdreg.scid;
	s6 =	rddreg [dreg:$0x4]  }
0x5: {  	s16 =	stileid.u32;
	s8 =	rddreg [dreg:$0x6];
	s4 =	simm.s32 $0x0  }
0x6: {  	s5 =	sand.u32 $0x1, s0;
	[smem:$0x7FF] =	sst s4;
	s10 =	sshll.u32 s16, $0x6  }
0x7: {  	s12 =	sadd.s32 $0x600, s1;
	s20 =	sshll.u32 s16, $0xA;
	s21 =	sshll.u32 s16, $0x7  }
0x8: {  	s22 =	sshll.u32 s16, $0x9;
	s0 =	sshll.u32 s5, $0x4;
	s11 =	sshll.u32 s5, $0xA  }
0x9: {  	_ =	strace $0x80000047;
	[dreg:$0x8] =	wrdreg s12;
	s14 =	ssub.s32 $0x2, s5  }
0xa: {  	s23 =	sand.u32 $0x40, s10;
	s24 =	sand.u32 $0x1C00, s22;
	s7 =	sor.u32 s16, s0  }
0xb: {  	s11 =	sor.u32 s10, s11;
	s26 =	sshrl.u32 s14, $0x1;
	s0 =	smul.u32 $0xC35, s7  }
0xc: {  	s11 =	sshrl.u32 s11, $0x3;
	s13 =	sshll.u32 s7, $0x3;
	s15 =	sshll.u32 s7, $0x9  }
0xd: {  	s17 =	sshll.u32 s7, $0x7;
	s7 =	smul.u32 $0xC350, s5;
	s5 =	simm.s32 $0x1080  }
0xe: {  	s11 =	sadd.s32 s11, s1;
	s2 =	sadd.s32 s2, s15;
	s15 =	smul.u32 $0xC35, s16  }
0xf: {  	v0 =	vmov s10;
	s9 =	sand.u32 $0x1FFF8, s0;
	[dreg:$0x9] =	wrdreg s2;
	s2 =	sadd.s32 s3, s17  }
0x10: {  	v1 =	vmul.u32 $0x3, v0;
	s3 =	sand.u32 $0x380, s21;
	s21 =	sor.u32 $0x30, s10;
	s9 =	smin.u32 s9, $0x17A60  }
0x11: {  	[dreg:$0xa] =	wrdreg s2;
	s2 =	sadd.s32 $0xC35, s0;
	s9 =	sshrl.u32 s9, $0x3  }
0x12: {  	v5 =	vbroadcast v1, $0x0;
	v1 =	vmov s0;
	s0 =	simm.s32 $0x4200;
	v2 =	vmov s2;
	s2 =	simm.s32 $0xC00;
	s25 =	sadd.s32 s9, s1  }
0x13: {  	s1 =	sadd.s32 s13, s1;
	s13 =	ssub.s32 s14, s26;
	s19 =	sadd.s32 s6, s9  }
0x14: {  	s9 =	sadd.s32 s24, s8;
	s6 =	sor.u32 s22, s23;
	s24 =	sadd.s32 $0x3A00, s11  }
0x15: {  	s18 =	sadd.s32 $0x800, s25;
	[dreg:$0xc] =	wrdreg s19;
	s1 =	sadd.s32 $0x3C00, s1  }
0x16: {  	s12 =	sadd.s32 s23, s9;
	s25 =	sor.u32 $0x200, s6;
	s9 =	sor.u32 $0x280, s6  }
0x17: {  	s14 =	sor.u32 $0x300, s6;
	s17 =	sor.u32 $0x380, s6;
	[dreg:$0x14] =	wrdreg s24  }
0x18: {  	s19 =	sor.u32 $0x20, s10;
	s6 =	simm.s32 $0x2500;
	[dreg:$0xb] =	wrdreg s18  }
0x19: {  	[dreg:$0xd] =	wrdreg s1;
	s1 =	sand.u32 $0x2000, s20;
	s26 =	sadd.s32 $0x80, s12  }
0x1a: {  	v16 =	vimm.s32 $0x200;
	v17 =	vimm.s32 $0x0;
	s16 =	sadd.s32 s14, s8;
	s18 =	sor.u32 $0x10, s10;
	s22 =	sadd.s32 $0x180, s12  }
0x1b: {  	v18 =	vimm.s32 $0x201;
	v19 =	vimm.s32 $0x400;
	v0 =	vlaneseq.u32;
	s23 =	sadd.s32 $0x2000, s12;
	s24 =	sadd.s32 $0x2080, s12;
	[dreg:$0xf] =	wrdreg s26  }
0x1c: {  	v20 =	vimm.s32 $0x100;
	v12 =	vmul.u32 $0x3, v0;
	v6 =	vmov s19;
	s1 =	sadd.s32 s1, s8;
	[dreg:$0x12] =	wrdreg s16;
	s26 =	sadd.s32 $0x100, s12  }
0x1d: {  	v21 =	vimm.s32 $0x300;
	s28 =	sadd.s32 $0x2200, s12;
	v3 =	vmov s18;
	v9 =	vmul.u32 $0x3, v6;
	s1 =	sadd.s32 s3, s1;
	[dreg:$0x16] =	wrdreg s26  }
0x1e: {  	v13 =	vadd.s32 $0x1, v12;
	v7 =	vmov s21;
	s29 =	sadd.s32 $0x2280, s12;
	s3 =	sadd.s32 s9, s8;
	v4 =	vmul.u32 $0x3, v3;
	[dreg:$0xe] =	wrdreg s1  }
0x1f: {  	v10 =	vmul.u32 $0x3, v7;
	s30 =	sadd.s32 $0x2300, s12;
	v3 =	vor.u32 v12, v5;
	s1 =	sadd.s32 s25, s8;
	[dreg:$0x11] =	wrdreg s3;
	v11 =	vbroadcast v9, $0x0  }
0x20: {  	v14 =	vadd.s32 $0x2, v12;
	s31 =	sadd.s32 $0x2380, s12;
	s3 =	sadd.s32 s17, s8;
	[tilespmem:$0x1FFC0] =	vst v3;
	v3 =	vor.u32 v13, v5;
	[dreg:$0x10] =	wrdreg s1;
	v8 =	vbroadcast v4, $0x0  }
0x21: {  	v15 =	vbroadcast v10, $0x0;
	s26 =	sadd.s32 $0x2180, s12;
	s25 =	smax.u32 s13, $0x1;
	[dreg:$0x13] =	wrdreg s3;
	[tilespmem:$0x1FFD0] =	vst v3;
	v3 =	vor.u32 v14, v5;
	v9 =	vadd.s32 v12, v11  }
0x22: {  	s8 =	simm.s32 $0x0;
	s1 =	sadd.s32 s15, s7;
	[dreg:$0x15] =	wrdreg s25;
	[tilespmem:$0x1FFE0] =	vst v3;
	v10 =	vadd.s32 v13, v11;
	v11 =	vadd.s32 v14, v11;
	v3 =	vadd.s32 v12, v8  }
0x23: {  	s25 =	sadd.s32 $0x2100, s12;
	s3 =	simm.s32 $0x1;
	s1 =	sand.u32 $0x1FFF8, s1;
	v7 =	vadd.s32 v13, v8;
	v8 =	vadd.s32 v14, v8;
	v12 =	vadd.s32 v12, v15  }
0x24: {  	s7 =	simm.s32 $0x2;
	s20 =	smin.u32 s1, $0x17A60;
	s1 =	simm.s32 $0x1000;
	v13 =	vadd.s32 v13, v15;
	v14 =	vadd.s32 v14, v15;
	v15 =	vimm.f32 $+Inf;
	[tilespmem:$0x1FFF0] =	vst v3  }
.LBB2_1:
0x25: {  	s9 =	rddreg [dreg:$0x8]  }
0x26: {  	[tilespmem:s4], [sflag:$0x1] =	stream.linear.gather [hbm4b:s9+s4], $0xC00, $0x38;
	[tilespmem:$0x4B80] =	vst v63  }
0x27: {  	s11 =	rddreg [dreg:$0x1]  }
0x28: {  	[tilespmem:s2], [sflag:$0x1] =	stream.linear.gather [hbm4b:s11+s4], $0x400, $0x38;
	[tilespmem:$0x4B80] =	vst v63  }
0x29: {  	s13 =	rddreg [dreg:$0x9];
	s10 =	simm.s32 $0x1100  }
0x2a: {  	[tilespmem:s10], [sflag:$0x1] =	stream.linear.gather [hbm4b:s13+s4], $0x1000, $0x38;
	[tilespmem:$0x4B80] =	vst v63  }
0x2b: {  	s14 =	rddreg [dreg:$0xa];
	s15 =	simm.s32 $0x2100  }
0x2c: {  	[tilespmem:s15], [sflag:$0x1] =	stream.linear.gather [hbm4b:s14+s4], $0x400, $0x38;
	[tilespmem:$0x4B80] =	vst v63  }
0x2d: {  	s16 =	rddreg [dreg:$0xb];
	s17 =	simm.s32 $0x2900  }
0x2e: {  	[tilespmem:s17], [sflag:$0x1] =	stream.linear.gather [hbm4b:s16+s4], $0xC40, $0x38;
	[tilespmem:$0x4B80] =	vst v63  }
0x2f: {  	s18 =	rddreg [dreg:$0xc];
	s19 =	simm.s32 $0x3580  }
0x30: {  	[tilespmem:s19], [sflag:$0x1] =	stream.linear.gather [hbm4b:s18+s4], $0xC40, $0x38;
	[tilespmem:$0x4B80] =	vst v63  }
0x31: {  	s21 =	rddreg [dreg:$0x5];
	s9 =	simm.s32 $0x2520  }
0x32: {  	[tilespmem:s0], [sflag:$0x1] =	stream.linear.gather [hbm4b:s21+s4], $0x80, $0x38;
	[tilespmem:$0x4B80] =	vst v63  }
0x33: {  	[tilespmem:s9+$0xFFFFFFE0] =	vst v15  }
0x34: {  	[tilespmem:s9+$0x10] =	vst v15  }
0x35: {  	s10 =	simm.s32 $0x0;
	[tilespmem:s9+$0x0] =	vst v15  }
.LBB2_2:
0x36: {  	s10 =	sadd.s32 $0x4, s10  }
0x37: {  	[tilespmem:s9+$0xFFFFFFF0] =	vst v15;
	s9 =	sadd.s32 $0x40, s9;
	p0 =	slt.u32 s10, $0x3C  }
.Ltmp0:
0x38: {  	[tilespmem:s9+$0xFFFFFFE0] =	vst v15;
	(pc) =	sbr.rel @p0 .LBB2_2-.Ltmp0, $3  }
0x39: {  	_ =	sdelay $0x1  }
0x3a: {  	[tilespmem:s9+$0x10] =	vst v15  }
0x3b: {  	[tilespmem:s9+$0x0] =	vst v15  }
0x3c: {  	[tilespmem:s9+$0xFFFFFFF0] =	vst v15  }
0x3d: {  	_ =	swait.ge [sflag:s3], $0xC00  }
0x3e: {  	[sflag:s3] =	ssyncset.done $0x0  }
0x3f: {  	[sflag:s3] =	ssyncadd.s32 $0xFFFFF400  }
0x40: {  	_ =	swait.ge [sflag:s3], $0x400  }
0x41: {  	[sflag:s3] =	ssyncset.done $0x0  }
0x42: {  	[sflag:s3] =	ssyncadd.s32 $0xFFFFFC00  }
0x43: {  	_ =	swait.ge [sflag:s3], $0x1000  }
0x44: {  	[sflag:s3] =	ssyncset.done $0x0  }
0x45: {  	[sflag:s3] =	ssyncadd.s32 $0xFFFFF000  }
0x46: {  	_ =	swait.ge [sflag:s3], $0x400  }
0x47: {  	[sflag:s3] =	ssyncset.done $0x0  }
0x48: {  	[sflag:s3] =	ssyncadd.s32 $0xFFFFFC00  }
0x49: {  	_ =	swait.ge [sflag:s3], $0xC40  }
0x4a: {  	[sflag:s3] =	ssyncset.done $0x0  }
0x4b: {  	[sflag:s3] =	ssyncadd.s32 $0xFFFFF3C0  }
0x4c: {  	_ =	swait.ge [sflag:s3], $0xC40  }
0x4d: {  	[sflag:s3] =	ssyncset.done $0x0  }
0x4e: {  	[sflag:s3] =	ssyncadd.s32 $0xFFFFF3C0  }
0x4f: {  	_ =	swait.ge [sflag:s3], $0x80  }
0x50: {  	[sflag:s3] =	ssyncset.done $0x0  }
0x51: {  	[sflag:s3] =	ssyncadd.s32 $0xFFFFFF80  }
0x52: {  	v24 =	vld.idx.msk [tilespmem:v16+s2+$0x0], $0xffff;
	_ =	sdelay $0x2  }
0x53: {  	s17 =	simm.s32 $0x10  }
0x54: {  	v25 =	vor.u32 s17, v0  }
0x55: {  	vm0 =	vlt.s32 v24, v25  }
0x56: {  	vm1 =	vgt.s32 v24, v25;
	v26 =	vsel vm0, $0x300, v20  }
0x57: {  	v27 =	vsel vm1, $0x100, v21;
	_ =	sdelay $0x3  }
0x58: {  	v28 =	vld.idx.msk [tilespmem:v26+s2+$0x0], $0xffff  }
0x59: {  	v29 =	vld.idx.msk [tilespmem:v27+s2+$0x0], $0xffff;
	_ =	sdelay $0x2  }
0x5a: {  	v30 =	vsel vm0, $0x201, v17;
	v31 =	vsel vm0, $0x400, v16;
	v32 =	vsel vm1, $0x0, v18  }
0x5b: {  	v33 =	vsel vm1, $0x200, v19;
	vm11 =	vlt.s32 v28, v25;
	v28 =	vor.u32 $0x1, v26  }
0x5c: {  	vm12 =	vgt.s32 v29, v25;
	v29 =	vor.u32 $0x1, v27;
	v26 =	vsel vm11, v31, v26  }
0x5d: {  	v28 =	vsel vm11, v28, v30;
	v30 =	vsel vm12, v27, v33;
	v27 =	vadd.s32 $0xFFFFFFFF, v26  }
0x5e: {  	v29 =	vsel vm12, v32, v29;
	v52 =	vadd.s32 $0xFFFFFFFF, v30;
	v31 =	vxor.u32 v27, v28  }
0x5f: {  	v27 =	vor.u32 v27, v28;
	v53 =	vxor.u32 v52, v29;
	v31 =	vshrl.u32 v31, $0x1  }
0x60: {  	v54 =	vshrl.u32 v53, $0x1;
	v31 =	vsub.s32 v27, v31;
	v27 =	vor.u32 v52, v29  }
0x61: {  	v32 =	vsub.s32 v27, v54;
	_ =	sdelay $0x1  }
0x62: {  	s18 =	simm.s32 $0x0  }
0x63: {  	v27 =	vor.u32 s18, v0  }
0x64: {  	vm13 =	vlt.s32 v24, v27;
	v55 =	vld.idx.msk [tilespmem:v31+s2+$0x0], $0xffff  }
0x65: {  	vm14 =	vgt.s32 v24, v27;
	v24 =	vsel vm13, $0x300, v20;
	v34 =	vld.idx.msk [tilespmem:v32+s2+$0x0], $0xffff;
	_ =	sdelay $0x1  }
0x66: {  	v35 =	vsel vm14, $0x100, v21;
	_ =	sdelay $0x1  }
0x67: {  	v56 =	vor.u32 $0x1, v31;
	v37 =	vor.u32 $0x1, v32;
	vm2 =	vlt.s32 v55, v25  }
0x68: {  	v38 =	vld.idx.msk [tilespmem:v24+s2+$0x0], $0xffff;
	v28 =	vsel vm2, v56, v28;
	v26 =	vsel vm2, v26, v31;
	vm15 =	vgt.s32 v34, v25  }
0x69: {  	v29 =	vsel vm15, v29, v37;
	v30 =	vsel vm15, v32, v30;
	v57 =	vxor.u32 v26, v28  }
0x6a: {  	v31 =	vld.idx.msk [tilespmem:v35+s2+$0x0], $0xffff;
	v33 =	vand.u32 v26, v28;
	v32 =	vshrl.u32 v57, $0x1;
	v58 =	vxor.u32 v30, v29  }
0x6b: {  	v59 =	vand.u32 v30, v29;
	v32 =	vadd.s32 v32, v33;
	v34 =	vshrl.u32 v58, $0x1  }
0x6c: {  	v36 =	vsel vm13, $0x400, v16;
	v60 =	vsel vm14, $0x200, v19;
	v33 =	vadd.s32 v34, v59  }
0x6d: {  	v39 =	vsel vm13, $0x201, v17;
	v62 =	vsel vm14, $0x0, v18;
	vm4 =	vlt.s32 v38, v27  }
0x6e: {  	v61 =	vor.u32 $0x1, v24;
	v40 =	vor.u32 $0x1, v35;
	v24 =	vsel vm4, v36, v24  }
0x6f: {  	v43 =	vadd.s32 $0xFFFFFFFF, v24;
	vm5 =	vgt.s32 v31, v27;
	v31 =	vsel vm4, v61, v39  }
0x70: {  	v63 =	vsel vm5, v35, v60;
	v44 =	vsel vm5, v62, v40;
	v45 =	vxor.u32 v43, v31;
	v46 =	vld.idx.msk [tilespmem:v32+s2+$0x0], $0xffff  }
0x71: {  	v35 =	vor.u32 v43, v31;
	v37 =	vadd.s32 $0xFFFFFFFF, v63;
	v38 =	vshrl.u32 v45, $0x1;
	v41 =	vld.idx.msk [tilespmem:v33+s2+$0x0], $0xffff  }
0x72: {  	v40 =	vxor.u32 v37, v44;
	v35 =	vsub.s32 v35, v38  }
0x73: {  	v37 =	vor.u32 v37, v44;
	v40 =	vshrl.u32 v40, $0x1  }
0x74: {  	v37 =	vsub.s32 v37, v40  }
0x75: {  	v47 =	vadd.s32 $0x1, v32;
	v48 =	vadd.s32 $0x1, v33;
	vm6 =	vlt.s32 v46, v25  }
0x76: {  	v28 =	vsel vm6, v47, v28;
	v26 =	vsel vm6, v26, v32;
	vm7 =	vgt.s32 v41, v25  }
0x77: {  	v49 =	vld.idx.msk [tilespmem:v35+s2+$0x0], $0xffff;
	v29 =	vsel vm7, v29, v48;
	v30 =	vsel vm7, v33, v30;
	v50 =	vadd.s32 v26, v28  }
0x78: {  	v33 =	vshrl.u32 v50, $0x1;
	v39 =	vadd.s32 v30, v29  }
0x79: {  	v51 =	vld.idx.msk [tilespmem:v37+s2+$0x0], $0xffff;
	v39 =	vshrl.u32 v39, $0x1;
	_ =	sdelay $0x2  }
0x7a: {  	v52 =	vor.u32 $0x1, v35;
	vm8 =	vlt.s32 v49, v27  }
0x7b: {  	v53 =	vor.u32 $0x1, v37;
	v31 =	vsel vm8, v52, v31;
	v24 =	vsel vm8, v24, v35;
	v54 =	vld.idx.msk [tilespmem:v33+s2+$0x0], $0xffff  }
0x7c: {  	vm9 =	vgt.s32 v51, v27;
	v56 =	vxor.u32 v24, v31;
	v40 =	vand.u32 v24, v31;
	v57 =	vld.idx.msk [tilespmem:v39+s2+$0x0], $0xffff  }
0x7d: {  	v55 =	vsel vm9, v44, v53;
	v34 =	vsel vm9, v37, v63;
	v36 =	vshrl.u32 v56, $0x1  }
0x7e: {  	v58 =	vxor.u32 v34, v55;
	v36 =	vadd.s32 v36, v40  }
0x7f: {  	v59 =	vadd.s32 $0x1, v33;
	v41 =	vand.u32 v34, v55;
	v38 =	vshrl.u32 v58, $0x1  }
0x80: {  	v60 =	vadd.s32 $0x1, v39;
	v38 =	vadd.s32 v38, v41;
	vm10 =	vlt.s32 v54, v25  }
0x81: {  	v28 =	vsel vm10, v59, v28;
	v26 =	vsel vm10, v26, v33;
	vm11 =	vgt.s32 v57, v25  }
0x82: {  	v29 =	vsel vm11, v29, v60;
	v30 =	vsel vm11, v39, v30;
	v32 =	vadd.s32 v26, v28  }
0x83: {  	v61 =	vld.idx.msk [tilespmem:v36+s2+$0x0], $0xffff;
	v32 =	vshrl.u32 v32, $0x1;
	v62 =	vadd.s32 v30, v29  }
0x84: {  	v37 =	vshrl.u32 v62, $0x1  }
0x85: {  	v63 =	vld.idx.msk [tilespmem:v38+s2+$0x0], $0xffff;
	_ =	sdelay $0x2  }
0x86: {  	v44 =	vadd.s32 $0x1, v36;
	vm12 =	vlt.s32 v61, v27;
	v45 =	vld.idx.msk [tilespmem:v32+s2+$0x0], $0xffff  }
0x87: {  	v31 =	vsel vm12, v44, v31;
	v24 =	vsel vm12, v24, v36;
	v46 =	vld.idx.msk [tilespmem:v37+s2+$0x0], $0xffff  }
0x88: {  	v41 =	vadd.s32 $0x1, v38;
	vm13 =	vgt.s32 v63, v27;
	v47 =	vadd.s32 v24, v31  }
0x89: {  	v35 =	vsel vm13, v55, v41;
	v34 =	vsel vm13, v38, v34;
	v38 =	vshrl.u32 v47, $0x1  }
0x8a: {  	v49 =	vadd.s32 $0x1, v32;
	v48 =	vadd.s32 v34, v35  }
0x8b: {  	v50 =	vadd.s32 $0x1, v37;
	v39 =	vshrl.u32 v48, $0x1;
	vm14 =	vlt.s32 v45, v25  }
0x8c: {  	v28 =	vsel vm14, v49, v28;
	v26 =	vsel vm14, v26, v32;
	vm15 =	vgt.s32 v46, v25  }
0x8d: {  	v51 =	vsel vm15, v29, v50;
	v52 =	vsel vm15, v37, v30;
	v29 =	vadd.s32 v26, v28  }
0x8e: {  	v30 =	vld.idx.msk [tilespmem:v38+s2+$0x0], $0xffff;
	v53 =	vshrl.u32 v29, $0x1;
	v29 =	vadd.s32 v52, v51  }
0x8f: {  	v54 =	vshrl.u32 v29, $0x1;
	_ =	sdelay $0x2  }
0x90: {  	v55 =	vld.idx.msk [tilespmem:v39+s2+$0x0], $0xffff  }
0x91: {  	v29 =	vadd.s32 $0x1, v38;
	vm4 =	vlt.s32 v30, v27;
	v56 =	vld.idx.msk [tilespmem:v53+s2+$0x0], $0xffff  }
0x92: {  	v42 =	vsel vm4, v29, v31;
	v29 =	vsel vm4, v24, v38;
	v24 =	vld.idx.msk [tilespmem:v54+s2+$0x0], $0xffff;
	_ =	sdelay $0x1  }
0x93: {  	v57 =	vadd.s32 $0x1, v39;
	v58 =	vadd.s32 $0x1, v53  }
0x94: {  	v59 =	vadd.s32 $0x1, v54;
	vm5 =	vgt.s32 v55, v27;
	v30 =	vadd.s32 v29, v42  }
0x95: {  	v60 =	vld.idx.msk [tilespmem:v16+s2+$0x0], $0xffff;
	v34 =	vsel vm5, v39, v34;
	v31 =	vshrl.u32 v30, $0x1;
	vm6 =	vlt.s32 v56, v25  }
0x96: {  	v30 =	vsel vm5, v35, v57;
	v35 =	vsel vm6, v58, v28;
	vm7 =	vgt.s32 v24, v25  }
0x97: {  	v36 =	vsel vm6, v26, v53;
	v28 =	vadd.s32 v34, v30;
	v32 =	vsel vm7, v51, v59  }
0x98: {  	s19 =	simm.s32 $0x30;
	v33 =	vsel vm7, v54, v52;
	v24 =	vadd.s32 v36, v35;
	v39 =	vshrl.u32 v28, $0x1  }
0x99: {  	v28 =	vor.u32 s19, v0;
	v61 =	vshrl.u32 v24, $0x1;
	v24 =	vadd.s32 v33, v32  }
0x9a: {  	vm8 =	vlt.s32 v60, v28;
	v38 =	vshrl.u32 v24, $0x1  }
0x9b: {  	vm9 =	vgt.s32 v60, v28;
	v44 =	vsel vm8, $0x300, v20  }
0x9c: {  	v45 =	vsel vm9, $0x100, v21  }
0x9d: {  	s21 =	simm.s32 $0x20;
	v62 =	vadd.s32 $0x1, v31;
	v26 =	vld.idx.msk [tilespmem:v31+s2+$0x0], $0xffff  }
0x9e: {  	v24 =	vor.u32 s21, v0;
	v54 =	vsel vm8, $0x201, v17;
	v55 =	vsel vm8, $0x400, v16;
	v46 =	vld.idx.msk [tilespmem:v61+s2+$0x0], $0xffff  }
0x9f: {  	v37 =	vsel vm9, $0x0, v18;
	vm3 =	vlt.s32 v60, v24;
	vm4 =	vgt.s32 v60, v24;
	v63 =	vld.idx.msk [tilespmem:v38+s2+$0x0], $0xffff  }
0xa0: {  	v60 =	vadd.s32 $0x1, v61;
	v57 =	vadd.s32 $0x1, v38;
	v40 =	vsel vm3, $0x300, v20;
	v53 =	vld.idx.msk [tilespmem:v44+s2+$0x0], $0xffff  }
0xa1: {  	v47 =	vsel vm4, $0x200, v19;
	v48 =	vsel vm4, $0x100, v21;
	v49 =	vsel vm3, $0x201, v17;
	v56 =	vld.idx.msk [tilespmem:v45+s2+$0x0], $0xffff  }
0xa2: {  	v52 =	vsel vm4, $0x0, v18;
	vm10 =	vlt.s32 v26, v27;
	v50 =	vor.u32 $0x1, v40  }
0xa3: {  	v51 =	vor.u32 $0x1, v48;
	v26 =	vsel vm10, v62, v42;
	vm11 =	vlt.s32 v46, v25  }
0xa4: {  	v42 =	vsel vm3, $0x400, v16;
	v62 =	vsel vm9, $0x200, v19;
	v35 =	vsel vm11, v60, v35  }
0xa5: {  	v36 =	vsel vm11, v36, v61;
	vm12 =	vgt.s32 v63, v25;
	vm13 =	vlt.s32 v53, v28  }
0xa6: {  	v58 =	vld.idx.msk [tilespmem:v48+s2+$0x0], $0xffff;
	v63 =	vor.u32 $0x1, v44;
	vm14 =	vgt.s32 v56, v28;
	v61 =	vadd.s32 v36, v35  }
0xa7: {  	v32 =	vsel vm12, v32, v57;
	v33 =	vsel vm12, v38, v33;
	v41 =	vshrl.u32 v61, $0x1  }
0xa8: {  	v46 =	vld.idx.msk [tilespmem:v40+s2+$0x0], $0xffff;
	v60 =	vor.u32 $0x1, v45;
	v44 =	vsel vm13, v55, v44;
	v57 =	vadd.s32 v33, v32  }
0xa9: {  	v53 =	vsel vm13, v63, v54;
	v38 =	vsel vm14, v45, v62;
	v57 =	vshrl.u32 v57, $0x1  }
0xaa: {  	v37 =	vsel vm14, v37, v60;
	v61 =	vadd.s32 $0xFFFFFFFF, v44;
	v63 =	vadd.s32 $0xFFFFFFFF, v38  }
0xab: {  	vm4 =	vgt.s32 v58, v24;
	v62 =	vxor.u32 v61, v53;
	v54 =	vor.u32 v61, v53  }
0xac: {  	v60 =	vxor.u32 v63, v37;
	v61 =	vor.u32 v63, v37;
	v45 =	vshrl.u32 v62, $0x1;
	v59 =	vld.idx.msk [tilespmem:v41+s2+$0x0], $0xffff  }
0xad: {  	v62 =	vshrl.u32 v60, $0x1;
	vm15 =	vlt.s32 v46, v24;
	v45 =	vsub.s32 v54, v45  }
0xae: {  	v46 =	vsub.s32 v61, v62;
	v49 =	vsel vm15, v50, v49;
	v40 =	vsel vm15, v42, v40;
	v63 =	vld.idx.msk [tilespmem:v57+s2+$0x0], $0xffff  }
0xaf: {  	v42 =	vsel vm4, v48, v47;
	v47 =	vsel vm4, v52, v51;
	v60 =	vadd.s32 $0xFFFFFFFF, v40  }
0xb0: {  	v61 =	vadd.s32 $0x1, v41;
	v62 =	vadd.s32 $0x1, v57;
	v48 =	vxor.u32 v60, v49  }
0xb1: {  	v51 =	vor.u32 v60, v49;
	v48 =	vshrl.u32 v48, $0x1;
	vm5 =	vlt.s32 v59, v25  }
0xb2: {  	v50 =	vadd.s32 $0xFFFFFFFF, v42;
	v48 =	vsub.s32 v51, v48;
	v55 =	vld.idx.msk [tilespmem:v45+s2+$0x0], $0xffff;
	v35 =	vsel vm5, v61, v35  }
0xb3: {  	v52 =	vld.idx.msk [tilespmem:v46+s2+$0x0], $0xffff;
	v36 =	vsel vm5, v36, v41;
	vm6 =	vgt.s32 v63, v25;
	v63 =	vxor.u32 v50, v47  }
0xb4: {  	v50 =	vor.u32 v50, v47;
	v32 =	vsel vm6, v32, v62;
	v60 =	vadd.s32 v36, v35  }
0xb5: {  	v33 =	vsel vm6, v57, v33;
	v41 =	vshrl.u32 v63, $0x1;
	v63 =	vor.u32 $0x1, v45  }
0xb6: {  	v57 =	vor.u32 $0x1, v46;
	v54 =	vshrl.u32 v60, $0x1;
	v61 =	vadd.s32 v33, v32  }
0xb7: {  	v41 =	vsub.s32 v50, v41;
	vm7 =	vlt.s32 v55, v28;
	v56 =	vshrl.u32 v61, $0x1  }
0xb8: {  	vm8 =	vgt.s32 v52, v28;
	v51 =	vsel vm7, v63, v53;
	v44 =	vsel vm7, v44, v45  }
0xb9: {  	v62 =	vld.idx.msk [tilespmem:v39+s2+$0x0], $0xffff;
	v37 =	vsel vm8, v37, v57;
	v38 =	vsel vm8, v46, v38;
	v45 =	vxor.u32 v44, v51  }
0xba: {  	v50 =	vld.idx.msk [tilespmem:v48+s2+$0x0], $0xffff;
	v58 =	vand.u32 v44, v51;
	v59 =	vxor.u32 v38, v37;
	v45 =	vshrl.u32 v45, $0x1  }
0xbb: {  	v61 =	vand.u32 v38, v37;
	v52 =	vshrl.u32 v59, $0x1;
	v45 =	vadd.s32 v45, v58;
	v60 =	vld.idx.msk [tilespmem:v54+s2+$0x0], $0xffff  }
0xbc: {  	v43 =	vadd.s32 $0x1, v39;
	v29 =	vsel vm10, v29, v31;
	v46 =	vadd.s32 v52, v61;
	v31 =	vld.idx.msk [tilespmem:v56+s2+$0x0], $0xffff  }
0xbd: {  	v57 =	vor.u32 $0x1, v41;
	v53 =	vadd.s32 $0x1, v54;
	v59 =	vadd.s32 $0x1, v56  }
0xbe: {  	vm9 =	vgt.s32 v62, v27;
	v62 =	vadd.s32 v29, v26;
	v52 =	vor.u32 $0x1, v48;
	v55 =	vld.idx.msk [tilespmem:v41+s2+$0x0], $0xffff  }
0xbf: {  	v30 =	vsel vm9, v30, v43;
	v34 =	vsel vm9, v39, v34;
	v39 =	vshrl.u32 v62, $0x1  }
0xc0: {  	vm12 =	vlt.s32 v50, v24;
	v63 =	vadd.s32 $0x1, v45;
	vm10 =	vlt.s32 v60, v25;
	v60 =	vld.idx.msk [tilespmem:v45+s2+$0x0], $0xffff  }
0xc1: {  	v43 =	vadd.s32 v34, v30;
	v58 =	vadd.s32 $0x1, v39;
	vm11 =	vgt.s32 v31, v25;
	v31 =	vld.idx.msk [tilespmem:v46+s2+$0x0], $0xffff  }
0xc2: {  	v40 =	vsel vm12, v40, v48;
	v35 =	vsel vm10, v53, v35;
	v36 =	vsel vm10, v36, v54  }
0xc3: {  	v43 =	vshrl.u32 v43, $0x1;
	vm13 =	vgt.s32 v55, v24;
	v36 =	vadd.s32 v36, v35  }
0xc4: {  	v32 =	vsel vm11, v32, v59;
	v33 =	vsel vm11, v56, v33;
	v36 =	vshrl.u32 v36, $0x1  }
0xc5: {  	v56 =	vadd.s32 $0x1, v46;
	v36 =	vmin.u32 v36, $0x3FF;
	vm14 =	vlt.s32 v60, v28  }
0xc6: {  	v50 =	vsel vm14, v63, v51;
	v44 =	vsel vm14, v44, v45;
	vm15 =	vgt.s32 v31, v28  }
0xc7: {  	v31 =	vsel vm15, v37, v56;
	v37 =	vsel vm15, v46, v38;
	v59 =	vadd.s32 v44, v50  }
0xc8: {  	v47 =	vsel vm13, v47, v57;
	v45 =	vld.idx.msk [tilespmem:v39+s2+$0x0], $0xffff;
	v38 =	vshrl.u32 v59, $0x1;
	v60 =	vadd.s32 v37, v31  }
0xc9: {  	v33 =	vadd.s32 v33, v32;
	v51 =	vld.idx.msk [tilespmem:v43+s2+$0x0], $0xffff;
	v46 =	vsel vm12, v52, v49;
	v48 =	vshrl.u32 v60, $0x1  }
0xca: {  	v41 =	vsel vm13, v41, v42;
	v33 =	vshrl.u32 v33, $0x1;
	v61 =	vxor.u32 v40, v46  }
0xcb: {  	v33 =	vmin.u32 v33, $0x3FF;
	v52 =	vand.u32 v40, v46;
	v42 =	vshrl.u32 v61, $0x1  }
0xcc: {  	v62 =	vxor.u32 v41, v47;
	v57 =	vand.u32 v41, v47;
	v63 =	vld.idx.msk [tilespmem:v36+s2+$0x0], $0xffff;
	v42 =	vadd.s32 v42, v52  }
0xcd: {  	v49 =	vshrl.u32 v62, $0x1;
	v59 =	vadd.s32 $0x1, v43;
	vm4 =	vlt.s32 v45, v27;
	v60 =	vld.idx.msk [tilespmem:v38+s2+$0x0], $0xffff  }
0xce: {  	v45 =	vadd.s32 v49, v57;
	vm5 =	vgt.s32 v51, v27;
	v29 =	vsel vm4, v29, v39;
	v39 =	vld.idx.msk [tilespmem:v48+s2+$0x0], $0xffff  }
0xcf: {  	v26 =	vsel vm4, v58, v26;
	v30 =	vsel vm5, v30, v59;
	v34 =	vsel vm5, v43, v34  }
0xd0: {  	v51 =	vld.idx.msk [tilespmem:v33+s2+$0x0], $0xffff;
	v61 =	vadd.s32 v29, v26;
	v62 =	vadd.s32 v34, v30  }
0xd1: {  	v43 =	vshrl.u32 v61, $0x1;
	vm6 =	vlt.s32 v63, v25;
	v54 =	vshrl.u32 v62, $0x1;
	v53 =	vld.idx.msk [tilespmem:v42+s2+$0x0], $0xffff  }
0xd2: {  	v63 =	vadd.s32 $0x1, v38;
	vm7 =	vlt.s32 v60, v28;
	v60 =	vadd.s32 $0x1, v48  }
0xd3: {  	v56 =	vld.idx.msk [tilespmem:v45+s2+$0x0], $0xffff;
	v49 =	vsel vm7, v63, v50;
	v38 =	vsel vm7, v44, v38;
	vm8 =	vgt.s32 v39, v28  }
0xd4: {  	v31 =	vsel vm8, v31, v60;
	v37 =	vsel vm8, v48, v37;
	v61 =	vadd.s32 v38, v49  }
0xd5: {  	v52 =	vadd.s32 $0x1, v42;
	v39 =	vshrl.u32 v61, $0x1;
	v62 =	vadd.s32 v37, v31  }
0xd6: {  	vm9 =	vgt.s32 v51, v25;
	v63 =	vld.idx.msk [tilespmem:v43+s2+$0x0], $0xffff;
	vm10 =	vlt.s32 v53, v24;
	v25 =	vshrl.u32 v62, $0x1  }
0xd7: {  	v36 =	vadd.s32 $0x1, v36;
	v57 =	vld.idx.msk [tilespmem:v54+s2+$0x0], $0xffff;
	v46 =	vsel vm10, v52, v46;
	v40 =	vsel vm10, v40, v42  }
0xd8: {  	v55 =	vadd.s32 $0x1, v45;
	vm11 =	vgt.s32 v56, v24;
	v58 =	vadd.s32 v40, v46  }
0xd9: {  	v42 =	vsel vm11, v47, v55;
	v41 =	vsel vm11, v45, v41;
	v45 =	vshrl.u32 v58, $0x1  }
0xda: {  	v59 =	vadd.s32 $0x1, v43;
	v61 =	vadd.s32 $0x1, v54;
	v60 =	vadd.s32 v41, v42;
	v62 =	vld.idx.msk [tilespmem:v39+s2+$0x0], $0xffff  }
0xdb: {  	v58 =	vadd.s32 $0x1, v25;
	v50 =	vshrl.u32 v60, $0x1;
	vm12 =	vlt.s32 v63, v27;
	v63 =	vld.idx.msk [tilespmem:v25+s2+$0x0], $0xffff  }
0xdc: {  	vm13 =	vgt.s32 v57, v27;
	v26 =	vsel vm12, v59, v26;
	v43 =	vsel vm12, v29, v43  }
0xdd: {  	v44 =	vsel vm13, v30, v61;
	v34 =	vsel vm13, v54, v34;
	v29 =	vadd.s32 v43, v26  }
0xde: {  	v57 =	vadd.s32 $0x1, v39;
	v51 =	vadd.s32 v34, v44;
	v47 =	vshrl.u32 v29, $0x1;
	v55 =	vld.idx.msk [tilespmem:v45+s2+$0x0], $0xffff  }
0xdf: {  	v30 =	vsel vm6, v36, v35;
	v35 =	vshrl.u32 v51, $0x1;
	vm14 =	vlt.s32 v62, v28  }
0xe0: {  	v56 =	vld.idx.msk [tilespmem:v50+s2+$0x0], $0xffff;
	v36 =	vsel vm14, v57, v49;
	v38 =	vsel vm14, v38, v39;
	vm15 =	vgt.s32 v63, v28  }
0xe1: {  	v33 =	vadd.s32 $0x1, v33;
	v48 =	vsel vm15, v31, v58;
	v31 =	vadd.s32 v38, v36  }
0xe2: {  	v59 =	vadd.s32 $0x1, v45;
	v25 =	vsel vm15, v25, v37;
	v49 =	vshrl.u32 v31, $0x1  }
0xe3: {  	v61 =	vadd.s32 $0x1, v50;
	v60 =	vld.idx.msk [tilespmem:v47+s2+$0x0], $0xffff;
	vm4 =	vlt.s32 v55, v24;
	v31 =	vadd.s32 v25, v48  }
0xe4: {  	v37 =	vsel vm4, v59, v46;
	v45 =	vsel vm4, v40, v45;
	v52 =	vshrl.u32 v31, $0x1;
	v31 =	vld.idx.msk [tilespmem:v35+s2+$0x0], $0xffff  }
0xe5: {  	v29 =	vsel vm9, v32, v33;
	vm5 =	vgt.s32 v56, v24;
	v62 =	vadd.s32 v45, v37  }
0xe6: {  	v46 =	vsel vm5, v42, v61;
	v50 =	vsel vm5, v50, v41;
	v51 =	vshrl.u32 v62, $0x1  }
0xe7: {  	v63 =	vadd.s32 $0x1, v47;
	v58 =	vadd.s32 $0x1, v35;
	v57 =	vadd.s32 v50, v46;
	v59 =	vld.idx.msk [tilespmem:v49+s2+$0x0], $0xffff  }
0xe8: {  	v62 =	vadd.s32 $0x1, v52;
	v53 =	vshrl.u32 v57, $0x1;
	vm6 =	vlt.s32 v60, v27  }
0xe9: {  	v39 =	vsel vm6, v63, v26;
	v40 =	vsel vm6, v43, v47;
	v55 =	vld.idx.msk [tilespmem:v52+s2+$0x0], $0xffff;
	vm7 =	vgt.s32 v31, v27  }
0xea: {  	v63 =	vld.idx.msk [tilespmem:v16+s2+$0x0], $0xffff;
	v26 =	vadd.s32 v40, v39;
	v33 =	vsel vm7, v44, v58;
	v31 =	vsel vm7, v35, v34  }
0xeb: {  	v43 =	vadd.s32 $0x1, v53;
	v41 =	vshrl.u32 v26, $0x1;
	v60 =	vld.idx.msk [tilespmem:v51+s2+$0x0], $0xffff;
	v26 =	vadd.s32 v31, v33  }
0xec: {  	v32 =	vshrl.u32 v26, $0x1;
	v26 =	vadd.s32 $0x1, v49;
	vm8 =	vlt.s32 v59, v28  }
0xed: {  	s9 =	simm.s32 $0x50;
	v35 =	vadd.s32 $0x1, v51;
	v42 =	vadd.s32 $0x1, v41;
	v56 =	vsel vm8, v26, v36  }
0xee: {  	v61 =	vld.idx.msk [tilespmem:v53+s2+$0x0], $0xffff;
	v49 =	vsel vm8, v38, v49;
	vm9 =	vgt.s32 v55, v28;
	v26 =	vor.u32 s9, v0  }
0xef: {  	v48 =	vsel vm9, v48, v62;
	v52 =	vsel vm9, v52, v25;
	v25 =	vadd.s32 v49, v56  }
0xf0: {  	vm10 =	vlt.s32 v60, v24;
	vm12 =	vlt.s32 v63, v26;
	v55 =	vshrl.u32 v25, $0x1  }
0xf1: {  	vm14 =	vgt.s32 v63, v26;
	v36 =	vsel vm10, v45, v51;
	v45 =	vsel vm12, $0x300, v20  }
0xf2: {  	v34 =	vadd.s32 $0x1, v32;
	v25 =	vadd.s32 v52, v48;
	v51 =	vsel vm14, $0x100, v21  }
0xf3: {  	s10 =	simm.s32 $0x40;
	v35 =	vsel vm10, v35, v37;
	vm11 =	vgt.s32 v61, v24;
	v44 =	vshrl.u32 v25, $0x1  }
0xf4: {  	v23 =	vsel vm12, $0x400, v16;
	v25 =	vor.u32 s10, v0;
	v37 =	vsel vm11, v46, v43  }
0xf5: {  	v38 =	vsel vm11, v53, v50;
	v43 =	vadd.s32 v36, v35;
	v53 =	vsel vm12, $0x201, v17;
	v54 =	vld.idx.msk [tilespmem:v55+s2+$0x0], $0xffff  }
0xf6: {  	vm13 =	vlt.s32 v63, v25;
	vm15 =	vgt.s32 v63, v25;
	v50 =	vadd.s32 v38, v37;
	v46 =	vld.idx.msk [tilespmem:v45+s2+$0x0], $0xffff  }
0xf7: {  	v4 =	vadd.s32 $0x1, v44;
	v43 =	vshrl.u32 v43, $0x1;
	v47 =	vsel vm13, $0x300, v20;
	v3 =	vld.idx.msk [tilespmem:v51+s2+$0x0], $0xffff  }
0xf8: {  	v57 =	vsel vm13, $0x400, v16;
	v58 =	vsel vm15, $0x200, v19;
	v59 =	vsel vm15, $0x100, v21;
	v60 =	vld.idx.msk [tilespmem:v44+s2+$0x0], $0xffff  }
0xf9: {  	v61 =	vsel vm13, $0x201, v17;
	v22 =	vsel vm15, $0x0, v18;
	v50 =	vshrl.u32 v50, $0x1  }
0xfa: {  	v62 =	vor.u32 $0x1, v47;
	v63 =	vor.u32 $0x1, v59;
	vm5 =	vlt.s32 v54, v28  }
0xfb: {  	v54 =	vadd.s32 $0x1, v55;
	vm7 =	vlt.s32 v46, v26;
	v46 =	vor.u32 $0x1, v45  }
0xfc: {  	vm8 =	vgt.s32 v3, v26;
	v54 =	vsel vm5, v54, v56;
	v49 =	vsel vm5, v49, v55  }
0xfd: {  	v5 =	vld.idx.msk [tilespmem:v47+s2+$0x0], $0xffff;
	vm6 =	vgt.s32 v60, v28;
	v55 =	vsel vm14, $0x0, v18;
	v23 =	vsel vm7, v23, v45  }
0xfe: {  	v45 =	vor.u32 $0x1, v51;
	v46 =	vsel vm7, v46, v53;
	v4 =	vsel vm6, v48, v4  }
0xff: {  	v3 =	vld.idx.msk [tilespmem:v59+s2+$0x0], $0xffff;
	v60 =	vadd.s32 v49, v54;
	v44 =	vsel vm6, v44, v52;
	v52 =	vsel vm14, $0x200, v19  }
0x100: {  	v56 =	vld.idx.msk [tilespmem:v41+s2+$0x0], $0xffff;
	v53 =	vadd.s32 $0xFFFFFFFF, v23;
	v48 =	vshrl.u32 v60, $0x1;
	v60 =	vadd.s32 v44, v4  }
0x101: {  	v45 =	vsel vm8, v55, v45;
	v51 =	vsel vm8, v51, v52;
	v60 =	vshrl.u32 v60, $0x1  }
0x102: {  	v52 =	vxor.u32 v53, v46;
	v53 =	vor.u32 v53, v46;
	vm10 =	vlt.s32 v5, v25  }
0x103: {  	v55 =	vadd.s32 $0xFFFFFFFF, v51;
	v52 =	vshrl.u32 v52, $0x1;
	v5 =	vsel vm10, v57, v47  }
0x104: {  	v47 =	vsel vm10, v62, v61;
	v52 =	vsub.s32 v53, v52;
	v53 =	vor.u32 v55, v45  }
0x105: {  	vm11 =	vgt.s32 v3, v25;
	vm9 =	vlt.s32 v56, v27;
	v56 =	vxor.u32 v55, v45;
	v6 =	vld.idx.msk [tilespmem:v48+s2+$0x0], $0xffff  }
0x106: {  	v61 =	vadd.s32 $0xFFFFFFFF, v5;
	v62 =	vadd.s32 $0x1, v60;
	v55 =	vshrl.u32 v56, $0x1;
	v56 =	vld.idx.msk [tilespmem:v60+s2+$0x0], $0xffff  }
0x107: {  	v22 =	vsel vm11, v22, v63;
	v39 =	vsel vm9, v42, v39;
	v3 =	vsub.s32 v53, v55  }
0x108: {  	v42 =	vadd.s32 $0x1, v50;
	v40 =	vsel vm9, v40, v41;
	v53 =	vsel vm11, v59, v58  }
0x109: {  	v58 =	vor.u32 v61, v47;
	v55 =	vxor.u32 v61, v47;
	v61 =	vadd.s32 $0x1, v48  }
0x10a: {  	v40 =	vadd.s32 v40, v39;
	v57 =	vadd.s32 $0xFFFFFFFF, v53;
	vm12 =	vlt.s32 v6, v28  }
0x10b: {  	v6 =	vld.idx.msk [tilespmem:v52+s2+$0x0], $0xffff;
	vm13 =	vgt.s32 v56, v28;
	v54 =	vsel vm12, v61, v54;
	v48 =	vsel vm12, v49, v48  }
0x10c: {  	v56 =	vld.idx.msk [tilespmem:v3+s2+$0x0], $0xffff;
	v4 =	vsel vm13, v4, v62;
	v44 =	vsel vm13, v60, v44;
	v49 =	vadd.s32 v48, v54  }
0x10d: {  	v55 =	vshrl.u32 v55, $0x1;
	v49 =	vshrl.u32 v49, $0x1;
	v60 =	vadd.s32 v44, v4  }
0x10e: {  	v59 =	vxor.u32 v57, v22;
	v57 =	vor.u32 v57, v22;
	v60 =	vshrl.u32 v60, $0x1  }
0x10f: {  	v55 =	vsub.s32 v58, v55;
	v58 =	vor.u32 $0x1, v3;
	v59 =	vshrl.u32 v59, $0x1  }
0x110: {  	v61 =	vld.idx.msk [tilespmem:v32+s2+$0x0], $0xffff;
	v41 =	vadd.s32 $0x1, v49;
	vm14 =	vlt.s32 v6, v26;
	v6 =	vor.u32 $0x1, v52  }
0x111: {  	v6 =	vsel vm14, v6, v46;
	v23 =	vsel vm14, v23, v52;
	vm15 =	vgt.s32 v56, v26  }
0x112: {  	v46 =	vsub.s32 v57, v59;
	v52 =	vxor.u32 v23, v6;
	v3 =	vsel vm15, v3, v51;
	v51 =	vld.idx.msk [tilespmem:v49+s2+$0x0], $0xffff  }
0x113: {  	v45 =	vsel vm15, v45, v58;
	v62 =	vand.u32 v23, v6;
	v52 =	vshrl.u32 v52, $0x1;
	v58 =	vld.idx.msk [tilespmem:v60+s2+$0x0], $0xffff  }
0x114: {  	v59 =	vor.u32 $0x1, v55;
	v63 =	vxor.u32 v3, v45;
	v52 =	vadd.s32 v52, v62;
	v62 =	vld.idx.msk [tilespmem:v55+s2+$0x0], $0xffff  }
0x115: {  	vm0 =	vgt.s32 v61, v27;
	v56 =	vand.u32 v3, v45;
	v57 =	vshrl.u32 v63, $0x1  }
0x116: {  	v61 =	vadd.s32 $0x1, v43;
	v31 =	vsel vm0, v32, v31;
	v56 =	vadd.s32 v57, v56  }
0x117: {  	v63 =	vor.u32 $0x1, v46;
	v57 =	vld.idx.msk [tilespmem:v46+s2+$0x0], $0xffff;
	vm4 =	vlt.s32 v51, v28;
	v51 =	vadd.s32 $0x1, v60  }
0x118: {  	vm5 =	vgt.s32 v58, v28;
	v41 =	vsel vm4, v41, v54;
	v48 =	vsel vm4, v48, v49  }
0x119: {  	v58 =	vld.idx.msk [tilespmem:v52+s2+$0x0], $0xffff;
	vm6 =	vlt.s32 v62, v25;
	v4 =	vsel vm5, v4, v51;
	v44 =	vsel vm5, v60, v44  }
0x11a: {  	v48 =	vadd.s32 v48, v41;
	v47 =	vsel vm6, v59, v47;
	v5 =	vsel vm6, v5, v55  }
0x11b: {  	v49 =	vld.idx.msk [tilespmem:v56+s2+$0x0], $0xffff;
	v60 =	vadd.s32 $0x1, v52;
	v48 =	vshrl.u32 v48, $0x1;
	v44 =	vadd.s32 v44, v4  }
0x11c: {  	vm7 =	vgt.s32 v57, v25;
	v48 =	vmin.u32 v48, $0x3FF;
	v44 =	vshrl.u32 v44, $0x1  }
0x11d: {  	v51 =	vxor.u32 v5, v47;
	v22 =	vsel vm7, v22, v63;
	v44 =	vmin.u32 v44, $0x3FF  }
0x11e: {  	v46 =	vsel vm7, v46, v53;
	v53 =	vld.idx.msk [tilespmem:v43+s2+$0x0], $0xffff;
	v51 =	vshrl.u32 v51, $0x1;
	vm8 =	vlt.s32 v58, v26  }
0x11f: {  	v6 =	vsel vm8, v60, v6;
	v23 =	vsel vm8, v23, v52;
	v60 =	vand.u32 v5, v47  }
0x120: {  	vm9 =	vgt.s32 v49, v26;
	v49 =	vld.idx.msk [tilespmem:v50+s2+$0x0], $0xffff;
	v52 =	vadd.s32 v23, v6;
	v51 =	vadd.s32 v51, v60  }
0x121: {  	v62 =	vadd.s32 $0x1, v56;
	v63 =	vxor.u32 v46, v22;
	v54 =	vld.idx.msk [tilespmem:v48+s2+$0x0], $0xffff;
	v52 =	vshrl.u32 v52, $0x1  }
0x122: {  	v55 =	vshrl.u32 v63, $0x1;
	v45 =	vsel vm9, v45, v62;
	v3 =	vsel vm9, v56, v3;
	v57 =	vld.idx.msk [tilespmem:v44+s2+$0x0], $0xffff  }
0x123: {  	v62 =	vand.u32 v46, v22;
	v56 =	vadd.s32 v3, v45;
	vm10 =	vlt.s32 v53, v24  }
0x124: {  	v53 =	vadd.s32 v55, v62;
	v48 =	vadd.s32 $0x1, v48;
	v56 =	vshrl.u32 v56, $0x1  }
0x125: {  	v55 =	vadd.s32 $0x1, v53;
	v35 =	vsel vm10, v61, v35;
	v36 =	vsel vm10, v36, v43;
	v60 =	vld.idx.msk [tilespmem:v51+s2+$0x0], $0xffff  }
0x126: {  	v62 =	vadd.s32 $0x1, v52;
	vm11 =	vgt.s32 v49, v24;
	vm12 =	vlt.s32 v54, v28;
	v63 =	vld.idx.msk [tilespmem:v52+s2+$0x0], $0xffff  }
0x127: {  	v49 =	vadd.s32 $0x1, v51;
	v58 =	vsel vm12, v48, v41;
	vm13 =	vgt.s32 v57, v28  }
0x128: {  	v28 =	vsel vm11, v37, v42;
	v37 =	vsel vm11, v50, v38;
	v57 =	vadd.s32 v36, v35  }
0x129: {  	v41 =	vld.idx.msk [tilespmem:v56+s2+$0x0], $0xffff;
	v59 =	vadd.s32 v37, v28;
	v42 =	vshrl.u32 v57, $0x1;
	v57 =	vsel vm0, v33, v34  }
0x12a: {  	v50 =	vadd.s32 $0x1, v44;
	v43 =	vshrl.u32 v59, $0x1;
	v31 =	vadd.s32 v31, v57  }
0x12b: {  	v61 =	vld.idx.msk [tilespmem:v53+s2+$0x0], $0xffff;
	vm4 =	vlt.s32 v60, v25;
	v31 =	vshrl.u32 v31, $0x1;
	vm14 =	vlt.s32 v63, v26  }
0x12c: {  	v63 =	vadd.s32 $0x1, v56;
	v47 =	vsel vm4, v49, v47;
	v5 =	vsel vm4, v5, v51  }
0x12d: {  	v31 =	vmin.u32 v31, $0x3FF;
	v6 =	vsel vm14, v62, v6;
	v23 =	vsel vm14, v23, v52  }
0x12e: {  	vm15 =	vgt.s32 v41, v26;
	v60 =	vadd.s32 v5, v47;
	v52 =	vadd.s32 v23, v6  }
0x12f: {  	v41 =	vsel vm15, v45, v63;
	v3 =	vsel vm15, v56, v3;
	v56 =	vld.idx.msk [tilespmem:v42+s2+$0x0], $0xffff;
	v45 =	vshrl.u32 v52, $0x1  }
0x130: {  	vm5 =	vgt.s32 v61, v25;
	v32 =	vshrl.u32 v60, $0x1;
	v54 =	vadd.s32 v3, v41;
	v59 =	vld.idx.msk [tilespmem:v43+s2+$0x0], $0xffff  }
0x131: {  	v22 =	vsel vm5, v22, v55;
	v49 =	vsel vm5, v53, v46;
	v44 =	vshrl.u32 v54, $0x1  }
0x132: {  	s14 =	simm.s32 $0x1010;
	v40 =	vshrl.u32 v40, $0x1;
	v46 =	vadd.s32 v49, v22  }
0x133: {  	[tilespmem:s14+$0x0] =	vst v30;
	v48 =	vmin.u32 v40, $0x3FF;
	v4 =	vsel vm13, v4, v50;
	v50 =	vshrl.u32 v46, $0x1;
	v30 =	vld.idx.msk [tilespmem:v31+s2+$0x0], $0xffff  }
0x134: {  	v33 =	vadd.s32 $0x1, v42;
	v34 =	vadd.s32 $0x1, v43;
	vm6 =	vlt.s32 v56, v24;
	v61 =	vld.idx.msk [tilespmem:v45+s2+$0x0], $0xffff  }
0x135: {  	v33 =	vsel vm6, v33, v35;
	v35 =	vsel vm6, v36, v42;
	vm7 =	vgt.s32 v59, v24;
	v42 =	vld.idx.msk [tilespmem:v32+s2+$0x0], $0xffff  }
0x136: {  	v46 =	vadd.s32 $0x1, v32;
	v62 =	vld.idx.msk [tilespmem:v44+s2+$0x0], $0xffff;
	v28 =	vsel vm7, v28, v34;
	v34 =	vsel vm7, v43, v37  }
0x137: {  	v51 =	vadd.s32 $0x1, v50;
	v36 =	vadd.s32 v35, v33;
	v63 =	vadd.s32 v34, v28  }
0x138: {  	v60 =	vadd.s32 $0x1, v45;
	v59 =	vld.idx.msk [tilespmem:v50+s2+$0x0], $0xffff;
	v54 =	vshrl.u32 v36, $0x1;
	v56 =	vshrl.u32 v63, $0x1  }
0x139: {  	vm15 =	vgt.s32 v30, v27;
	v55 =	vadd.s32 $0x1, v54;
	v63 =	vadd.s32 $0x1, v56  }
0x13a: {  	vm8 =	vlt.s32 v61, v26;
	v61 =	vadd.s32 $0x1, v44;
	vm10 =	vlt.s32 v42, v25  }
0x13b: {  	v38 =	vsel vm8, v60, v6;
	v40 =	vsel vm8, v23, v45;
	vm9 =	vgt.s32 v62, v26  }
0x13c: {  	v23 =	vld.idx.msk [tilespmem:v48+s2+$0x0], $0xffff;
	v36 =	vsel vm9, v41, v61;
	v37 =	vsel vm9, v44, v3;
	v3 =	vadd.s32 v40, v38  }
0x13d: {  	vm11 =	vgt.s32 v59, v25;
	v62 =	vld.idx.msk [tilespmem:v54+s2+$0x0], $0xffff;
	v41 =	vshrl.u32 v3, $0x1;
	v3 =	vadd.s32 v37, v36  }
0x13e: {  	v46 =	vsel vm10, v46, v47;
	v45 =	vsel vm10, v5, v32;
	v44 =	vshrl.u32 v3, $0x1;
	v3 =	vld.idx.msk [tilespmem:v56+s2+$0x0], $0xffff  }
0x13f: {  	v42 =	vsel vm11, v22, v51;
	v43 =	vsel vm11, v50, v49;
	v5 =	vadd.s32 v45, v46  }
0x140: {  	v6 =	vadd.s32 $0x1, v48;
	v48 =	vshrl.u32 v5, $0x1;
	v5 =	vadd.s32 v43, v42  }
0x141: {  	s10 =	simm.s32 $0x1090;
	v22 =	vadd.s32 $0x1, v31;
	v47 =	vshrl.u32 v5, $0x1;
	vm12 =	vlt.s32 v23, v27  }
0x142: {  	[tilespmem:s10+$0x0] =	vst v29;
	v49 =	vadd.s32 $0x1, v48;
	v5 =	vsel vm12, v6, v39;
	vm13 =	vlt.s32 v62, v24;
	v51 =	vld.idx.msk [tilespmem:v41+s2+$0x0], $0xffff  }
0x143: {  	s13 =	simm.s32 $0x1030;
	v32 =	vsel vm13, v55, v33;
	v31 =	vsel vm13, v35, v54;
	vm14 =	vgt.s32 v3, v24;
	v50 =	vld.idx.msk [tilespmem:v44+s2+$0x0], $0xffff  }
0x144: {  	s11 =	simm.s32 $0x10B0;
	[tilespmem:s13+$0x0] =	vst v58;
	v3 =	vadd.s32 v31, v32;
	v29 =	vsel vm14, v28, v63;
	v28 =	vsel vm14, v56, v34  }
0x145: {  	[tilespmem:s11+$0x0] =	vst v4;
	v39 =	vadd.s32 $0x1, v47;
	v52 =	vld.idx.msk [tilespmem:v48+s2+$0x0], $0xffff;
	v33 =	vshrl.u32 v3, $0x1;
	v3 =	vadd.s32 v28, v29  }
0x146: {  	s15 =	simm.s32 $0x4;
	[tilespmem:s14+$0xFFFFFFF0] =	vst v5;
	v35 =	vsel vm15, v57, v22;
	s14 =	simm.s32 $0x1030;
	v53 =	vld.idx.msk [tilespmem:v47+s2+$0x0], $0xffff;
	v34 =	vadd.s32 $0x1, v33;
	v27 =	vshrl.u32 v3, $0x1  }
.LBB2_4:
0x147: {  	v3 =	vld.idx.msk [tilespmem:v16+s2+$0x0], $0xffff;
	vm0 =	vlt.s32 v51, v26;
	v4 =	vadd.s32 $0x1, v41;
	v5 =	vadd.s32 $0x1, v44;
	[tilespmem:s10+$0xFFFFFFF0] =	vst v35;
	s10 =	smov.u32 s11  }
0x148: {  	s15 =	sadd.s32 $0x2, s15;
	v4 =	vsel vm0, v4, v38;
	v6 =	vsel vm0, v40, v41;
	vm0 =	vgt.s32 v50, v26  }
0x149: {  	p0 =	slt.u32 s15, $0x6;
	v5 =	vsel vm0, v36, v5;
	v22 =	vsel vm0, v44, v37;
	v23 =	vadd.s32 v6, v4  }
0x14a: {  	v35 =	vadd.s32 $0x1, v27;
	v23 =	vshrl.u32 v23, $0x1;
	v30 =	vadd.s32 v22, v5;
	v44 =	vld.idx.msk [tilespmem:v33+s2+$0x0], $0xffff  }
0x14b: {  	s9 =	sadd.s32 $0x20, s9;
	vm0 =	vlt.s32 v52, v25;
	v50 =	vshrl.u32 v30, $0x1;
	v41 =	vld.idx.msk [tilespmem:v27+s2+$0x0], $0xffff  }
0x14c: {  	s16 =	sadd.s32 $0xFFFFFFF0, s9;
	v36 =	vor.u32 s9, v0;
	v37 =	vsel vm0, v49, v46;
	vm2 =	vgt.s32 v53, v25  }
0x14d: {  	v30 =	vor.u32 s16, v0;
	v38 =	vsel vm0, v45, v48;
	vm3 =	vlt.s32 v3, v36  }
0x14e: {  	vm0 =	vlt.s32 v3, v30;
	vm1 =	vgt.s32 v3, v36;
	v45 =	vsel vm3, $0x300, v20  }
0x14f: {  	vm4 =	vgt.s32 v3, v30;
	v3 =	vsel vm0, $0x300, v20;
	v46 =	vsel vm1, $0x100, v21;
	v48 =	vld.idx.msk [tilespmem:v23+s2+$0x0], $0xffff  }
0x150: {  	v49 =	vsel vm0, $0x400, v16;
	v51 =	vsel vm4, $0x200, v19;
	v52 =	vsel vm4, $0x100, v21;
	v53 =	vld.idx.msk [tilespmem:v50+s2+$0x0], $0xffff  }
0x151: {  	v54 =	vsel vm0, $0x201, v17;
	v55 =	vor.u32 $0x1, v3;
	v56 =	vor.u32 $0x1, v52  }
0x152: {  	v39 =	vsel vm2, v42, v39;
	v40 =	vsel vm2, v47, v43;
	v57 =	vsel vm4, $0x0, v18  }
0x153: {  	v43 =	vadd.s32 v38, v37;
	v47 =	vadd.s32 v40, v39;
	vm0 =	vlt.s32 v44, v24;
	v42 =	vld.idx.msk [tilespmem:v45+s2+$0x0], $0xffff  }
0x154: {  	v58 =	vsel vm3, $0x400, v16;
	v59 =	vsel vm1, $0x0, v18;
	v44 =	vsel vm3, $0x201, v17;
	v60 =	vld.idx.msk [tilespmem:v46+s2+$0x0], $0xffff  }
0x155: {  	v62 =	vadd.s32 $0x1, v50;
	vm2 =	vlt.s32 v48, v26;
	v48 =	vadd.s32 $0x1, v23;
	v61 =	vld.idx.msk [tilespmem:v3+s2+$0x0], $0xffff  }
0x156: {  	v4 =	vsel vm2, v48, v4;
	v6 =	vsel vm2, v6, v23;
	vm2 =	vgt.s32 v53, v26;
	v63 =	vld.idx.msk [tilespmem:v52+s2+$0x0], $0xffff  }
0x157: {  	v5 =	vsel vm2, v5, v62;
	v22 =	vsel vm2, v50, v22;
	v23 =	vadd.s32 v6, v4  }
0x158: {  	v48 =	vsel vm1, $0x200, v19;
	v23 =	vshrl.u32 v23, $0x1;
	v50 =	vadd.s32 v22, v5  }
0x159: {  	vm1 =	vlt.s32 v42, v36;
	v42 =	vor.u32 $0x1, v45;
	v50 =	vshrl.u32 v50, $0x1  }
0x15a: {  	v53 =	vor.u32 $0x1, v46;
	v45 =	vsel vm1, v58, v45;
	vm2 =	vgt.s32 v60, v36  }
0x15b: {  	v42 =	vsel vm1, v42, v44;
	v44 =	vsel vm2, v46, v48;
	v46 =	vadd.s32 $0xFFFFFFFF, v45  }
0x15c: {  	v48 =	vsel vm2, v59, v53;
	v53 =	vxor.u32 v46, v42;
	v58 =	vadd.s32 $0xFFFFFFFF, v44  }
0x15d: {  	v46 =	vor.u32 v46, v42;
	v53 =	vshrl.u32 v53, $0x1;
	v59 =	vxor.u32 v58, v48;
	v60 =	vld.idx.msk [tilespmem:v23+s2+$0x0], $0xffff  }
0x15e: {  	v46 =	vsub.s32 v46, v53;
	v53 =	vor.u32 v58, v48;
	v58 =	vshrl.u32 v59, $0x1;
	v59 =	vld.idx.msk [tilespmem:v50+s2+$0x0], $0xffff  }
0x15f: {  	vm1 =	vlt.s32 v61, v30;
	vm2 =	vgt.s32 v63, v30;
	v53 =	vsub.s32 v53, v58  }
0x160: {  	v54 =	vsel vm1, v55, v54;
	v3 =	vsel vm1, v49, v3;
	v49 =	vsel vm2, v52, v51  }
0x161: {  	v51 =	vsel vm2, v57, v56;
	v52 =	vadd.s32 $0xFFFFFFFF, v3;
	v55 =	vadd.s32 $0xFFFFFFFF, v49  }
0x162: {  	v56 =	vor.u32 v52, v54;
	v52 =	vxor.u32 v52, v54;
	v57 =	vxor.u32 v55, v51  }
0x163: {  	v61 =	vadd.s32 $0x1, v50;
	vm1 =	vlt.s32 v60, v26;
	v60 =	vadd.s32 $0x1, v23;
	v58 =	vld.idx.msk [tilespmem:v46+s2+$0x0], $0xffff  }
0x164: {  	v4 =	vsel vm1, v60, v4;
	v6 =	vsel vm1, v6, v23;
	vm1 =	vgt.s32 v59, v26;
	v62 =	vld.idx.msk [tilespmem:v53+s2+$0x0], $0xffff  }
0x165: {  	v5 =	vsel vm1, v5, v61;
	v22 =	vsel vm1, v50, v22;
	v23 =	vadd.s32 v6, v4  }
0x166: {  	v50 =	vshrl.u32 v52, $0x1;
	v23 =	vshrl.u32 v23, $0x1;
	v52 =	vadd.s32 v22, v5  }
0x167: {  	v55 =	vor.u32 v55, v51;
	v57 =	vshrl.u32 v57, $0x1;
	v52 =	vshrl.u32 v52, $0x1  }
0x168: {  	v43 =	vshrl.u32 v43, $0x1;
	v55 =	vsub.s32 v55, v57;
	v50 =	vsub.s32 v56, v50  }
0x169: {  	v57 =	vor.u32 $0x1, v53;
	v56 =	vor.u32 $0x1, v46;
	vm1 =	vlt.s32 v58, v36  }
0x16a: {  	v42 =	vsel vm1, v56, v42;
	v45 =	vsel vm1, v45, v46;
	vm1 =	vgt.s32 v62, v36  }
0x16b: {  	v46 =	vsel vm1, v48, v57;
	v44 =	vsel vm1, v53, v44;
	v48 =	vxor.u32 v45, v42;
	v53 =	vld.idx.msk [tilespmem:v23+s2+$0x0], $0xffff  }
0x16c: {  	v56 =	vand.u32 v45, v42;
	v48 =	vshrl.u32 v48, $0x1;
	v57 =	vxor.u32 v44, v46;
	v58 =	vld.idx.msk [tilespmem:v52+s2+$0x0], $0xffff  }
0x16d: {  	v48 =	vadd.s32 v48, v56;
	v56 =	vand.u32 v44, v46;
	v57 =	vshrl.u32 v57, $0x1;
	v59 =	vld.idx.msk [tilespmem:v50+s2+$0x0], $0xffff  }
0x16e: {  	v60 =	vor.u32 $0x1, v50;
	v62 =	vor.u32 $0x1, v55;
	v56 =	vadd.s32 v57, v56;
	v61 =	vld.idx.msk [tilespmem:v55+s2+$0x0], $0xffff  }
0x16f: {  	v47 =	vshrl.u32 v47, $0x1;
	v63 =	vadd.s32 $0x1, v43;
	vm1 =	vgt.s32 v41, v24;
	v57 =	vld.idx.msk [tilespmem:v43+s2+$0x0], $0xffff  }
0x170: {  	v32 =	vsel vm0, v34, v32;
	v31 =	vsel vm0, v31, v33;
	v41 =	vadd.s32 $0x1, v47  }
0x171: {  	v33 =	vadd.s32 $0x1, v23;
	v34 =	vadd.s32 $0x1, v52;
	vm0 =	vlt.s32 v53, v26  }
0x172: {  	v4 =	vsel vm0, v33, v4;
	v6 =	vsel vm0, v6, v23;
	vm0 =	vgt.s32 v58, v26;
	v53 =	vld.idx.msk [tilespmem:v48+s2+$0x0], $0xffff  }
0x173: {  	v5 =	vsel vm0, v5, v34;
	v22 =	vsel vm0, v52, v22;
	v6 =	vadd.s32 v6, v4;
	v23 =	vld.idx.msk [tilespmem:v56+s2+$0x0], $0xffff  }
0x174: {  	vm0 =	vlt.s32 v59, v30;
	v6 =	vshrl.u32 v6, $0x1;
	v22 =	vadd.s32 v22, v5;
	v33 =	vld.idx.msk [tilespmem:v47+s2+$0x0], $0xffff  }
0x175: {  	vm2 =	vgt.s32 v61, v30;
	v6 =	vmin.u32 v6, $0x3FF;
	v22 =	vshrl.u32 v22, $0x1  }
0x176: {  	v34 =	vsel vm0, v60, v54;
	v3 =	vsel vm0, v3, v50;
	v22 =	vmin.u32 v22, $0x3FF  }
0x177: {  	v50 =	vsel vm2, v51, v62;
	v49 =	vsel vm2, v55, v49;
	v51 =	vxor.u32 v3, v34  }
0x178: {  	v52 =	vadd.s32 $0x1, v48;
	vm0 =	vlt.s32 v53, v36;
	v53 =	vadd.s32 $0x1, v56  }
0x179: {  	v42 =	vsel vm0, v52, v42;
	v45 =	vsel vm0, v45, v48;
	vm0 =	vgt.s32 v23, v36  }
0x17a: {  	v23 =	vsel vm0, v46, v53;
	v44 =	vsel vm0, v56, v44;
	v46 =	vadd.s32 v45, v42;
	v48 =	vld.idx.msk [tilespmem:v6+s2+$0x0], $0xffff  }
0x17b: {  	v52 =	vxor.u32 v49, v50;
	v46 =	vshrl.u32 v46, $0x1;
	v53 =	vadd.s32 v44, v23;
	v54 =	vld.idx.msk [tilespmem:v22+s2+$0x0], $0xffff  }
0x17c: {  	v51 =	vshrl.u32 v51, $0x1;
	v52 =	vshrl.u32 v52, $0x1;
	v53 =	vshrl.u32 v53, $0x1  }
0x17d: {  	v55 =	vand.u32 v3, v34;
	v56 =	vand.u32 v49, v50;
	vm0 =	vlt.s32 v57, v25  }
0x17e: {  	v51 =	vadd.s32 v51, v55;
	vm2 =	vgt.s32 v33, v25;
	v52 =	vadd.s32 v52, v56  }
0x17f: {  	v33 =	vadd.s32 $0x1, v51;
	v37 =	vsel vm0, v63, v37;
	v55 =	vadd.s32 $0x1, v52  }
0x180: {  	v38 =	vsel vm0, v38, v43;
	v6 =	vadd.s32 $0x1, v6;
	vm0 =	vlt.s32 v48, v26;
	v56 =	vld.idx.msk [tilespmem:v46+s2+$0x0], $0xffff  }
0x181: {  	s13 =	sadd.s32 $0x20, s13;
	v4 =	vsel vm0, v6, v4;
	vm0 =	vgt.s32 v54, v26;
	v6 =	vadd.s32 $0x1, v22;
	v26 =	vmovc v36;
	v43 =	vld.idx.msk [tilespmem:v53+s2+$0x0], $0xffff  }
0x182: {  	s11 =	sadd.s32 $0x20, s11;
	v22 =	vsel vm2, v39, v41;
	v36 =	vsel vm2, v47, v40;
	v5 =	vsel vm0, v5, v6;
	[tilespmem:s13+$0x0] =	vst v4  }
0x183: {  	v6 =	vadd.s32 v38, v37;
	v39 =	vadd.s32 v36, v22;
	v4 =	vld.idx.msk [tilespmem:v51+s2+$0x0], $0xffff;
	[tilespmem:s11+$0x0] =	vst v5  }
0x184: {  	v35 =	vsel vm1, v29, v35;
	v6 =	vshrl.u32 v6, $0x1;
	v39 =	vshrl.u32 v39, $0x1;
	v5 =	vld.idx.msk [tilespmem:v52+s2+$0x0], $0xffff  }
0x185: {  	v27 =	vsel vm1, v27, v28;
	v29 =	vadd.s32 $0x1, v6;
	v40 =	vadd.s32 $0x1, v39  }
0x186: {  	v28 =	vadd.s32 $0x1, v46;
	v41 =	vadd.s32 $0x1, v53;
	vm0 =	vlt.s32 v56, v26  }
0x187: {  	v28 =	vsel vm0, v28, v42;
	v42 =	vsel vm0, v45, v46;
	vm0 =	vgt.s32 v43, v26  }
0x188: {  	v23 =	vsel vm0, v23, v41;
	v41 =	vsel vm0, v53, v44;
	v43 =	vadd.s32 v42, v28  }
0x189: {  	vm0 =	vlt.s32 v4, v30;
	v4 =	vshrl.u32 v43, $0x1;
	v43 =	vadd.s32 v41, v23;
	v44 =	vld.idx.msk [tilespmem:v6+s2+$0x0], $0xffff  }
0x18a: {  	v33 =	vsel vm0, v33, v34;
	vm1 =	vgt.s32 v5, v30;
	v5 =	vshrl.u32 v43, $0x1;
	v34 =	vld.idx.msk [tilespmem:v39+s2+$0x0], $0xffff  }
0x18b: {  	v3 =	vsel vm0, v3, v51;
	v43 =	vsel vm1, v50, v55;
	v47 =	vsel vm1, v52, v49  }
0x18c: {  	v31 =	vadd.s32 v31, v32;
	v45 =	vadd.s32 v3, v33;
	v46 =	vadd.s32 v47, v43  }
0x18d: {  	v27 =	vadd.s32 v27, v35;
	v45 =	vshrl.u32 v45, $0x1;
	v48 =	vshrl.u32 v46, $0x1  }
0x18e: {  	v31 =	vshrl.u32 v31, $0x1;
	v46 =	vadd.s32 $0x1, v45;
	v49 =	vadd.s32 $0x1, v48;
	v50 =	vld.idx.msk [tilespmem:v4+s2+$0x0], $0xffff  }
0x18f: {  	v31 =	vmin.u32 v31, $0x3FF;
	v27 =	vshrl.u32 v27, $0x1;
	vm0 =	vlt.s32 v44, v25;
	v51 =	vld.idx.msk [tilespmem:v5+s2+$0x0], $0xffff  }
0x190: {  	v29 =	vsel vm0, v29, v37;
	v6 =	vsel vm0, v38, v6;
	vm0 =	vgt.s32 v34, v25  }
0x191: {  	v22 =	vsel vm0, v22, v40;
	v34 =	vsel vm0, v39, v36;
	v36 =	vadd.s32 v6, v29  }
0x192: {  	v27 =	vmin.u32 v27, $0x3FF;
	v52 =	vshrl.u32 v36, $0x1;
	v36 =	vadd.s32 v34, v22;
	v39 =	vld.idx.msk [tilespmem:v45+s2+$0x0], $0xffff  }
0x193: {  	v56 =	vadd.s32 $0x1, v31;
	v54 =	vadd.s32 $0x1, v52;
	v55 =	vshrl.u32 v36, $0x1;
	v53 =	vld.idx.msk [tilespmem:v48+s2+$0x0], $0xffff  }
0x194: {  	v37 =	vadd.s32 $0x1, v5;
	v36 =	vadd.s32 $0x1, v4;
	vm0 =	vlt.s32 v50, v26;
	v31 =	vld.idx.msk [tilespmem:v31+s2+$0x0], $0xffff  }
0x195: {  	v38 =	vsel vm0, v36, v28;
	v40 =	vsel vm0, v42, v4;
	vm0 =	vgt.s32 v51, v26  }
0x196: {  	v36 =	vsel vm0, v23, v37;
	v37 =	vsel vm0, v5, v41;
	v4 =	vadd.s32 v40, v38  }
0x197: {  	v23 =	vadd.s32 $0x1, v55;
	v41 =	vshrl.u32 v4, $0x1;
	v4 =	vadd.s32 v37, v36;
	v5 =	vld.idx.msk [tilespmem:v52+s2+$0x0], $0xffff  }
0x198: {  	v57 =	vadd.s32 $0x1, v27;
	vm0 =	vlt.s32 v39, v30;
	v44 =	vshrl.u32 v4, $0x1;
	v4 =	vld.idx.msk [tilespmem:v55+s2+$0x0], $0xffff  }
0x199: {  	v46 =	vsel vm0, v46, v33;
	v45 =	vsel vm0, v3, v45;
	vm0 =	vgt.s32 v53, v30;
	v3 =	vld.idx.msk [tilespmem:v27+s2+$0x0], $0xffff  }
0x19a: {  	v42 =	vsel vm0, v43, v49;
	v43 =	vsel vm0, v48, v47;
	v27 =	vadd.s32 v45, v46  }
0x19b: {  	vm0 =	vlt.s32 v31, v24;
	v48 =	vshrl.u32 v27, $0x1;
	v27 =	vadd.s32 v43, v42  }
0x19c: {  	v49 =	vadd.s32 $0x1, v48;
	v47 =	vshrl.u32 v27, $0x1;
	v27 =	vsel vm0, v56, v32;
	v51 =	vld.idx.msk [tilespmem:v41+s2+$0x0], $0xffff  }
.Ltmp1:
0x19d: {  	v39 =	vadd.s32 $0x1, v47;
	vm0 =	vlt.s32 v5, v25;
	v50 =	vld.idx.msk [tilespmem:v44+s2+$0x0], $0xffff;
	[tilespmem:s14+$0xFFFFFFF0] =	vst v27;
	s14 =	smov.u32 s13;
	(pc) =	sbr.rel @p0 .LBB2_4-.Ltmp1, $4  }
0x19e: {  	v32 =	vsel vm0, v54, v29;
	v31 =	vsel vm0, v6, v52;
	vm0 =	vgt.s32 v4, v25  }
0x19f: {  	v29 =	vsel vm0, v22, v23;
	v28 =	vsel vm0, v55, v34;
	v4 =	vadd.s32 v31, v32  }
0x1a0: {  	vm0 =	vgt.s32 v3, v24;
	v24 =	vmovc v25;
	v33 =	vshrl.u32 v4, $0x1;
	v4 =	vadd.s32 v28, v29;
	v52 =	vld.idx.msk [tilespmem:v48+s2+$0x0], $0xffff  }
0x1a1: {  	v25 =	vmovc v30;
	v35 =	vsel vm0, v35, v57;
	v34 =	vadd.s32 $0x1, v33;
	v27 =	vshrl.u32 v4, $0x1;
	v53 =	vld.idx.msk [tilespmem:v47+s2+$0x0], $0xffff  }
0x1a2: {  	_ =	sdelay $0x2  }
0x1a3: {  	vm0 =	vlt.s32 v52, v25  }
0x1a4: {  	v3 =	vsel vm0, v49, v46;
	vm1 =	vgt.s32 v53, v25;
	v4 =	vsel vm0, v45, v48  }
0x1a5: {  	v5 =	vsel vm1, v42, v39;
	v6 =	vsel vm1, v47, v43;
	v22 =	vadd.s32 v4, v3  }
0x1a6: {  	v23 =	vadd.s32 v6, v5;
	v22 =	vshrl.u32 v22, $0x1  }
0x1a7: {  	v23 =	vshrl.u32 v23, $0x1;
	_ =	sdelay $0x3  }
0x1a8: {  	vm5 =	vlt.s32 v51, v26;
	v30 =	vadd.s32 $0x1, v41;
	v56 =	vadd.s32 $0x1, v44;
	v58 =	vld.idx.msk [tilespmem:v22+s2+$0x0], $0xffff  }
0x1a9: {  	vm6 =	vgt.s32 v50, v26;
	v30 =	vsel vm5, v30, v38;
	v55 =	vsel vm5, v40, v41;
	v60 =	vld.idx.msk [tilespmem:v23+s2+$0x0], $0xffff  }
0x1aa: {  	v36 =	vsel vm6, v36, v56;
	v37 =	vsel vm6, v44, v37;
	v40 =	vadd.s32 v55, v30  }
0x1ab: {  	v59 =	vadd.s32 v37, v36;
	v57 =	vshrl.u32 v40, $0x1  }
0x1ac: {  	v41 =	vshrl.u32 v59, $0x1  }
0x1ad: {  	v62 =	vadd.s32 $0x1, v22;
	v63 =	vadd.s32 $0x1, v23;
	vm7 =	vlt.s32 v58, v25  }
0x1ae: {  	vm8 =	vgt.s32 v60, v25;
	v3 =	vsel vm7, v62, v3;
	v4 =	vsel vm7, v4, v22  }
0x1af: {  	v5 =	vsel vm8, v5, v63;
	v6 =	vsel vm8, v23, v6;
	v23 =	vadd.s32 v4, v3  }
0x1b0: {  	v61 =	vld.idx.msk [tilespmem:v57+s2+$0x0], $0xffff;
	v46 =	vadd.s32 v6, v5;
	v23 =	vshrl.u32 v23, $0x1  }
0x1b1: {  	v22 =	vld.idx.msk [tilespmem:v41+s2+$0x0], $0xffff;
	v40 =	vshrl.u32 v46, $0x1;
	_ =	sdelay $0x3  }
0x1b2: {  	v48 =	vadd.s32 $0x1, v41;
	v47 =	vadd.s32 $0x1, v57;
	vm9 =	vlt.s32 v61, v26;
	v49 =	vld.idx.msk [tilespmem:v23+s2+$0x0], $0xffff  }
0x1b3: {  	v30 =	vsel vm9, v47, v30;
	v38 =	vsel vm9, v55, v57;
	vm10 =	vgt.s32 v22, v26;
	v50 =	vld.idx.msk [tilespmem:v40+s2+$0x0], $0xffff  }
0x1b4: {  	v22 =	vadd.s32 v38, v30;
	v36 =	vsel vm10, v36, v48;
	v37 =	vsel vm10, v41, v37  }
0x1b5: {  	v22 =	vshrl.u32 v22, $0x1;
	v41 =	vadd.s32 v37, v36  }
0x1b6: {  	v41 =	vshrl.u32 v41, $0x1  }
0x1b7: {  	v52 =	vadd.s32 $0x1, v23;
	v53 =	vadd.s32 $0x1, v40;
	vm11 =	vlt.s32 v49, v25  }
0x1b8: {  	v3 =	vsel vm11, v52, v3;
	v4 =	vsel vm11, v4, v23;
	vm12 =	vgt.s32 v50, v25  }
0x1b9: {  	v5 =	vsel vm12, v5, v53;
	v6 =	vsel vm12, v40, v6;
	v54 =	vadd.s32 v4, v3  }
0x1ba: {  	v51 =	vld.idx.msk [tilespmem:v22+s2+$0x0], $0xffff;
	v39 =	vshrl.u32 v54, $0x1;
	v40 =	vadd.s32 v6, v5  }
0x1bb: {  	v23 =	vld.idx.msk [tilespmem:v41+s2+$0x0], $0xffff;
	v40 =	vshrl.u32 v40, $0x1;
	_ =	sdelay $0x2  }
0x1bc: {  	v59 =	vld.idx.msk [tilespmem:v33+s2+$0x0], $0xffff  }
0x1bd: {  	v55 =	vadd.s32 $0x1, v22;
	v56 =	vadd.s32 $0x1, v41;
	vm13 =	vlt.s32 v51, v26;
	v57 =	vld.idx.msk [tilespmem:v39+s2+$0x0], $0xffff  }
0x1be: {  	v30 =	vsel vm13, v55, v30;
	v22 =	vsel vm13, v38, v22;
	vm14 =	vgt.s32 v23, v26;
	v58 =	vld.idx.msk [tilespmem:v40+s2+$0x0], $0xffff  }
0x1bf: {  	v23 =	vadd.s32 v22, v30;
	v36 =	vsel vm14, v36, v56;
	v37 =	vsel vm14, v41, v37  }
0x1c0: {  	v23 =	vshrl.u32 v23, $0x1;
	v41 =	vadd.s32 v37, v36  }
0x1c1: {  	vm5 =	vlt.s32 v59, v24;
	v60 =	vld.idx.msk [tilespmem:v27+s2+$0x0], $0xffff;
	v41 =	vshrl.u32 v41, $0x1  }
0x1c2: {  	v62 =	vadd.s32 $0x1, v39;
	v63 =	vadd.s32 $0x1, v40;
	vm15 =	vlt.s32 v57, v25  }
0x1c3: {  	v3 =	vsel vm15, v62, v3;
	v4 =	vsel vm15, v4, v39;
	vm4 =	vgt.s32 v58, v25  }
0x1c4: {  	v5 =	vsel vm4, v5, v63;
	v6 =	vsel vm4, v40, v6;
	v39 =	vadd.s32 v4, v3  }
0x1c5: {  	v32 =	vsel vm5, v34, v32;
	v61 =	vld.idx.msk [tilespmem:v23+s2+$0x0], $0xffff;
	v39 =	vshrl.u32 v39, $0x1;
	v40 =	vadd.s32 v6, v5  }
0x1c6: {  	vm6 =	vgt.s32 v60, v24;
	v48 =	vadd.s32 $0x1, v27;
	v46 =	vld.idx.msk [tilespmem:v41+s2+$0x0], $0xffff;
	v40 =	vshrl.u32 v40, $0x1  }
0x1c7: {  	v31 =	vsel vm5, v31, v33;
	v27 =	vsel vm6, v27, v28;
	v29 =	vsel vm6, v29, v48  }
0x1c8: {  	v27 =	vadd.s32 v27, v29;
	v54 =	vadd.s32 v31, v32  }
0x1c9: {  	v27 =	vshrl.u32 v27, $0x1;
	v28 =	vshrl.u32 v54, $0x1  }
0x1ca: {  	v28 =	vmin.u32 v28, $0x3FF;
	v49 =	vadd.s32 $0x1, v23;
	vm2 =	vlt.s32 v61, v26;
	v51 =	vld.idx.msk [tilespmem:v39+s2+$0x0], $0xffff  }
0x1cb: {  	v22 =	vsel vm2, v22, v23;
	v23 =	vadd.s32 $0x1, v41;
	vm7 =	vgt.s32 v46, v26;
	v53 =	vld.idx.msk [tilespmem:v40+s2+$0x0], $0xffff  }
0x1cc: {  	v30 =	vsel vm2, v49, v30;
	v23 =	vsel vm7, v36, v23;
	v50 =	vsel vm7, v41, v37  }
0x1cd: {  	v56 =	vadd.s32 $0x1, v39;
	v22 =	vadd.s32 v22, v30;
	v52 =	vadd.s32 v50, v23  }
0x1ce: {  	v57 =	vadd.s32 $0x1, v40;
	v22 =	vshrl.u32 v22, $0x1;
	v55 =	vshrl.u32 v52, $0x1  }
0x1cf: {  	v22 =	vmin.u32 v22, $0x3FF;
	v31 =	vmin.u32 v55, $0x3FF;
	vm8 =	vlt.s32 v51, v25  }
0x1d0: {  	vm9 =	vgt.s32 v53, v25;
	v3 =	vsel vm8, v56, v3;
	v4 =	vsel vm8, v4, v39  }
0x1d1: {  	v5 =	vsel vm9, v5, v57;
	v6 =	vsel vm9, v40, v6;
	v4 =	vadd.s32 v4, v3  }
0x1d2: {  	v27 =	vmin.u32 v27, $0x3FF;
	v6 =	vadd.s32 v6, v5;
	v4 =	vshrl.u32 v4, $0x1  }
0x1d3: {  	v4 =	vmin.u32 v4, $0x3FF;
	v6 =	vshrl.u32 v6, $0x1  }
0x1d4: {  	v58 =	vld.idx.msk [tilespmem:v22+s2+$0x0], $0xffff;
	v6 =	vmin.u32 v6, $0x3FF  }
0x1d5: {  	v59 =	vld.idx.msk [tilespmem:v31+s2+$0x0], $0xffff  }
0x1d6: {  	v60 =	vld.idx.msk [tilespmem:v28+s2+$0x0], $0xffff  }
0x1d7: {  	v61 =	vld.idx.msk [tilespmem:v27+s2+$0x0], $0xffff  }
0x1d8: {  	v62 =	vld.idx.msk [tilespmem:v4+s2+$0x0], $0xffff  }
0x1d9: {  	v22 =	vadd.s32 $0x1, v22;
	vm10 =	vlt.s32 v58, v26;
	v63 =	vld.idx.msk [tilespmem:v6+s2+$0x0], $0xffff  }
0x1da: {  	[tilespmem:s10+$0xFFFFFFF0] =	vst v35;
	s9 =	sadd.s32 $0x20, s13;
	v22 =	vsel vm10, v22, v30;
	vm11 =	vgt.s32 v59, v26;
	v26 =	vadd.s32 $0x1, v31  }
0x1db: {  	s21 =	sadd.s32 $0x20, s11;
	vm12 =	vlt.s32 v60, v24;
	[tilespmem:s9+$0x0] =	vst v22;
	v22 =	vadd.s32 $0x1, v28;
	v23 =	vsel vm11, v23, v26  }
.Ltmp2:
0x1dc: {  	vm13 =	vgt.s32 v61, v24;
	v22 =	vsel vm12, v22, v32;
	[tilespmem:s21+$0x0] =	vst v23;
	v23 =	vadd.s32 $0x1, v27;
	(pc) =	sbr.rel .LBB2_6-.Ltmp2, $4  }
0x1dd: {  	[tilespmem:s14+$0xFFFFFFF0] =	vst v22;
	v4 =	vadd.s32 $0x1, v4;
	v22 =	vsel vm13, v29, v23;
	vm14 =	vlt.s32 v62, v25  }
0x1de: {  	v6 =	vadd.s32 $0x1, v6;
	[tilespmem:s11+$0xFFFFFFF0] =	vst v22;
	v3 =	vsel vm14, v4, v3;
	vm15 =	vgt.s32 v63, v25  }
0x1df: {  	[tilespmem:s9+$0xFFFFFFF0] =	vst v3;
	v3 =	vsel vm15, v5, v6  }
0x1e0: {  	v24 =	vimm.f32 $0.0e+00;
	s9 =	simm.s32 $0x0;
	[tilespmem:s21+$0xFFFFFFF0] =	vst v3  }
.LBB2_11:
0x1e1: {  	v3 =	vmul.u32 $0x3, v30;
	_ =	sdelay $0x3  }
0x1e2: {  	v4 =	vadd.s32 $0x1, v3;
	_ =	sdelay $0x1  }
0x1e3: {  	v5 =	vld.idx.msk [tilespmem:v3+s4+$0x0], $0xffff;
	v3 =	vadd.s32 $0x2, v3;
	_ =	sdelay $0x2  }
0x1e4: {  	v4 =	vld.idx.msk [tilespmem:v4+s4+$0x0], $0xffff;
	_ =	sdelay $0x1  }
0x1e5: {  	v3 =	vld.idx.msk [tilespmem:v3+s4+$0x0], $0xffff;
	v5 =	vsub.f32 v29, v5;
	_ =	sdelay $0x1  }
0x1e6: {  	v6 =	vmul.f32 $5.000000000e-01, v5  }
0x1e7: {  	v4 =	vsub.f32 v28, v4;
	v22 =	vand.u32 $0x7FFFFFFF, v5  }
0x1e8: {  	v5 =	vmul.f32 v6, v5;
	v6 =	vadd.f32 $-5.000000000e-01, v22  }
0x1e9: {  	vm0 =	vlt.f32 v22, $1.000000000e+00;
	v22 =	vmul.f32 $5.000000000e-01, v4;
	v3 =	vsub.f32 v27, v3  }
0x1ea: {  	s9 =	sadd.s32 $0x1, s9;
	v5 =	vsel vm0, v5, v6;
	v6 =	vand.u32 $0x7FFFFFFF, v4  }
0x1eb: {  	p0 =	sne.s32 s9, $0x40;
	v4 =	vmul.f32 v22, v4;
	v22 =	vadd.f32 $-5.000000000e-01, v6;
	v23 =	vmul.f32 $5.000000000e-01, v3  }
.Ltmp3:
0x1ec: {  	v5 =	vadd.f32 v5, v24;
	vm14 =	vlt.f32 v6, $1.000000000e+00;
	v6 =	vand.u32 $0x7FFFFFFF, v3;
	(pc) =	sbr.rel @!p0 .LBB2_12-.Ltmp3, $4  }
0x1ed: {  	v4 =	vsel vm14, v4, v22;
	v3 =	vmul.f32 v23, v3;
	v22 =	vadd.f32 $-5.000000000e-01, v6  }
0x1ee: {  	vm15 =	vlt.f32 v6, $1.000000000e+00;
	v4 =	vadd.f32 v4, v5  }
0x1ef: {  	v3 =	vsel vm15, v3, v22  }
0x1f0: {  	v24 =	vadd.f32 v3, v4  }
.LBB2_6:
0x1f1: {  	s13 =	sshll.u32 s9, $0x4  }
0x1f2: {  	v3 =	vld [tilespmem:s13+$0x2100];
	_ =	sdelay $0x7  }
0x1f3: {  	v25 =	vld.idx.msk [tilespmem:v3+s1+$0x0], $0xffff  }
0x1f4: {  	v26 =	vld.idx.msk [tilespmem:v3+s5+$0x0], $0xffff;
	_ =	sdelay $0x3  }
0x1f5: {  	v3 =	vxor.u32 $0x80000000, v25  }
0x1f6: {  	(xrf0) =	vmin.scan.msk.u32 $0xffff, v3;
	v3 =	vxor.u32 $0x80000000, v26  }
0x1f7: {  	(xrf0) =	vmax.scan.msk.u32 $0xffff, v3;
	_ =	sdelay $0x4  }
0x1f8: {  	v3, _, _ =	vpop (xrf0)  }
0x1f9: {  	(v2sf) =	vpush v3, $0xF;
	v3, _, _ =	vpop (xrf0)  }
0x1fa: {  	(v2sf) =	vpush v3, $0xF;
	_ =	sdelay $0xd  }
0x1fb: {  	s15 =	spop (v2sf)  }
0x1fc: {  	s10 =	spop (v2sf)  }
0x1fd: {  	s16 =	sxor.u32 $0x80000000, s15;
	s10 =	sxor.u32 $0x80000000, s10  }
0x1fe: {  	s11 =	ssub.s32 s10, s16  }
0x1ff: {  	s14 =	sshll.u32 s9, $0x6;
	s17 =	sshrl.u32 s11, $0x1F  }
0x200: {  	s13 =	sand.u32 $0x70, s13;
	s14 =	sand.u32 $0xE00, s14;
	s17 =	sadd.s32 s17, s11  }
0x201: {  	s18 =	sor.u32 s13, s14;
	s14 =	sand.u32 $0xFFFFFFFE, s17  }
0x202: {  	s13 =	sadd.s32 s16, s14  }
0x203: {  	p0 =	sge.s32 s16, s13  }
.Ltmp4:
0x204: {  	_ = 	snop;
	(pc) =	sbr.rel @p0 .LBB2_7-.Ltmp4, $4  }
0x205: {  	_ = 	snop  }
0x206: {  	v29 =	vld [tilespmem:s18+$0x1100]  }
0x207: {  	v28 =	vld [tilespmem:s18+$0x1180]  }
0x208: {  	v27 =	vld [tilespmem:s18+$0x1200]  }
0x209: {  	s15 =	smul.u32 $0x3, s15;
	_ =	sdelay $0x1  }
0x20a: {  	s15 =	sadd.s32 $0x80000000, s15  }
0x20b: {  	s18 =	sadd.s32 $0x2, s16;
	v3 =	vmov s15  }
0x20c: {  	p3 =	slt.s32 s18, s13;
	v4 =	vadd.s32 $0x2, v3  }
.Ltmp5:
0x20d: {  	_ = 	snop;
	(pc) =	sbr.rel @!p3 .LBB2_19-.Ltmp5, $4  }
0x20e: {  	_ = 	snop  }
0x20f: {  	s17 =	sadd.s32 $0x3, s15  }
0x210: {  	v36 =	vimm.f32 $+Inf;
	v37 =	vimm.s32 $0x0;
	v46 =	vmov s17;
	v42 =	vld.idx.msk [tilespmem:v3+s4+$0x0], $0xffff  }
0x211: {  	p0 =	por $0x0, $0x0;
	p1 =	por $0x0, $0x0;
	p2 =	por $0x0, $0x0;
	v44 =	vadd.s32 $0x1, v3;
	v51 =	vadd.s32 $0x1, v46;
	v48 =	vadd.s32 $0x2, v46;
	v43 =	vld.idx.msk [tilespmem:v4+s4+$0x0], $0xffff  }
0x212: {  	_ =	sdelay $0x3  }
0x213: {  	v3 =	vld.idx.msk [tilespmem:v44+s4+$0x0], $0xffff  }
0x214: {  	v4 =	vld.idx.msk [tilespmem:v46+s4+$0x0], $0xffff  }
0x215: {  	v5 =	vld.idx.msk [tilespmem:v51+s4+$0x0], $0xffff;
	s19 =	sadd.s32 $0x6, s15  }
0x216: {  	v6 =	vld.idx.msk [tilespmem:v48+s4+$0x0], $0xffff;
	v30 =	vmov s16;
	vm0 =	vle.s32 v25, s16;
	v22 =	vmov s19  }
0x217: {  	s15 =	sadd.s32 $0x3, s19;
	vm1 =	vlt.s32 v30, v26;
	v23 =	vadd.s32 $0x2, v22;
	v44 =	vadd.s32 $0x1, v22  }
0x218: {  	v46 =	vmov s15;
	s15 =	sadd.s32 $0x2, s18;
	v31 =	vsub.f32 v29, v42;
	v3 =	vsub.f32 v28, v3  }
0x219: {  	vm1 =	vmand vm0, vm1;
	p3 =	slt.s32 s15, s13;
	v32 =	vsub.f32 v27, v43;
	v4 =	vsub.f32 v29, v4  }
.Ltmp6:
0x21a: {  	s17 =	sadd.s32 $0x1, s16;
	v31 =	vmul.f32 v31, v31;
	v5 =	vsub.f32 v28, v5;
	v3 =	vmul.f32 v3, v3;
	(pc) =	sbr.rel @!p3 .LBB2_21-.Ltmp6, $4  }
0x21b: {  	vm0 =	vle.s32 v25, s17;
	v6 =	vsub.f32 v27, v6;
	v32 =	vmul.f32 v32, v32  }
0x21c: {  	v42 =	vld.idx.msk [tilespmem:v22+s4+$0x0], $0xffff;
	v4 =	vmul.f32 v4, v4;
	v5 =	vmul.f32 v5, v5;
	v3 =	vadd.f32 v3, v31  }
0x21d: {  	v51 =	vadd.s32 $0x1, v46;
	v48 =	vadd.s32 $0x2, v46;
	v59 =	vmul.f32 v6, v6;
	v43 =	vld.idx.msk [tilespmem:v23+s4+$0x0], $0xffff  }
0x21e: {  	p0 =	por $0x1, $0x1;
	v31 =	vld.idx.msk [tilespmem:v30+s6+$0x0], $0xffff;
	v58 =	vadd.f32 v5, v4;
	v57 =	vadd.f32 v32, v3;
	v32 =	vmov s17  }
0x21f: {  	_ =	sdelay $0x2  }
0x220: {  	s19 =	sadd.s32 $0x6, s19;
	v35 =	vmov s18;
	v3 =	vnsel vm1, $0x7F800000, v57  }
0x221: {  	v5 =	vld.idx.msk [tilespmem:v44+s4+$0x0], $0xffff;
	v4 =	vadd.f32 v59, v58;
	vm1 =	vlt.s32 v32, v26;
	s21 =	sadd.s32 $0x3, s19;
	vm2 =	vlt.f32 v3, v36  }
0x222: {  	v6 =	vld.idx.msk [tilespmem:v46+s4+$0x0], $0xffff;
	vm0 =	vmand vm0, vm1;
	v63 =	vsub.f32 v29, v42;
	v46 =	vmov s21  }
0x223: {  	v23 =	vld.idx.msk [tilespmem:v51+s4+$0x0], $0xffff;
	vm1 =	vlt.s32 v35, v26;
	v22 =	vsel vm2, v3, v36;
	v4 =	vnsel vm0, $0x7F800000, v4  }
0x224: {  	v62 =	vld.idx.msk [tilespmem:v48+s4+$0x0], $0xffff;
	v34 =	vsel vm2, s16, v37;
	v51 =	vadd.s32 $0x1, v46;
	vm0 =	vlt.f32 v4, v22  }
0x225: {  	(xrf0) =	vmin.scan.msk.f32 $0xffff, v3;
	v48 =	vadd.s32 $0x2, v46;
	v37 =	vmul.f32 v63, v63;
	v33 =	vsel vm0, v4, v22  }
0x226: {  	s16 =	sadd.s32 $0x2, s15;
	(xrf0) =	vmin.scan.msk.f32 $0xffff, v4;
	v34 =	vsel vm0, s17, v34;
	v22 =	vmov s19;
	v5 =	vsub.f32 v28, v5  }
0x227: {  	p3 =	slt.s32 s16, s13;
	vm0 =	vle.s32 v25, s18;
	v4 =	vsub.f32 v27, v43;
	v3 =	vadd.s32 $0x2, v22  }
.Ltmp7:
0x228: {  	v6 =	vsub.f32 v29, v6;
	v23 =	vsub.f32 v28, v23;
	v5 =	vmul.f32 v5, v5;
	(pc) =	sbr.rel @!p3 .LBB2_23-.Ltmp7, $4  }
0x229: {  	v38 =	vld.idx.msk [tilespmem:v32+s6+$0x0], $0xffff;
	v36 =	vsub.f32 v27, v62;
	v44 =	vadd.s32 $0x1, v22;
	v4 =	vmul.f32 v4, v4  }
0x22a: {  	v39 =	vld.idx.msk [tilespmem:v35+s6+$0x0], $0xffff;
	s17 =	sadd.s32 $0x1, s18;
	v6 =	vmul.f32 v6, v6;
	v23 =	vmul.f32 v23, v23;
	v5 =	vadd.f32 v5, v37  }
0x22b: {  	vm1 =	vmand vm0, vm1;
	v50 =	vmov s17;
	vm0 =	vle.s32 v25, s17;
	v40, _, _ =	vpop (xrf0);
	v42 =	vld.idx.msk [tilespmem:v22+s4+$0x0], $0xffff  }
0x22c: {  	p1 =	por $0x1, $0x1;
	v59 =	vmul.f32 v36, v36;
	v58 =	vadd.f32 v23, v6;
	v41, _, _ =	vpop (xrf0);
	v57 =	vadd.f32 v4, v5;
	v43 =	vld.idx.msk [tilespmem:v3+s4+$0x0], $0xffff  }
0x22d: {  	_ =	sdelay $0x3  }
0x22e: {  	v5 =	vld.idx.msk [tilespmem:v44+s4+$0x0], $0xffff;
	v22 =	vbroadcast v41, $0xF;
	v45 =	vbroadcast v40, $0xF  }
0x22f: {  	v6 =	vld.idx.msk [tilespmem:v46+s4+$0x0], $0xffff;
	v3 =	vnsel vm1, $0x7F800000, v57;
	v4 =	vadd.f32 v59, v58;
	vm1 =	vlt.s32 v50, v26  }
0x230: {  	v62 =	vld.idx.msk [tilespmem:v51+s4+$0x0], $0xffff;
	v56 =	vmov s15;
	vm2 =	vlt.f32 v3, v33;
	vm0 =	vmand vm0, vm1  }
0x231: {  	v22 =	vmin.f32 v38, v22;
	v23 =	vsel vm2, v3, v33;
	v4 =	vnsel vm0, $0x7F800000, v4  }
0x232: {  	v47 =	vld.idx.msk [tilespmem:v48+s4+$0x0], $0xffff;
	vm1 =	vlt.s32 v56, v26;
	v37 =	vsel vm2, s18, v34;
	vm0 =	vlt.f32 v4, v23  }
0x233: {  	(xrf0) =	vmin.scan.msk.f32 $0xffff, v3;
	s18 =	sadd.s32 $0x6, s19;
	v42 =	vsub.f32 v29, v42;
	v36 =	vsel vm0, v4, v23;
	v37 =	vsel vm0, s17, v37  }
0x234: {  	(xrf0) =	vmin.scan.msk.f32 $0xffff, v4;
	v23 =	vmov s18;
	v5 =	vsub.f32 v28, v5;
	v4 =	vsub.f32 v27, v43  }
0x235: {  	s19 =	sadd.s32 $0x2, s16;
	s21 =	sadd.s32 $0x3, s18;
	v6 =	vsub.f32 v29, v6;
	v42 =	vmul.f32 v42, v42;
	v63 =	vsub.f32 v28, v62  }
0x236: {  	p3 =	slt.s32 s19, s13;
	v46 =	vmov s21;
	v3 =	vadd.s32 $0x2, v23;
	v5 =	vmul.f32 v5, v5  }
.Ltmp8:
0x237: {  	v47 =	vsub.f32 v27, v47;
	v44 =	vadd.s32 $0x1, v23;
	v4 =	vmul.f32 v4, v4;
	(pc) =	sbr.rel @!p3 .LBB2_25-.Ltmp8, $4  }
0x238: {  	v49 =	vld.idx.msk [tilespmem:v50+s6+$0x0], $0xffff;
	v6 =	vmul.f32 v6, v6;
	v43 =	vmul.f32 v63, v63;
	v5 =	vadd.f32 v5, v42  }
0x239: {  	v52 =	vmovc v31;
	v54 =	vmovc v30;
	vm0 =	vle.s32 v25, s15;
	v61 =	vld.idx.msk [tilespmem:v56+s6+$0x0], $0xffff;
	v51 =	vadd.s32 $0x1, v46;
	v48 =	vadd.s32 $0x2, v46  }
0x23a: {  	s17 =	sadd.s32 $0x1, s15;
	v59 =	vmul.f32 v47, v47;
	v53, _, _ =	vpop (xrf0);
	v58 =	vadd.f32 v43, v6;
	v42 =	vld.idx.msk [tilespmem:v23+s4+$0x0], $0xffff;
	v57 =	vadd.f32 v4, v5  }
0x23b: {  	p2 =	por $0x1, $0x1;
	[tilespmem:v32+s6+$0x0] =	vst.idx.msk $0x1, v22;
	vm1 =	vmand vm0, vm1;
	vm0 =	vle.s32 v25, s17;
	v47 =	vmov s17;
	v55, _, _ =	vpop (xrf0);
	v43 =	vld.idx.msk [tilespmem:v3+s4+$0x0], $0xffff  }
.LBB2_26:
0x23c: {  	v3 =	vld.idx.msk [tilespmem:v44+s4+$0x0], $0xffff;
	v4 =	vnsel vm1, $0x7F800000, v57;
	v5 =	vadd.f32 v59, v58;
	vm1 =	vlt.s32 v47, v26;
	s21 =	smov.u32 s19;
	s19 =	sadd.s32 $0x2, s19  }
0x23d: {  	v22 =	vbroadcast v55, $0xF;
	p3 =	slt.s32 s19, s13;
	v6 =	vld.idx.msk [tilespmem:v46+s4+$0x0], $0xffff;
	vm2 =	vlt.f32 v4, v36;
	vm0 =	vmand vm0, vm1;
	(xrf0) =	vmin.scan.msk.f32 $0xffff, v4  }
0x23e: {  	v23 =	vld.idx.msk [tilespmem:v51+s4+$0x0], $0xffff;
	v4 =	vsel vm2, v4, v36;
	v37 =	vsel vm2, s15, v37;
	v5 =	vnsel vm0, $0x7F800000, v5;
	s15 =	smov.u32 s16;
	s16 =	smov.u32 s21  }
0x23f: {  	v44 =	vbroadcast v53, $0xF;
	v22 =	vmin.f32 v49, v22;
	v48 =	vld.idx.msk [tilespmem:v48+s4+$0x0], $0xffff;
	vm0 =	vlt.f32 v5, v4;
	(xrf0) =	vmin.scan.msk.f32 $0xffff, v5  }
0x240: {  	s18 =	sadd.s32 $0x6, s18;
	v36 =	vsel vm0, v5, v4;
	v37 =	vsel vm0, s17, v37;
	v49 =	vld.idx.msk [tilespmem:v47+s6+$0x0], $0xffff;
	v4 =	vmin.f32 v52, v45;
	v52 =	vmovc v39  }
0x241: {  	v57 =	vmov s15;
	v5 =	vmov s18;
	vm0 =	vle.s32 v25, s15;
	v45 =	vmovc v44;
	v39 =	vmovc v61;
	[tilespmem:v50+s6+$0x0] =	vst.idx.msk $0x1, v22  }
0x242: {  	v42 =	vsub.f32 v29, v42;
	v22 =	vadd.s32 $0x2, v5;
	v3 =	vsub.f32 v28, v3;
	[tilespmem:v54+s6+$0x0] =	vst.idx.msk $0x1, v4  }
0x243: {  	v44 =	vadd.s32 $0x1, v5;
	v4 =	vsub.f32 v27, v43;
	v6 =	vsub.f32 v29, v6;
	v53, _, _ =	vpop (xrf0)  }
0x244: {  	s17 =	sadd.s32 $0x3, s18;
	v42 =	vmul.f32 v42, v42;
	v54 =	vmovc v35;
	v3 =	vmul.f32 v3, v3;
	v23 =	vsub.f32 v28, v23  }
.Ltmp9:
0x245: {  	v46 =	vmov s17;
	v4 =	vmul.f32 v4, v4;
	v43 =	vsub.f32 v27, v48;
	v55, _, _ =	vpop (xrf0);
	(pc) =	sbr.rel @p3 .LBB2_26-.Ltmp9, $4  }
0x246: {  	v6 =	vmul.f32 v6, v6;
	v3 =	vadd.f32 v3, v42;
	v23 =	vmul.f32 v23, v23;
	v61 =	vld.idx.msk [tilespmem:v57+s6+$0x0], $0xffff  }
0x247: {  	vm1 =	vlt.s32 v57, v26;
	v51 =	vadd.s32 $0x1, v46;
	v35 =	vmovc v56;
	v56 =	vmovc v57;
	v48 =	vadd.s32 $0x2, v46  }
0x248: {  	s17 =	sadd.s32 $0x1, s15;
	v59 =	vmul.f32 v43, v43;
	v57 =	vadd.f32 v4, v3;
	v58 =	vadd.f32 v23, v6;
	v42 =	vld.idx.msk [tilespmem:v5+s4+$0x0], $0xffff  }
0x249: {  	vm1 =	vmand vm0, vm1;
	v50 =	vmovc v47;
	vm0 =	vle.s32 v25, s17;
	v47 =	vmov s17;
	v43 =	vld.idx.msk [tilespmem:v22+s4+$0x0], $0xffff  }
0x24a: {  	_ = 	snop  }
0x24b: {  	v60 =	vmovc v39;
	v62 =	vmov v35;
	s19 =	smov.u32 s15;
	v35 =	vmov v56;
	v39 =	vmov v61  }
.LBB2_28:
0x24c: {  	_ =	sdelay $0x3  }
0x24d: {  	v3 =	vld.idx.msk [tilespmem:v44+s4+$0x0], $0xffff  }
0x24e: {  	v4 =	vld.idx.msk [tilespmem:v46+s4+$0x0], $0xffff  }
0x24f: {  	v5 =	vld.idx.msk [tilespmem:v51+s4+$0x0], $0xffff  }
0x250: {  	v6 =	vnsel @p0 vm1, $0x7F800000, v57;
	v22 =	vadd.f32 @p0 v59, v58  }
0x251: {  	vm1 =	vlt.s32 @p0 v47, v26;
	v23 =	vld.idx.msk [tilespmem:v48+s4+$0x0], $0xffff;
	v57 =	vmov s16;
	vm9 =	vle.s32 v25, s16  }
0x252: {  	v32 =	vpsel p0, v47, v32;
	vm2 =	vlt.f32 @p0 v6, v36;
	vm0 =	vmand @p0 vm0, vm1  }
0x253: {  	v42 =	vsub.f32 v29, v42;
	v36 =	vsel @p0 vm2, v6, v36;
	v3 =	vsub.f32 v28, v3  }
0x254: {  	v22 =	vnsel @p0 vm0, $0x7F800000, v22;
	v4 =	vsub.f32 v29, v4;
	v5 =	vsub.f32 v28, v5  }
0x255: {  	v43 =	vsub.f32 v27, v43;
	v42 =	vmul.f32 v42, v42;
	v3 =	vmul.f32 v3, v3  }
0x256: {  	s15 =	sadd.s32 $0x1, s16;
	(xrf0) =	vmin.scan.msk.f32 @p0 $0xffff, v6;
	v6 =	vsub.f32 v27, v23;
	v4 =	vmul.f32 v4, v4;
	v5 =	vmul.f32 v5, v5  }
0x257: {  	vm10 =	vlt.s32 v57, v26;
	vm11 =	vle.s32 v25, s15;
	(xrf0) =	vmin.scan.msk.f32 @p0 $0xffff, v22;
	v23 =	vmul.f32 v43, v43  }
0x258: {  	v3 =	vadd.f32 v3, v42;
	v4 =	vadd.f32 v5, v4;
	v5 =	vmul.f32 v6, v6  }
0x259: {  	v37 =	vsel @p0 vm2, s19, v37;
	vm0 =	vmand vm9, vm10;
	v6 =	vmov s15  }
0x25a: {  	v3 =	vadd.f32 v23, v3;
	v4 =	vadd.f32 v5, v4;
	v5 =	vbroadcast @p1 v55, $0xF  }
0x25b: {  	vm1 =	vlt.f32 @p0 v22, v36;
	v42 =	vbroadcast @p1 v53, $0xF;
	vm12 =	vlt.s32 v6, v26;
	v23 =	vld.idx.msk @p0 [tilespmem:v47+s6+$0x0], $0xffff  }
0x25c: {  	v43, _, _ =	vpop @p0 (xrf0);
	vm13 =	vmand vm11, vm12;
	v3 =	vnsel vm0, $0x7F800000, v3;
	v5 =	vmin.f32 @p1 v49, v5  }
0x25d: {  	v22 =	vsel @p0 vm1, v22, v36;
	v36 =	vmin.f32 @p2 v52, v45;
	v45, _, _ =	vpop @p0 (xrf0);
	v4 =	vnsel vm13, $0x7F800000, v4;
	(xrf0) =	vmin.scan.msk.f32 $0xffff, v3  }
0x25e: {  	v37 =	vsel @p0 vm1, s17, v37;
	v22 =	vpsel p0, v22, v33;
	v33 =	vpsel p0, v45, v41;
	(xrf0) =	vmin.scan.msk.f32 $0xffff, v4  }
0x25f: {  	v34 =	vpsel p0, v37, v34;
	v33 =	vbroadcast @p0 v33, $0xF;
	[tilespmem:v50+s6+$0x0] =	vst.idx.msk @p1 $0x1, v5;
	v5 =	vmovc @p1 v42;
	v42 =	vmov @p1 v62  }
0x260: {  	v37 =	vpsel p0, v43, v40;
	v23 =	vpsel p0, v23, v38;
	v40 =	vpsel p1, v42, v0  }
0x261: {  	v30 =	vpsel p0, v35, v30;
	v23 =	vmin.f32 @p0 v23, v33  }
0x262: {  	v46 =	vmov @p1 v60;
	v30 =	vpsel p0, v30, v0;
	v37 =	vbroadcast @p0 v37, $0xF;
	v58 =	vld.idx.msk [tilespmem:v6+s6+$0x0], $0xffff  }
0x263: {  	v60 =	vld.idx.msk [tilespmem:v57+s6+$0x0], $0xffff;
	v38 =	vpsel p1, v46, v0;
	v5 =	vpsel p1, v5, v0;
	v59, _, _ =	vpop (xrf0)  }
0x264: {  	v31 =	vpsel p0, v39, v31;
	v5 =	vmin.f32 @p1 v38, v5;
	[tilespmem:v32+s6+$0x0] =	vst.idx.msk @p0 $0x1, v23;
	v23 =	vmov @p0 v37;
	v61, _, _ =	vpop (xrf0)  }
.Ltmp10:
0x265: {  	v31 =	vpsel p0, v31, v0;
	v62 =	vbroadcast v61, $0xF;
	[tilespmem:v40+s6+$0x0] =	vst.idx.msk @p1 $0x1, v5;
	v5 =	vpsel p0, v23, v0;
	(pc) =	sbr.rel .LBB2_8-.Ltmp10, $4  }
0x266: {  	[tilespmem:v54+s6+$0x0] =	vst.idx.msk @p2 $0x1, v36;
	vm14 =	vlt.f32 v3, v22;
	v23 =	vbroadcast v59, $0xF;
	v5 =	vmin.f32 @p0 v31, v5  }
0x267: {  	v3 =	vsel vm14, v3, v22;
	v63 =	vmin.f32 v58, v62;
	[tilespmem:v30+s6+$0x0] =	vst.idx.msk @p0 $0x1, v5  }
0x268: {  	vm15 =	vlt.f32 v4, v3;
	v5 =	vmin.f32 v60, v23;
	[tilespmem:v6+s6+$0x0] =	vst.idx.msk $0x1, v63;
	v6 =	vsel vm14, s16, v34  }
0x269: {  	v31 =	vsel vm15, v4, v3;
	[tilespmem:v57+s6+$0x0] =	vst.idx.msk $0x1, v5;
	v30 =	vsel vm15, s15, v6  }
.LBB2_7:
0x26a: {  	v30 =	vimm.s32 $0x0;
	v31 =	vimm.f32 $+Inf  }
.LBB2_8:
0x26b: {  	p0 =	sge.s32 s13, s10  }
.Ltmp11:
0x26c: {  	_ = 	snop;
	(pc) =	sbr.rel @p0 .LBB2_11-.Ltmp11, $1  }
0x26d: {  	_ =	sdelay $0x3  }
0x26e: {  	s11 =	ssub.s32 s11, s14;
	s13 =	smul.u32 $0x3, s13  }
0x26f: {  	s11 =	ssub.s32 $0x0, s11  }
.LBB2_10:
0x270: {  	v3 =	vmov s13  }
0x271: {  	v4 =	vadd.s32 $0x1, v3;
	_ =	sdelay $0x1  }
0x272: {  	v5 =	vadd.s32 $0x2, v3;
	_ =	sdelay $0x1  }
0x273: {  	v3 =	vld.idx.msk [tilespmem:v3+s4+$0x0], $0xffff  }
0x274: {  	v4 =	vld.idx.msk [tilespmem:v4+s4+$0x0], $0xffff;
	_ =	sdelay $0x1  }
0x275: {  	v5 =	vld.idx.msk [tilespmem:v5+s4+$0x0], $0xffff;
	_ =	sdelay $0x2  }
0x276: {  	v3 =	vsub.f32 v29, v3;
	v4 =	vsub.f32 v28, v4;
	_ =	sdelay $0x1  }
0x277: {  	v5 =	vsub.f32 v27, v5;
	v3 =	vmul.f32 v3, v3;
	v4 =	vmul.f32 v4, v4;
	_ =	sdelay $0x1  }
0x278: {  	s14 =	sadd.s32 s11, s10;
	v3 =	vadd.f32 v4, v3;
	v4 =	vmul.f32 v5, v5  }
0x279: {  	v5 =	vmov s14  }
0x27a: {  	vm0 =	vle.s32 v25, s14;
	vm1 =	vlt.s32 v5, v26;
	v3 =	vadd.f32 v4, v3  }
0x27b: {  	vm0 =	vmand vm0, vm1  }
0x27c: {  	v3 =	vnsel vm0, $0x7F800000, v3  }
0x27d: {  	(xrf0) =	vmin.scan.msk.f32 $0xffff, v3;
	_ =	sdelay $0x3  }
0x27e: {  	s11 =	sadd.s32 $0x1, s11;
	v4 =	vld.idx.msk [tilespmem:v5+s6+$0x0], $0xffff  }
0x27f: {  	p0 =	seq.s32 s11, $0x0  }
.Ltmp12:
0x280: {  	v6, _, _ =	vpop (xrf0);
	(pc) =	sbr.rel @!p0 .LBB2_10-.Ltmp12, $3  }
0x281: {  	v6 =	vbroadcast v6, $0xF;
	_ =	sdelay $0x1  }
0x282: {  	vm0 =	vlt.f32 v3, v31;
	v4 =	vmin.f32 v4, v6  }
0x283: {  	s13 =	sadd.s32 $0x3, s13;
	v31 =	vsel vm0, v3, v31;
	v30 =	vsel vm0, s14, v30;
	[tilespmem:v5+s6+$0x0] =	vst.idx.msk $0x1, v4  }
.Ltmp13:
0x284: {  	_ = 	snop;
	(pc) =	sbr.rel .LBB2_11-.Ltmp13, $1  }
0x285: {  	_ =	sdelay $0x3  }
.LBB2_19:
.Ltmp14:
0x286: {  	(pc) =	sbr.rel .LBB2_28-.Ltmp14, $2  }
0x287: {  	_ =	sdelay $0x2  }
0x288: {  	v33 =	vimm.f32 $+Inf;
	v34 =	vimm.s32 $0x0  }
.LBB2_21:
.Ltmp15:
0x289: {  	_ = 	snop;
	(pc) =	sbr.rel .LBB2_28-.Ltmp15, $2  }
0x28a: {  	_ =	sdelay $0x2  }
0x28b: {  	v47 =	vmovc v32;
	s19 =	smov.u32 s16;
	v35 =	vmovc v30;
	s16 =	smov.u32 s18;
	v33 =	vimm.f32 $+Inf;
	v34 =	vimm.s32 $0x0;
	v39 =	vmov v31  }
.LBB2_23:
.Ltmp16:
0x28c: {  	(pc) =	sbr.rel .LBB2_28-.Ltmp16, $3  }
0x28d: {  	_ =	sdelay $0x1  }
0x28e: {  	v47 =	vmovc v50;
	v36 =	vmov v33;
	v55 =	vmov v41;
	v37 =	vmov v34  }
0x28f: {  	s19 =	smov.u32 s18;
	s16 =	smov.u32 s15;
	v53 =	vmovc v40;
	v60 =	vmovc v31;
	v50 =	vmov v32;
	v62 =	vmov v30;
	v49 =	vmov v38  }
.LBB2_25:
.Ltmp17:
0x290: {  	(pc) =	sbr.rel .LBB2_28-.Ltmp17, $3  }
0x291: {  	_ =	sdelay $0x1  }
0x292: {  	v60 =	vmov v39  }
0x293: {  	v62 =	vmovc v35;
	s19 =	smov.u32 s15;
	v52 =	vmovc v31;
	v54 =	vmov v30;
	v35 =	vmov v56;
	v39 =	vmov v61  }
.LBB2_12:
0x294: {  	s9 =	simm.s32 $0x2920  }
0x295: {  	v3 =	vld [tilespmem:s9+$0x10]  }
0x296: {  	v4 =	vld [tilespmem:s9+$0x0]  }
0x297: {  	v5 =	vld [tilespmem:s9+$0xFFFFFFE0];
	_ =	sdelay $0x1  }
0x298: {  	v6 =	vld [tilespmem:s9+$0xFFFFFFF0]  }
0x299: {  	v3 =	vsub.f32 $0.0e+00, v3  }
0x29a: {  	v4 =	vsub.f32 $0.0e+00, v4  }
0x29b: {  	v5 =	vsub.f32 $0.0e+00, v5;
	v3 =	vmul.f32 $1.442695020e+00, v3  }
0x29c: {  	v4 =	vmul.f32 $1.442695020e+00, v4  }
0x29d: {  	v6 =	vsub.f32 $0.0e+00, v6;
	v5 =	vmul.f32 $1.442695020e+00, v5;
	(erf) = vpow2.f32 v3  }
0x29e: {  	(erf) = vpow2.f32 v4  }
0x29f: {  	v3 =	vmul.f32 $1.442695020e+00, v6;
	(erf) = vpow2.f32 v5;
	_ =	sdelay $0x1  }
0x2a0: {  	(erf) = vpow2.f32 v3;
	_ =	sdelay $0x4  }
0x2a1: {  	v3 =	vpop (erf)  }
0x2a2: {  	v4 =	vpop (erf)  }
0x2a3: {  	s19 =	simm.s32 $0x2960;
	v5 =	vpop (erf)  }
0x2a4: {  	v28 =	vld [tilespmem:s19+$0x0];
	v5 =	vadd.f32 $1.000000000e+00, v5  }
0x2a5: {  	v25 =	vld [tilespmem:s19+$0x10];
	v23 =	vpop (erf)  }
0x2a6: {  	s10 =	sadd.s32 $0x10, s20;
	v23 =	vadd.f32 $1.000000000e+00, v23;
	(erf) = vrcp.f32 v5  }
0x2a7: {  	v22 =	vadd.s32 s20, v0;
	v26 =	vadd.s32 s10, v0;
	v29 =	vld [tilespmem:s19+$0xFFFFFFE0];
	v4 =	vadd.f32 $1.000000000e+00, v4  }
0x2a8: {  	s21 =	sadd.s32 $0x30, s20;
	vm0 =	vge.u32 v22, v1;
	vm3 =	vlt.u32 v22, v2;
	v22 =	vld [tilespmem:s19+$0xFFFFFFF0];
	(erf) = vrcp.f32 v23  }
0x2a9: {  	v5 =	vadd.s32 s21, v0;
	(erf) = vrcp.f32 v4;
	v4 =	vsub.f32 $0.0e+00, v28  }
0x2aa: {  	s9 =	simm.s32 $0x35A0;
	vm4 =	vge.u32 v5, v1;
	vm5 =	vlt.u32 v5, v2;
	v5 =	vsub.f32 $0.0e+00, v25  }
0x2ab: {  	vm6 =	vge.u32 v26, v1;
	v3 =	vadd.f32 $1.000000000e+00, v3;
	v25 =	vld [tilespmem:s9+$0xFFFFFFE0];
	v4 =	vmul.f32 $1.442695020e+00, v4  }
0x2ac: {  	s11 =	sadd.s32 $0x20, s20;
	vm7 =	vlt.u32 v26, v2;
	v26 =	vsub.f32 $0.0e+00, v29;
	v5 =	vmul.f32 $1.442695020e+00, v5  }
0x2ad: {  	v27 =	vadd.s32 s11, v0;
	(erf) = vrcp.f32 v3;
	v3 =	vsub.f32 $0.0e+00, v22  }
0x2ae: {  	vm1 =	vge.u32 v27, v1;
	v22 =	vmul.f32 $1.442695020e+00, v26;
	(erf) = vpow2.f32 v5  }
0x2af: {  	vm2 =	vlt.u32 v27, v2;
	v23 =	vld [tilespmem:s9+$0xFFFFFFF0];
	v3 =	vmul.f32 $1.442695020e+00, v3;
	(erf) = vpow2.f32 v4;
	v4 =	vpop (erf)  }
0x2b0: {  	vm3 =	vmand vm0, vm3;
	(erf) = vpow2.f32 v22;
	v22 =	vmul.f32 v4, v25  }
0x2b1: {  	vm15 =	vmand vm6, vm7;
	v6 =	vimm.f32 $0.0e+00;
	v5 =	vld [tilespmem:s9+$0x0];
	(erf) = vpow2.f32 v3  }
0x2b2: {  	v3 =	vnsel vm3, $0x0, v4;
	v4 =	vnsel vm3, $0x0, v25;
	v22 =	vnsel vm3, $0x0, v22  }
0x2b3: {  	vm1 =	vmand vm1, vm2;
	v25 =	vpop (erf);
	v4 =	vadd.f32 v4, v6;
	v22 =	vadd.f32 v22, v6  }
0x2b4: {  	v27 =	vld [tilespmem:s9+$0x10];
	v26 =	vnsel vm15, $0x0, v23;
	v3 =	vadd.f32 v3, v6;
	v23 =	vmul.f32 v25, v23  }
0x2b5: {  	vm14 =	vmand vm4, vm5;
	v6 =	vnsel vm15, $0x0, v25;
	v25 =	vpop (erf);
	v4 =	vadd.f32 v26, v4  }
0x2b6: {  	v3 =	vadd.f32 v6, v3;
	v6 =	vnsel vm15, $0x0, v23;
	v23 =	vmul.f32 v25, v5  }
0x2b7: {  	v25 =	vnsel vm1, $0x0, v25;
	v5 =	vnsel vm1, $0x0, v5;
	v6 =	vadd.f32 v6, v22;
	v22 =	vpop (erf)  }
0x2b8: {  	v4 =	vadd.f32 v5, v4;
	v3 =	vadd.f32 v25, v3;
	v5 =	vnsel vm14, $0x0, v22  }
0x2b9: {  	v23 =	vnsel vm1, $0x0, v23;
	v26 =	vmul.f32 v22, v27;
	v28 =	vpop (erf)  }
0x2ba: {  	v6 =	vadd.f32 v23, v6;
	v29 =	vpop (erf);
	v25 =	vadd.f32 v5, v3;
	v3 =	vnsel vm14, $0x0, v27  }
0x2bb: {  	s13 =	sadd.s32 $0x40, s20;
	s10 =	simm.s32 $0x4;
	s11 =	simm.s32 $0x29A0;
	v22 =	vnsel vm14, $0x0, v26;
	v27 =	vadd.f32 v3, v4;
	v5 =	vpop (erf)  }
0x2bc: {  	v30 =	vadd.s32 s13, v0;
	s15 =	sadd.s32 $0x10, s13;
	s16 =	sadd.s32 $0x20, s13;
	s14 =	sadd.s32 $0x30, s13;
	v26 =	vadd.f32 v22, v6;
	v31 =	vadd.f32 $1.000000000e+00, v5;
	v32 =	vpop (erf)  }
.LBB2_13:
0x2bd: {  	v3 =	vld [tilespmem:s11+$0x10];
	v4 =	vadd.s32 s15, v0;
	v5 =	vadd.s32 s16, v0;
	v6 =	vadd.s32 s14, v0  }
0x2be: {  	vm0 =	vge.u32 v30, v1;
	v23 =	vadd.f32 $1.000000000e+00, v32;
	v22 =	vld [tilespmem:s11+$0x0];
	(erf) = vrcp.f32 v31  }
0x2bf: {  	s10 =	sadd.s32 $0x4, s10;
	vm1 =	vlt.u32 v30, v2;
	vm2 =	vge.u32 v6, v1;
	vm3 =	vlt.u32 v6, v2;
	v31 =	vld [tilespmem:s11+$0xFFFFFFE0]  }
0x2c0: {  	v29 =	vadd.f32 $1.000000000e+00, v29;
	s9 =	sadd.s32 $0x40, s9;
	p0 =	slt.u32 s10, $0xC0;
	vm4 =	vge.u32 v5, v1;
	v6 =	vld [tilespmem:s11+$0xFFFFFFF0];
	(erf) = vrcp.f32 v23  }
0x2c1: {  	vm5 =	vge.u32 v4, v1;
	vm6 =	vlt.u32 v4, v2;
	vm7 =	vlt.u32 v5, v2;
	v4 =	vld [tilespmem:s9+$0x0]  }
0x2c2: {  	v23 =	vadd.f32 $1.000000000e+00, v28;
	v3 =	vsub.f32 $0.0e+00, v3;
	v5 =	vld [tilespmem:s9+$0xFFFFFFF0];
	(erf) = vrcp.f32 v29  }
0x2c3: {  	vm8 =	vmand vm0, vm1;
	vm0 =	vmand vm2, vm3;
	v22 =	vsub.f32 $0.0e+00, v22;
	v28 =	vld [tilespmem:s9+$0xFFFFFFE0]  }
0x2c4: {  	v29 =	vsub.f32 $0.0e+00, v31;
	v3 =	vmul.f32 $1.442695020e+00, v3;
	(erf) = vrcp.f32 v23  }
0x2c5: {  	vm1 =	vmand vm4, vm7;
	v6 =	vsub.f32 $0.0e+00, v6;
	v30 =	vmul.f32 $1.442695020e+00, v22  }
0x2c6: {  	vm2 =	vmand vm5, vm6;
	v23 =	vmul.f32 $1.442695020e+00, v29;
	(erf) = vpow2.f32 v3  }
0x2c7: {  	v3 =	vmul.f32 $1.442695020e+00, v6;
	(erf) = vpow2.f32 v30;
	v6 =	vnsel vm1, $0x0, v4;
	v22 =	vpop (erf)  }
0x2c8: {  	v29 =	vnsel vm2, $0x0, v5;
	(erf) = vpow2.f32 v23;
	v23 =	vmul.f32 v22, v28  }
0x2c9: {  	(erf) = vpow2.f32 v3;
	v3 =	vnsel vm8, $0x0, v22;
	v22 =	vnsel vm8, $0x0, v28;
	v30 =	vld [tilespmem:s9+$0x10];
	v28 =	vpop (erf)  }
0x2ca: {  	v3 =	vadd.f32 v3, v25;
	v23 =	vnsel vm8, $0x0, v23;
	v5 =	vmul.f32 v28, v5  }
0x2cb: {  	v22 =	vadd.f32 v22, v27;
	v27 =	vnsel vm2, $0x0, v28;
	v23 =	vadd.f32 v23, v26;
	v26 =	vpop (erf)  }
0x2cc: {  	v3 =	vadd.f32 v27, v3;
	v5 =	vnsel vm2, $0x0, v5;
	v4 =	vmul.f32 v26, v4  }
0x2cd: {  	v22 =	vadd.f32 v29, v22;
	v5 =	vadd.f32 v5, v23;
	v23 =	vnsel vm1, $0x0, v26;
	v25 =	vpop (erf)  }
.Ltmp18:
0x2ce: {  	v3 =	vadd.f32 v23, v3;
	v4 =	vnsel vm1, $0x0, v4;
	v23 =	vmul.f32 v25, v30;
	(pc) =	sbr.rel @p0 .LBB2_13-.Ltmp18, $4  }
0x2cf: {  	v28 =	vpop (erf);
	v4 =	vadd.f32 v4, v5;
	v5 =	vadd.f32 v6, v22;
	v6 =	vnsel vm0, $0x0, v25  }
0x2d0: {  	v29 =	vpop (erf);
	v25 =	vadd.f32 v6, v3;
	v3 =	vnsel vm0, $0x0, v23;
	v6 =	vnsel vm0, $0x0, v30  }
0x2d1: {  	s13 =	sadd.s32 $0x40, s13;
	s11 =	sadd.s32 $0x40, s11;
	v22 =	vpop (erf);
	v26 =	vadd.f32 v3, v4;
	v27 =	vadd.f32 v6, v5  }
0x2d2: {  	s15 =	sadd.s32 $0x10, s13;
	s16 =	sadd.s32 $0x20, s13;
	s14 =	sadd.s32 $0x30, s13;
	v30 =	vadd.s32 s13, v0;
	v31 =	vadd.f32 $1.000000000e+00, v22;
	v32 =	vpop (erf)  }
0x2d3: {  	v3 =	vadd.f32 $1.000000000e+00, v32  }
0x2d4: {  	(erf) = vrcp.f32 v31  }
0x2d5: {  	(erf) = vrcp.f32 v3  }
0x2d6: {  	v4 =	vadd.f32 $1.000000000e+00, v29  }
0x2d7: {  	s9 =	sadd.s32 $0x40, s9  }
0x2d8: {  	v5 =	vadd.s32 s16, v0;
	v6 =	vld [tilespmem:s9+$0xFFFFFFE0];
	(erf) = vrcp.f32 v4  }
0x2d9: {  	v22 =	vadd.s32 s14, v0;
	vm0 =	vge.u32 v30, v1;
	v23 =	vld [tilespmem:s9+$0xFFFFFFF0];
	v3 =	vadd.f32 $1.000000000e+00, v28  }
0x2da: {  	vm1 =	vlt.u32 v30, v2;
	vm2 =	vge.u32 v22, v1;
	v4 =	vadd.s32 s15, v0  }
0x2db: {  	vm3 =	vlt.u32 v22, v2;
	vm4 =	vge.u32 v5, v1;
	(erf) = vrcp.f32 v3  }
0x2dc: {  	vm7 =	vlt.u32 v5, v2;
	vm5 =	vge.u32 v4, v1;
	vm6 =	vlt.u32 v4, v2  }
0x2dd: {  	vm1 =	vmand vm0, vm1;
	vm13 =	vmand vm2, vm3;
	v3 =	vld [tilespmem:s9+$0x0];
	vm15 =	vmand vm5, vm6;
	v4 =	vpop (erf)  }
0x2de: {  	vm14 =	vmand vm4, vm7;
	v22 =	vnsel vm15, $0x0, v23;
	v5 =	vmul.f32 v4, v6;
	v29 =	vpop (erf)  }
0x2df: {  	v4 =	vnsel vm1, $0x0, v4;
	v6 =	vnsel vm1, $0x0, v6;
	v23 =	vmul.f32 v29, v23  }
0x2e0: {  	v28 =	vld [tilespmem:s9+$0x10];
	v4 =	vadd.f32 v4, v25;
	v6 =	vadd.f32 v6, v27;
	v5 =	vnsel vm1, $0x0, v5  }
0x2e1: {  	v25 =	vnsel vm15, $0x0, v29;
	v5 =	vadd.f32 v5, v26;
	v26 =	vpop (erf);
	v23 =	vnsel vm15, $0x0, v23  }
0x2e2: {  	v4 =	vadd.f32 v25, v4;
	v6 =	vadd.f32 v22, v6;
	v25 =	vmul.f32 v26, v3  }
0x2e3: {  	v22 =	vnsel vm14, $0x0, v26;
	v3 =	vnsel vm14, $0x0, v3;
	v5 =	vadd.f32 v23, v5  }
0x2e4: {  	v4 =	vadd.f32 v22, v4;
	v3 =	vadd.f32 v3, v6;
	v23 =	vpop (erf);
	v22 =	vnsel vm14, $0x0, v25  }
0x2e5: {  	v25 =	vmul.f32 v23, v28;
	v5 =	vadd.f32 v22, v5;
	v22 =	vnsel vm13, $0x0, v23  }
0x2e6: {  	v4 =	vadd.f32 v22, v4;
	v22 =	vnsel vm13, $0x0, v28  }
0x2e7: {  	[tilespmem:$0x4280] =	vst v24;
	v6 =	vnsel vm13, $0x0, v25;
	v3 =	vadd.f32 v22, v3  }
0x2e8: {  	v5 =	vadd.f32 v6, v5;
	[tilespmem:$0x4290] =	vst v4  }
0x2e9: {  	[tilespmem:$0x42B0] =	vst v3  }
0x2ea: {  	s21 =	simm.s32 $0x0;
	s10 =	rddreg [dreg:$0xd];
	s11 =	simm.s32 $0x4280;
	[tilespmem:$0x42A0] =	vst v5  }
0x2eb: {  	[hbm4b:s10+s21] =	stream.linear.scatter [tilespmem:s11], [sflag:$0x2], $0x40, $0x38;
	[tilespmem:$0x4B80] =	vst v63  }
0x2ec: {  	_ =	swait.ge [sflag:s7], $0x40  }
0x2ed: {  	s14 =	simm.s32 $0x80;
	[sflag:s7] =	ssyncset.done $0x0  }
0x2ee: {  	s15 =	simm.s32 $0x400;
	s13 =	rddreg [dreg:$0xe];
	[sflag:s7] =	ssyncadd.s32 $0xFFFFFFC0  }
0x2ef: {  	[spmem:s13] =	stream.strided.scatter [tilespmem:s6], [sflag:$0x2], $0x400, s15, s14, $0x38;
	[tilespmem:$0x4B80] =	vst v63  }
0x2f0: {  	_ =	swait.ge [sflag:s7], $0x400  }
0x2f1: {  	[sflag:s7] =	ssyncset.done $0x0  }
0x2f2: {  	[sflag:s7] =	ssyncadd.s32 $0xFFFFFC00  }
0x2f3: {  	s16 =	simm.s32 $0x4300;
	[bflag:$0x0] =	sbarrier.arrive $0xFFFF  }
0x2f4: {  	[tilespmem:s16], [sflag:$0x2] =	stream.linear.gather [spmem:s12], $0x40, $0x38;
	[tilespmem:$0x4B80] =	vst v63  }
0x2f5: {  	_ =	swait.ge [sflag:s7], $0x40  }
0x2f6: {  	[sflag:s7] =	ssyncset.done $0x0  }
0x2f7: {  	s18 =	simm.s32 $0x4340;
	s17 =	rddreg [dreg:$0xf];
	[sflag:s7] =	ssyncadd.s32 $0xFFFFFFC0  }
0x2f8: {  	[tilespmem:s18], [sflag:$0x2] =	stream.linear.gather [spmem:s17], $0x40, $0x38;
	[tilespmem:$0x4B80] =	vst v63  }
0x2f9: {  	_ =	swait.ge [sflag:s7], $0x40  }
0x2fa: {  	[sflag:s7] =	ssyncset.done $0x0  }
0x2fb: {  	s21 =	simm.s32 $0x4380;
	s19 =	rddreg [dreg:$0x16];
	[sflag:s7] =	ssyncadd.s32 $0xFFFFFFC0  }
0x2fc: {  	[tilespmem:s21], [sflag:$0x2] =	stream.linear.gather [spmem:s19], $0x40, $0x38;
	[tilespmem:$0x4B80] =	vst v63  }
0x2fd: {  	_ =	swait.ge [sflag:s7], $0x40  }
0x2fe: {  	[sflag:s7] =	ssyncset.done $0x0  }
0x2ff: {  	s11 =	simm.s32 $0x43C0;
	[sflag:s7] =	ssyncadd.s32 $0xFFFFFFC0  }
0x300: {  	[tilespmem:s11], [sflag:$0x2] =	stream.linear.gather [spmem:s22], $0x40, $0x38;
	[tilespmem:$0x4B80] =	vst v63  }
0x301: {  	_ =	swait.ge [sflag:s7], $0x40  }
0x302: {  	[sflag:s7] =	ssyncset.done $0x0  }
0x303: {  	s14 =	simm.s32 $0x4400;
	s13 =	rddreg [dreg:$0x10];
	[sflag:s7] =	ssyncadd.s32 $0xFFFFFFC0  }
0x304: {  	[tilespmem:s14], [sflag:$0x2] =	stream.linear.gather [spmem:s13], $0x40, $0x38;
	[tilespmem:$0x4B80] =	vst v63  }
0x305: {  	_ =	swait.ge [sflag:s7], $0x40  }
0x306: {  	[sflag:s7] =	ssyncset.done $0x0  }
0x307: {  	s16 =	simm.s32 $0x4440;
	s15 =	rddreg [dreg:$0x11];
	[sflag:s7] =	ssyncadd.s32 $0xFFFFFFC0  }
0x308: {  	[tilespmem:s16], [sflag:$0x2] =	stream.linear.gather [spmem:s15], $0x40, $0x38;
	[tilespmem:$0x4B80] =	vst v63  }
0x309: {  	_ =	swait.ge [sflag:s7], $0x40  }
0x30a: {  	[sflag:s7] =	ssyncset.done $0x0  }
0x30b: {  	s18 =	simm.s32 $0x4480;
	s17 =	rddreg [dreg:$0x12];
	[sflag:s7] =	ssyncadd.s32 $0xFFFFFFC0  }
0x30c: {  	[tilespmem:s18], [sflag:$0x2] =	stream.linear.gather [spmem:s17], $0x40, $0x38;
	[tilespmem:$0x4B80] =	vst v63  }
0x30d: {  	_ =	swait.ge [sflag:s7], $0x40  }
0x30e: {  	[sflag:s7] =	ssyncset.done $0x0  }
0x30f: {  	s21 =	simm.s32 $0x44C0;
	s19 =	rddreg [dreg:$0x13];
	[sflag:s7] =	ssyncadd.s32 $0xFFFFFFC0  }
0x310: {  	[tilespmem:s21], [sflag:$0x2] =	stream.linear.gather [spmem:s19], $0x40, $0x38;
	[tilespmem:$0x4B80] =	vst v63  }
0x311: {  	_ =	swait.ge [sflag:s7], $0x40  }
0x312: {  	[sflag:s7] =	ssyncset.done $0x0  }
0x313: {  	s11 =	simm.s32 $0x4500;
	[sflag:s7] =	ssyncadd.s32 $0xFFFFFFC0  }
0x314: {  	[tilespmem:s11], [sflag:$0x2] =	stream.linear.gather [spmem:s23], $0x40, $0x38;
	[tilespmem:$0x4B80] =	vst v63  }
0x315: {  	_ =	swait.ge [sflag:s7], $0x40  }
0x316: {  	[sflag:s7] =	ssyncset.done $0x0  }
0x317: {  	s13 =	simm.s32 $0x4540;
	[sflag:s7] =	ssyncadd.s32 $0xFFFFFFC0  }
0x318: {  	[tilespmem:s13], [sflag:$0x2] =	stream.linear.gather [spmem:s24], $0x40, $0x38;
	[tilespmem:$0x4B80] =	vst v63  }
0x319: {  	_ =	swait.ge [sflag:s7], $0x40  }
0x31a: {  	[sflag:s7] =	ssyncset.done $0x0  }
0x31b: {  	s14 =	simm.s32 $0x4580;
	[sflag:s7] =	ssyncadd.s32 $0xFFFFFFC0  }
0x31c: {  	[tilespmem:s14], [sflag:$0x2] =	stream.linear.gather [spmem:s25], $0x40, $0x38;
	[tilespmem:$0x4B80] =	vst v63  }
0x31d: {  	_ =	swait.ge [sflag:s7], $0x40  }
0x31e: {  	[sflag:s7] =	ssyncset.done $0x0  }
0x31f: {  	s15 =	simm.s32 $0x45C0;
	[sflag:s7] =	ssyncadd.s32 $0xFFFFFFC0  }
0x320: {  	[tilespmem:s15], [sflag:$0x2] =	stream.linear.gather [spmem:s26], $0x40, $0x38;
	[tilespmem:$0x4B80] =	vst v63  }
0x321: {  	_ =	swait.ge [sflag:s7], $0x40  }
0x322: {  	[sflag:s7] =	ssyncset.done $0x0  }
0x323: {  	s16 =	simm.s32 $0x4600;
	[sflag:s7] =	ssyncadd.s32 $0xFFFFFFC0  }
0x324: {  	[tilespmem:s16], [sflag:$0x2] =	stream.linear.gather [spmem:s28], $0x40, $0x38;
	[tilespmem:$0x4B80] =	vst v63  }
0x325: {  	_ =	swait.ge [sflag:s7], $0x40  }
0x326: {  	[sflag:s7] =	ssyncset.done $0x0  }
0x327: {  	s17 =	simm.s32 $0x4640;
	[sflag:s7] =	ssyncadd.s32 $0xFFFFFFC0  }
0x328: {  	[tilespmem:s17], [sflag:$0x2] =	stream.linear.gather [spmem:s29], $0x40, $0x38;
	[tilespmem:$0x4B80] =	vst v63  }
0x329: {  	_ =	swait.ge [sflag:s7], $0x40  }
0x32a: {  	[sflag:s7] =	ssyncset.done $0x0  }
0x32b: {  	s18 =	simm.s32 $0x4680;
	[sflag:s7] =	ssyncadd.s32 $0xFFFFFFC0  }
0x32c: {  	[tilespmem:s18], [sflag:$0x2] =	stream.linear.gather [spmem:s30], $0x40, $0x38;
	[tilespmem:$0x4B80] =	vst v63  }
0x32d: {  	_ =	swait.ge [sflag:s7], $0x40  }
0x32e: {  	[sflag:s7] =	ssyncset.done $0x0  }
0x32f: {  	s19 =	simm.s32 $0x46C0;
	[sflag:s7] =	ssyncadd.s32 $0xFFFFFFC0  }
0x330: {  	[tilespmem:s19], [sflag:$0x2] =	stream.linear.gather [spmem:s31], $0x40, $0x38;
	[tilespmem:$0x4B80] =	vst v63  }
0x331: {  	_ =	swait.ge [sflag:s7], $0x40  }
0x332: {  	[sflag:s7] =	ssyncset.done $0x0  }
0x333: {  	s21 =	simm.s32 $0x0;
	[sflag:s7] =	ssyncadd.s32 $0xFFFFFFC0  }
0x334: {  	v25 =	vld [tilespmem:s21+$0x4330]  }
0x335: {  	v30 =	vld [tilespmem:s21+$0x4300]  }
0x336: {  	v31 =	vimm.f32 $+Inf;
	v28 =	vld [tilespmem:s21+$0x4310]  }
0x337: {  	v24 =	vimm.f32 $+Inf;
	s9 =	simm.s32 $0x100;
	v29 =	vimm.f32 $+Inf;
	v27 =	vimm.f32 $+Inf;
	v26 =	vld [tilespmem:s21+$0x4320]  }
.LBB2_15:
0x338: {  	p0 =	sne.s32 s9, $0xF00  }
.Ltmp19:
0x339: {  	s10 =	sshra.s32 s9, $0x2;
	s9 =	sadd.s32 $0x100, s9;
	v24 =	vmin.f32 v24, v25;
	(pc) =	sbr.rel @p0 .LBB2_15-.Ltmp19, $4  }
0x33a: {  	v25 =	vld [tilespmem:s10+$0x4330];
	v31 =	vmin.f32 v31, v30  }
0x33b: {  	v30 =	vld [tilespmem:s10+$0x4300];
	v29 =	vmin.f32 v29, v28  }
0x33c: {  	v28 =	vld [tilespmem:s10+$0x4310];
	v27 =	vmin.f32 v27, v26  }
0x33d: {  	v26 =	vld [tilespmem:s10+$0x4320]  }
0x33e: {  	v5 =	vld [tilespmem:$0x1FFC0]  }
0x33f: {  	v6 =	vld [tilespmem:$0x1FFD0]  }
0x340: {  	v4 =	vimm.s32 $0x1  }
0x341: {  	v23 =	vld [tilespmem:$0x1FFE0];
	_ =	sdelay $0x1  }
0x342: {  	v22 =	vimm.s32 $0x2  }
0x343: {  	v3 =	vld.msk [tilespmem:s0+$0x0], $0xffff  }
0x344: {  	v4 =	vld.idx.msk [tilespmem:v4+s0+$0x0], $0xffff  }
0x345: {  	v5 =	vld.idx.msk [tilespmem:v5+s4+$0x0], $0xffff  }
0x346: {  	v6 =	vld.idx.msk [tilespmem:v6+s4+$0x0], $0xffff  }
0x347: {  	v22 =	vld.idx.msk [tilespmem:v22+s0+$0x0], $0xffff  }
0x348: {  	v23 =	vld.idx.msk [tilespmem:v23+s4+$0x0], $0xffff;
	_ =	sdelay $0x2  }
0x349: {  	v5 =	vsub.f32 v5, v3;
	v6 =	vsub.f32 v6, v4;
	_ =	sdelay $0x1  }
0x34a: {  	v23 =	vsub.f32 v23, v22;
	v5 =	vmul.f32 v5, v5;
	v6 =	vmul.f32 v6, v6;
	_ =	sdelay $0x1  }
0x34b: {  	v5 =	vadd.f32 v6, v5;
	v6 =	vmul.f32 v23, v23;
	_ =	sdelay $0x1  }
0x34c: {  	v23 =	vmin.f32 v31, v30;
	v5 =	vadd.f32 v6, v5  }
0x34d: {  	vm0 =	vclass.f32 v23, $0x102  }
0x34e: {  	v5 =	vsel vm0, v5, v23  }
0x34f: {  	[tilespmem:$0x4700] =	vst v5;
	v5 =	vld [tilespmem:$0x1FFF0];
	_ =	sdelay $0x6  }
0x350: {  	v6 =	vld.idx.msk [tilespmem:v7+s4+$0x0], $0xffff  }
0x351: {  	v5 =	vld.idx.msk [tilespmem:v5+s4+$0x0], $0xffff;
	_ =	sdelay $0x1  }
0x352: {  	v23 =	vld.idx.msk [tilespmem:v8+s4+$0x0], $0xffff;
	_ =	sdelay $0x2  }
0x353: {  	v6 =	vsub.f32 v6, v4;
	v5 =	vsub.f32 v5, v3;
	_ =	sdelay $0x1  }
0x354: {  	v23 =	vsub.f32 v23, v22;
	v6 =	vmul.f32 v6, v6;
	v5 =	vmul.f32 v5, v5;
	_ =	sdelay $0x1  }
0x355: {  	v5 =	vadd.f32 v6, v5;
	v6 =	vmul.f32 v23, v23;
	_ =	sdelay $0x1  }
0x356: {  	v23 =	vmin.f32 v29, v28;
	v5 =	vadd.f32 v6, v5  }
0x357: {  	vm13 =	vclass.f32 v23, $0x102  }
0x358: {  	v5 =	vsel vm13, v5, v23  }
0x359: {  	[tilespmem:$0x4710] =	vst v5  }
0x35a: {  	v5 =	vld.idx.msk [tilespmem:v9+s4+$0x0], $0xffff  }
0x35b: {  	v6 =	vld.idx.msk [tilespmem:v10+s4+$0x0], $0xffff;
	_ =	sdelay $0x1  }
0x35c: {  	v23 =	vld.idx.msk [tilespmem:v11+s4+$0x0], $0xffff;
	_ =	sdelay $0x2  }
0x35d: {  	v5 =	vsub.f32 v5, v3;
	v6 =	vsub.f32 v6, v4;
	_ =	sdelay $0x1  }
0x35e: {  	v23 =	vsub.f32 v23, v22;
	v5 =	vmul.f32 v5, v5;
	v6 =	vmul.f32 v6, v6;
	_ =	sdelay $0x1  }
0x35f: {  	v5 =	vadd.f32 v6, v5;
	v6 =	vmul.f32 v23, v23;
	_ =	sdelay $0x1  }
0x360: {  	v23 =	vmin.f32 v27, v26;
	v5 =	vadd.f32 v6, v5  }
0x361: {  	vm14 =	vclass.f32 v23, $0x102  }
0x362: {  	v5 =	vsel vm14, v5, v23  }
0x363: {  	[tilespmem:$0x4720] =	vst v5  }
0x364: {  	v5 =	vld.idx.msk [tilespmem:v12+s4+$0x0], $0xffff  }
0x365: {  	v6 =	vld.idx.msk [tilespmem:v13+s4+$0x0], $0xffff;
	_ =	sdelay $0x1  }
0x366: {  	v23 =	vld.idx.msk [tilespmem:v14+s4+$0x0], $0xffff;
	_ =	sdelay $0x2  }
0x367: {  	v3 =	vsub.f32 v5, v3;
	v4 =	vsub.f32 v6, v4;
	_ =	sdelay $0x1  }
0x368: {  	v5 =	vsub.f32 v23, v22;
	v3 =	vmul.f32 v3, v3;
	v4 =	vmul.f32 v4, v4;
	_ =	sdelay $0x1  }
0x369: {  	v3 =	vadd.f32 v4, v3;
	v4 =	vmul.f32 v5, v5;
	_ =	sdelay $0x1  }
0x36a: {  	v5 =	vmin.f32 v24, v25;
	v3 =	vadd.f32 v4, v3  }
0x36b: {  	vm15 =	vclass.f32 v5, $0x102  }
0x36c: {  	v3 =	vsel vm15, v3, v5  }
0x36d: {  	s9 =	rddreg [dreg:$0x14];
	s10 =	simm.s32 $0x4700;
	[tilespmem:$0x4730] =	vst v3  }
0x36e: {  	[hbm4b:s9+s4] =	stream.linear.scatter [tilespmem:s10], [sflag:$0x2], $0x40, $0x38;
	[tilespmem:$0x4B80] =	vst v63  }
0x36f: {  	_ =	swait.ge [sflag:s7], $0x40  }
0x370: {  	s8 =	sadd.s32 $0x1, s8;
	s21 =	rddreg [dreg:$0x15]  }
0x371: {  	p0 =	sne.s32 s8, s21  }
.Ltmp20:
0x372: {  	_ = 	snop;
	(pc) =	sbr.rel @p0 .LBB2_1-.Ltmp20, $3  }
0x373: {  	_ =	sdelay $0x1  }
0x374: {  	[sflag:s7] =	ssyncset.done $0x0  }
0x375: {  	[sflag:s7] =	ssyncadd.s32 $0xFFFFFFC0  }
0x376: {  	_ =	sfence.sel $0x180000  }
0x377: {  	[bflag:$0x0] =	sbarrier.arrive $0xFFFF  }
0x378: {  	_ =	strace $0x90000047  }
0x379: {  	s0 =	stileid.u32;
	[bflag:$0x2] =	sbarrier.arrive $0xFFFF  }
0x37a: {  	p0 =	sne.s32 s0, $0x0;
	s0 =	rddreg [dreg:$0x7]  }
0x37b: {  	s0 =	sadd.s32 @!p0 $0x100000, s0  }
0x37c: {  	[sflag:s0] =	ssyncadd.tile.s32 @!p0 $0x1;
	_ =	shalt  }
.Lfunc_end2:
_tile_overlayer_lowered:
.L_overlay_start_2:
0x37d: {  	(tag) =	ssettag $0x2  }
0x37e: {  	s0 =	rddreg [dreg:$0x0];
	s2 =	stileid.u32  }
0x37f: {  	s1 =	rddreg [dreg:$0x1];
	p0 =	sne.s32 s2, $0x0  }
0x380: {  	s3 =	rddreg [dreg:$0x2];
	[bflag:$0x3] =	sbarrier.arrive $0xFFFF;
	s2 =	simm.s32 @!p0 $0x1C02  }
0x381: {  	[timem:s3], [sflag:s2] =	dma.local @!p0 [hbm:s0], s1  }
0x382: {  	s0 =	simm.s32 @!p0 $0x2  }
0x383: {  	_ =	swait.ge @!p0 [sflag:s0], s1  }
0x384: {  	s1 =	ssub.s32 @!p0 $0x0, s1;
	[sflag:s0] =	ssyncset.done @!p0 $0x0  }
0x385: {  	[sflag:s0] =	ssyncadd.s32 @!p0 s1  }
0x386: {  	[bflag:$0x3] =	sbarrier.arrive $0xFFFF  }
0x387: {  	_ =	shalt  }

</sc_bundles>
